<compile_context>
chip_gen: v7x
topology: tpu7x:2x2x1
jax: 0.10.2.dev20260603
libtpu: 0.0.44.dev20260713+nightly
codegen_flags: <defaults>
</compile_context>

<pallas_src>
import functools

import jax
import jax.numpy as jnp
from jax import lax
from jax.experimental import pallas as pl
from jax.experimental.pallas import tpu as pltpu
from jax.experimental.pallas import tpu_sc as plsc

_NUM_SC_CORES = 2
_NUM_SC_SUBCORES = 16
_NCH = 1
_G_NBUF = 2
_S_NBUF = 5
_SCATTER_W = 40
_EDGE_BLK = 2000


def _proj_body(x_ref, w_ref, out_ref):
    out_ref[0] = jnp.dot(x_ref[...], w_ref[0],
                         preferred_element_type=jnp.float32)


def _proj(x_pad, wstack, block=2048):
    n_pad, c = x_pad.shape
    return pl.pallas_call(
        _proj_body,
        grid=(2, n_pad // block),
        in_specs=[
            pl.BlockSpec((block, c), lambda i, j: (j, 0)),
            pl.BlockSpec((1, c, c), lambda i, j: (i, 0, 0)),
        ],
        out_specs=pl.BlockSpec((1, block, c), lambda i, j: (i, j, 0)),
        out_shape=jax.ShapeDtypeStruct((2, n_pad, c), jnp.float32),
    )(x_pad, wstack)


def _sc_gather(tables, idxp, kc, e_ch):
    _, n_pad, c = tables.shape
    e_pad = idxp.shape[1]
    w = 128
    ns = _NUM_SC_SUBCORES
    nb = _G_NBUF
    per_sub = e_pad // (ns * w)
    iters = per_sub // nb
    rows_tab = n_pad // ns
    mesh = plsc.VectorSubcoreMesh(core_axis_name="c", subcore_axis_name="s")

    scratch = ([pltpu.VMEM((w,), jnp.int32)] * nb
               + [pltpu.VMEM((w, c), jnp.float32)] * nb
               + [pltpu.SemaphoreType.DMA] * (2 * nb)
               + [pltpu.VMEM_SHARED((n_pad, c), jnp.float32)])

    @functools.partial(
        pl.kernel,
        out_type=jax.ShapeDtypeStruct((_NUM_SC_CORES, e_ch, c), jnp.float32),
        mesh=mesh,
        scratch_types=scratch,
    )
    def k(tab_hbm, idx_hbm, out_hbm, *sc):
        idx_v = sc[0:nb]
        rows_v = sc[nb:2 * nb]
        isem = sc[2 * nb:3 * nb]
        osem = sc[3 * nb:4 * nb]
        tab_sh = sc[4 * nb]
        cid = lax.axis_index("c")
        sid = lax.axis_index("s")
        pltpu.sync_copy(tab_hbm.at[cid].at[pl.ds(sid * rows_tab, rows_tab)],
                        tab_sh.at[pl.ds(sid * rows_tab, rows_tab)])
        plsc.subcore_barrier()
        start = sid * per_sub

        for u in range(nb):
            pltpu.async_copy(
                idx_hbm.at[cid * _NCH + kc].at[pl.ds((start + u) * w, w)], idx_v[u],
                isem[u])

        @pl.loop(0, iters)
        def _(ci):
            for u in range(nb):
                base = (start + ci * nb + u) * w

                @pl.when(jnp.logical_and(ci > 0, base - nb * w < e_ch))
                def _():
                    pltpu.make_async_copy(
                        rows_v[u],
                        out_hbm.at[cid].at[pl.ds(base - nb * w, w)],
                        osem[u]).wait()

                pltpu.make_async_copy(
                    idx_hbm.at[cid * _NCH + kc].at[pl.ds(base, w)], idx_v[u],
                    isem[u]).wait()
                pltpu.sync_copy(tab_sh.at[idx_v[u]], rows_v[u])

                @pl.when(base < e_ch)
                def _():
                    pltpu.async_copy(
                        rows_v[u], out_hbm.at[cid].at[pl.ds(base, w)],
                        osem[u])

                @pl.when(ci < iters - 1)
                def _():
                    pltpu.async_copy(
                        idx_hbm.at[cid * _NCH + kc].at[pl.ds(base + nb * w, w)],
                        idx_v[u], isem[u])

        for u in range(nb):
            last = (start + (iters - 1) * nb + u) * w

            @pl.when(last < e_ch)
            def _():
                pltpu.make_async_copy(
                    rows_v[u], out_hbm.at[cid].at[pl.ds(last, w)],
                    osem[u]).wait()

    return k(tables, idxp)


def _edge_body(ga_ref, gb_ref, ea_ref, w1_ref, b1_ref, w2_ref,
               b2_ref, g_ref, bt_ref, out_ref):
    ea = ea_ref[...]
    pre = (ga_ref[0] + gb_ref[0]
           + jnp.dot(ea, w1_ref[...], preferred_element_type=jnp.float32)
           + b1_ref[...])
    h = pre * jax.nn.sigmoid(pre)
    h2 = jnp.dot(h, w2_ref[...], preferred_element_type=jnp.float32) + b2_ref[...]
    mu = jnp.mean(h2, axis=-1, keepdims=True)
    zc = h2 - mu
    var = jnp.mean(zc * zc, axis=-1, keepdims=True)
    out_ref[...] = zc * lax.rsqrt(var + 1e-5) * g_ref[...] + bt_ref[...] + ea


def _edge_mlp(gab, ea_arr, w1c, b1, w2, b2, g, bt):
    block = _EDGE_BLK
    _, e, c = gab.shape
    row = lambda v: v.reshape(1, c)
    aspec = pl.BlockSpec((1, block, c), lambda i: (0, i, 0))
    bspec2 = pl.BlockSpec((1, block, c), lambda i: (1, i, 0))
    bspec = pl.BlockSpec((block, c), lambda i: (i, 0))
    wspec = pl.BlockSpec((c, c), lambda i: (0, 0))
    vspec = pl.BlockSpec((1, c), lambda i: (0, 0))
    return pl.pallas_call(
        _edge_body,
        grid=(e // block,),
        in_specs=[aspec, bspec2, bspec, wspec, vspec, wspec, vspec, vspec,
                  vspec],
        out_specs=bspec,
        out_shape=jax.ShapeDtypeStruct((e, c), jnp.float32),
    )(gab, gab, ea_arr, w1c, row(b1), w2, row(b2), row(g), row(bt))


def _sc_scatter(edges, dst, zeros):
    e, c = edges.shape
    n = zeros.shape[0]
    w = _SCATTER_W
    nb = _S_NBUF
    nw = _NUM_SC_CORES * _NUM_SC_SUBCORES
    per_tile = e // nw
    chunks = per_tile // w
    iters = chunks // nb
    assert chunks % nb == 0 and per_tile % w == 0
    rows_per_sub = n // _NUM_SC_SUBCORES
    assert rows_per_sub % 8 == 0
    mesh = plsc.VectorSubcoreMesh(core_axis_name="c", subcore_axis_name="s")

    scratch = ([pltpu.VMEM((w,), jnp.int32)] * nb
               + [pltpu.VMEM((w, c), jnp.float32)] * nb
               + [pltpu.SemaphoreType.DMA] * (2 * nb)
               + [pltpu.VMEM_SHARED((n, c), jnp.float32)])

    @functools.partial(
        pl.kernel,
        out_type=jax.ShapeDtypeStruct((_NUM_SC_CORES, n, c), jnp.float32),
        mesh=mesh,
        scratch_types=scratch,
    )
    def k(edges_hbm, dst_hbm, zeros_hbm, out_hbm, *sc):
        idx_v = sc[0:nb]
        rows_v = sc[nb:2 * nb]
        isem = sc[2 * nb:3 * nb]
        esem = sc[3 * nb:4 * nb]
        acc_sh = sc[4 * nb]
        cid = lax.axis_index("c")
        sid = lax.axis_index("s")
        wid = sid * _NUM_SC_CORES + cid
        row0 = sid * rows_per_sub
        pltpu.sync_copy(zeros_hbm.at[pl.ds(row0, rows_per_sub)],
                        acc_sh.at[pl.ds(row0, rows_per_sub)])
        plsc.subcore_barrier()
        tbase = wid * per_tile
        dbase = tbase

        for u in range(nb):
            pltpu.async_copy(dst_hbm.at[pl.ds(dbase + u * w, w)], idx_v[u],
                             isem[u])
            pltpu.async_copy(edges_hbm.at[pl.ds(tbase + u * w, w)], rows_v[u],
                             esem[u])

        @pl.loop(0, iters)
        def _(ci):
            for u in range(nb):
                off = (ci * nb + u) * w
                pltpu.make_async_copy(dst_hbm.at[pl.ds(dbase + off, w)],
                                      idx_v[u], isem[u]).wait()
                pltpu.make_async_copy(edges_hbm.at[pl.ds(tbase + off, w)],
                                      rows_v[u], esem[u]).wait()
                pltpu.sync_copy(rows_v[u], acc_sh.at[idx_v[u]], add=True)

                @pl.when(ci < iters - 1)
                def _():
                    pltpu.async_copy(
                        dst_hbm.at[pl.ds(dbase + off + nb * w, w)], idx_v[u],
                        isem[u])
                    pltpu.async_copy(
                        edges_hbm.at[pl.ds(tbase + off + nb * w, w)],
                        rows_v[u], esem[u])

        plsc.subcore_barrier()
        pltpu.sync_copy(acc_sh.at[pl.ds(row0, rows_per_sub)],
                        out_hbm.at[cid].at[pl.ds(row0, rows_per_sub)])

    return k(edges, dst, zeros)


def _node_body(*refs):
    x_ref = refs[0]
    agg_refs = refs[1:-8]
    (wa_ref, wb_ref, b1_ref, w2_ref, b2_ref, g_ref, bt_ref,
     out_ref) = refs[-8:]
    x = x_ref[...]
    agg = agg_refs[0][0]
    for r in agg_refs[1:]:
        agg = agg + r[0]
    pre = (jnp.dot(x, wa_ref[...], preferred_element_type=jnp.float32)
           + jnp.dot(agg, wb_ref[...], preferred_element_type=jnp.float32)
           + b1_ref[...])
    h = pre * jax.nn.sigmoid(pre)
    h2 = jnp.dot(h, w2_ref[...], preferred_element_type=jnp.float32) + b2_ref[...]
    mu = jnp.mean(h2, axis=-1, keepdims=True)
    zc = h2 - mu
    var = jnp.mean(zc * zc, axis=-1, keepdims=True)
    out_ref[...] = zc * lax.rsqrt(var + 1e-5) * g_ref[...] + bt_ref[...] + x


def _node_mlp(x, aggs, wa, wb, b1, w2, b2, g, bt, block=2000):
    n, c = x.shape
    row = lambda v: v.reshape(1, c)
    bspec = pl.BlockSpec((block, c), lambda i: (i, 0))
    a0 = pl.BlockSpec((1, block, c), lambda i: (0, i, 0))
    a1 = pl.BlockSpec((1, block, c), lambda i: (1, i, 0))
    wspec = pl.BlockSpec((c, c), lambda i: (0, 0))
    vspec = pl.BlockSpec((1, c), lambda i: (0, 0))
    agg_args = []
    agg_specs = []
    for a in aggs:
        agg_args += [a, a]
        agg_specs += [a0, a1]
    return pl.pallas_call(
        _node_body,
        grid=(n // block,),
        in_specs=[bspec] + agg_specs + [wspec, wspec, vspec, wspec, vspec,
                                        vspec, vspec],
        out_specs=bspec,
        out_shape=jax.ShapeDtypeStruct((n, c), jnp.float32),
    )(x, *agg_args, wa, wb, row(b1), w2, row(b2), row(g), row(bt))


def kernel(x, edge_attr, edge_index, shapes, e_W1, e_b1, e_W2, e_b2, e_g,
           e_bt, n_W1, n_b1, n_W2, n_b2, n_g, n_bt):
    n, c = x.shape
    num_layers = e_W1.shape[0]
    src = edge_index[0]
    dst = edge_index[1]
    e = src.shape[0]
    e_ch = e // _NCH
    assert e % (_NCH * 128) == 0 and e_ch % _EDGE_BLK == 0
    n_pad = ((n + 2047) // 2048) * 2048
    stride = 128 * _NUM_SC_SUBCORES * _G_NBUF
    e_pad = ((e_ch + stride - 1) // stride) * stride
    idxp = jnp.pad(jnp.stack([dst, src]).reshape(2 * _NCH, e_ch),
                   ((0, 0), (0, e_pad - e_ch)))
    zeros = jnp.zeros((n_pad, c), jnp.float32)
    x_out = x
    ea = edge_attr
    for l in range(num_layers):
        w1 = e_W1[l]
        x_pad = jnp.pad(x_out, ((0, n_pad - n), (0, 0)))
        tables = _proj(x_pad, jnp.stack([w1[:c], w1[c:2 * c]]))
        gab = _sc_gather(tables, idxp, 0, e)
        buf = _edge_mlp(gab, ea, w1[2 * c:], e_b1[l], e_W2[l], e_b2[l],
                        e_g[l], e_bt[l])
        agg = _sc_scatter(buf, dst, zeros)
        nw1 = n_W1[l]
        x_out = _node_mlp(x_out, [agg], nw1[:c], nw1[c:], n_b1[l], n_W2[l],
                          n_b2[l], n_g[l], n_bt[l])
        ea = buf
    return (x_out, ea)

# --- scband reference (transcript-rebuilt; emitter-appended) ---
"""Pipeline reference for scband-gnnprocessor-chunk-58162447122555 (READ-ONLY COPY).

The authoritative reference and input builder live on the scoring server;
editing this copy changes nothing except your own understanding.
"""

import jax, jax.numpy as jnp
import numpy as np

N = 10000
E = 320000
C = 128
L = 2


def _mlp(h, W1, b1, W2, b2, g, beta):
    # anemoi MLP: Linear -> SiLU -> Linear -> LayerNorm
    h = jax.nn.silu(h @ W1 + b1)
    h = h @ W2 + b2
    mu = jnp.mean(h, axis=-1, keepdims=True)
    var = jnp.var(h, axis=-1, keepdims=True)
    return (h - mu) / jnp.sqrt(var + 1e-5) * g + beta


def setup_inputs(seed: int = 0):
    key = jax.random.key(seed)
    ks = jax.random.split(key, 8)
    x = jax.random.normal(ks[0], (N, C), dtype=jnp.float32)
    edge_attr = jax.random.normal(ks[1], (E, C), dtype=jnp.float32)
    edge_index = jax.random.randint(ks[2], (2, E), 0, N)
    shapes = jnp.ones((3,), dtype=jnp.int32)  # placeholder; unused when model_comm_group is None
    s1 = (3 * C) ** -0.5
    s2 = (2 * C) ** -0.5
    s3 = C ** -0.5
    e_W1 = jax.random.normal(ks[3], (L, 3 * C, C), dtype=jnp.float32) * s1
    e_b1 = jnp.zeros((L, C), dtype=jnp.float32)
    e_W2 = jax.random.normal(ks[4], (L, C, C), dtype=jnp.float32) * s3
    e_b2 = jnp.zeros((L, C), dtype=jnp.float32)
    e_g = jnp.ones((L, C), dtype=jnp.float32)
    e_bt = jnp.zeros((L, C), dtype=jnp.float32)
    n_W1 = jax.random.normal(ks[5], (L, 2 * C, C), dtype=jnp.float32) * s2
    n_b1 = jnp.zeros((L, C), dtype=jnp.float32)
    n_W2 = jax.random.normal(ks[6], (L, C, C), dtype=jnp.float32) * s3
    n_b2 = jnp.zeros((L, C), dtype=jnp.float32)
    n_g = jnp.ones((L, C), dtype=jnp.float32)
    n_bt = jnp.zeros((L, C), dtype=jnp.float32)
    return {"x": x, "edge_attr": edge_attr, "edge_index": edge_index, "shapes": shapes,
            "e_W1": e_W1, "e_b1": e_b1, "e_W2": e_W2, "e_b2": e_b2, "e_g": e_g, "e_bt": e_bt,
            "n_W1": n_W1, "n_b1": n_b1, "n_W2": n_W2, "n_b2": n_b2, "n_g": n_g, "n_bt": n_bt}


def reference(x, edge_attr, edge_index, shapes, e_W1, e_b1, e_W2, e_b2, e_g, e_bt, n_W1, n_b1, n_W2, n_b2, n_g, n_bt):
    # GNNProcessorChunk.forward with edge_dim=None (no emb_edges), model_comm_group=None
    src = edge_index[0]  # x_j (source, PyG flow source_to_target)
    dst = edge_index[1]  # x_i (target)
    x_out = x * 1.0
    ea = edge_attr
    for l in range(L):
        # GraphConv.message: edge_mlp(cat[x_i, x_j, edge_attr]) + edge_attr
        x_i = x_out[dst]
        x_j = x_out[src]
        edges_new = _mlp(jnp.concatenate([x_i, x_j, ea], axis=-1),
                         e_W1[l], e_b1[l], e_W2[l], e_b2[l], e_g[l], e_bt[l]) + ea
        # GraphConv.aggregate: scatter-add over dst
        agg = jax.ops.segment_sum(edges_new, dst, num_segments=N)
        # GraphConvProcessorBlock: node_mlp(cat[x, agg]) + x_skip
        x_out = _mlp(jnp.concatenate([x_out, agg], axis=-1),
                     n_W1[l], n_b1[l], n_W2[l], n_b2[l], n_g[l], n_bt[l]) + x_out
        ea = edges_new
    return (x_out, ea)

if __name__ == "__main__":
    import jax
    _d = setup_inputs()
    print(jax.jit(kernel)(*tuple(_d.values())))

</pallas_src>

<mosaic_0001>
#map = affine_map<(d0, d1) -> (0, 0)>
#map1 = affine_map<(d0, d1) -> (0)>
#map2 = affine_map<(d0, d1) -> (0, 0, 0)>
module attributes {stable_mosaic.version = 14 : i64} {
  func.func @k(%arg0: i32, %arg1: i32, %arg2: memref<320000x128xf32, #tpu.memory_space<hbm>>, %arg3: memref<320000xi32, #tpu.memory_space<hbm>>, %arg4: memref<10240x128xf32, #tpu.memory_space<hbm>>, %arg5: memref<2x10240x128xf32, #tpu.memory_space<hbm>>, %arg6: memref<40xi32, #tpu.memory_space<vmem>>, %arg7: memref<40xi32, #tpu.memory_space<vmem>>, %arg8: memref<40xi32, #tpu.memory_space<vmem>>, %arg9: memref<40xi32, #tpu.memory_space<vmem>>, %arg10: memref<40xi32, #tpu.memory_space<vmem>>, %arg11: memref<40x128xf32, #tpu.memory_space<vmem>>, %arg12: memref<40x128xf32, #tpu.memory_space<vmem>>, %arg13: memref<40x128xf32, #tpu.memory_space<vmem>>, %arg14: memref<40x128xf32, #tpu.memory_space<vmem>>, %arg15: memref<40x128xf32, #tpu.memory_space<vmem>>, %arg16: memref<!tpu.dma_semaphore, #tpu.memory_space<semaphore_mem>>, %arg17: memref<!tpu.dma_semaphore, #tpu.memory_space<semaphore_mem>>, %arg18: memref<!tpu.dma_semaphore, #tpu.memory_space<semaphore_mem>>, %arg19: memref<!tpu.dma_semaphore, #tpu.memory_space<semaphore_mem>>, %arg20: memref<!tpu.dma_semaphore, #tpu.memory_space<semaphore_mem>>, %arg21: memref<!tpu.dma_semaphore, #tpu.memory_space<semaphore_mem>>, %arg22: memref<!tpu.dma_semaphore, #tpu.memory_space<semaphore_mem>>, %arg23: memref<!tpu.dma_semaphore, #tpu.memory_space<semaphore_mem>>, %arg24: memref<!tpu.dma_semaphore, #tpu.memory_space<semaphore_mem>>, %arg25: memref<!tpu.dma_semaphore, #tpu.memory_space<semaphore_mem>>, %arg26: memref<10240x128xf32, #tpu.memory_space<vmem_shared>>) attributes {dimension_semantics = [#tpu.dimension_semantics<core_parallel>, #tpu.dimension_semantics<subcore_parallel>], iteration_bounds = array<i64: 2, 16>, scalar_prefetch = 0 : i64, scratch_operands = 21 : i64, tpu.core_type = #tpu.core_type<sc_vector_subcore>, window_params = [{transform_indices = #map}, {transform_indices = #map1}, {transform_indices = #map}, {transform_indices = #map2}]} {
    %mul3A = arith.constant 2 : i32
    %mul3A_0 = arith.muli %arg1, %mul3A : i32
    %add3A = arith.addi %mul3A_0, %arg0 : i32
    %mul3A_1 = arith.constant 640 : i32
    %mul3A_2 = arith.muli %arg1, %mul3A_1 : i32
    "tpu.region"() ({
      %run_scoped3A = tpu.sem_alloc : memref<!tpu.dma_semaphore, #tpu.memory_space<semaphore_mem>>
      %dma_start3A_59 = arith.constant 0 : i32
      %dma_start3A_60 = tpu.memref_slice %arg26[%mul3A_2, %dma_start3A_59] : memref<10240x128xf32, #tpu.memory_space<vmem_shared>> -> memref<640x128xf32, #tpu.memory_space<vmem_shared>>
      %dma_start3A_61 = arith.constant 0 : i32
      %dma_start3A_62 = tpu.memref_slice %arg4[%mul3A_2, %dma_start3A_61] : memref<10240x128xf32, #tpu.memory_space<hbm>> -> memref<640x128xf32, #tpu.memory_space<hbm>>
      tpu.enqueue_dma source(%dma_start3A_62 : memref<640x128xf32, #tpu.memory_space<hbm>>) target(%dma_start3A_60 : memref<640x128xf32, #tpu.memory_space<vmem_shared>>) target_semaphore(%run_scoped3A : memref<!tpu.dma_semaphore, #tpu.memory_space<semaphore_mem>>)
      %dma_wait3A = arith.constant 0 : i32
      %dma_wait3A_63 = tpu.memref_slice %arg26[%mul3A_2, %dma_wait3A] : memref<10240x128xf32, #tpu.memory_space<vmem_shared>> -> memref<640x128xf32, #tpu.memory_space<vmem_shared>>
      %dma_wait3A_64 = arith.constant 0 : i32
      %dma_wait3A_65 = tpu.memref_slice %arg4[%mul3A_2, %dma_wait3A_64] : memref<10240x128xf32, #tpu.memory_space<hbm>> -> memref<640x128xf32, #tpu.memory_space<hbm>>
      tpu.wait_dma2 semaphore(%run_scoped3A : memref<!tpu.dma_semaphore, #tpu.memory_space<semaphore_mem>>) src(%dma_wait3A_65 : memref<640x128xf32, #tpu.memory_space<hbm>>) dst(%dma_wait3A_63 : memref<640x128xf32, #tpu.memory_space<vmem_shared>>)
      tpu.yield
    }) : () -> ()
    %barrier3A = arith.constant 0 : index
    tpu.barrier barrier_id(%barrier3A)
    %mul3A_3 = arith.constant 10000 : i32
    %mul3A_4 = arith.muli %add3A, %mul3A_3 : i32
    %add3A_5 = arith.constant 0 : i32
    %add3A_6 = arith.addi %mul3A_4, %add3A_5 : i32
    %dma_start3A = tpu.memref_slice %arg3[%add3A_6] : memref<320000xi32, #tpu.memory_space<hbm>> -> memref<40xi32, #tpu.memory_space<hbm>>
    %dma_start3A_7 = tpu.memref_slice %arg3[%add3A_6] : memref<320000xi32, #tpu.memory_space<hbm>> -> memref<40xi32, #tpu.memory_space<hbm>>
    tpu.enqueue_dma source(%dma_start3A_7 : memref<40xi32, #tpu.memory_space<hbm>>) target(%arg6 : memref<40xi32, #tpu.memory_space<vmem>>) target_semaphore(%arg16 : memref<!tpu.dma_semaphore, #tpu.memory_space<semaphore_mem>>)
    %add3A_8 = arith.constant 0 : i32
    %add3A_9 = arith.addi %mul3A_4, %add3A_8 : i32
    %dma_start3A_10 = arith.constant 0 : i32
    %dma_start3A_11 = tpu.memref_slice %arg2[%add3A_9, %dma_start3A_10] : memref<320000x128xf32, #tpu.memory_space<hbm>> -> memref<40x128xf32, #tpu.memory_space<hbm>>
    %dma_start3A_12 = arith.constant 0 : i32
    %dma_start3A_13 = tpu.memref_slice %arg2[%add3A_9, %dma_start3A_12] : memref<320000x128xf32, #tpu.memory_space<hbm>> -> memref<40x128xf32, #tpu.memory_space<hbm>>
    tpu.enqueue_dma source(%dma_start3A_13 : memref<40x128xf32, #tpu.memory_space<hbm>>) target(%arg11 : memref<40x128xf32, #tpu.memory_space<vmem>>) target_semaphore(%arg21 : memref<!tpu.dma_semaphore, #tpu.memory_space<semaphore_mem>>)
    %add3A_14 = arith.constant 40 : i32
    %add3A_15 = arith.addi %mul3A_4, %add3A_14 : i32
    %dma_start3A_16 = tpu.memref_slice %arg3[%add3A_15] : memref<320000xi32, #tpu.memory_space<hbm>> -> memref<40xi32, #tpu.memory_space<hbm>>
    %dma_start3A_17 = tpu.memref_slice %arg3[%add3A_15] : memref<320000xi32, #tpu.memory_space<hbm>> -> memref<40xi32, #tpu.memory_space<hbm>>
    tpu.enqueue_dma source(%dma_start3A_17 : memref<40xi32, #tpu.memory_space<hbm>>) target(%arg7 : memref<40xi32, #tpu.memory_space<vmem>>) target_semaphore(%arg17 : memref<!tpu.dma_semaphore, #tpu.memory_space<semaphore_mem>>)
    %add3A_18 = arith.constant 40 : i32
    %add3A_19 = arith.addi %mul3A_4, %add3A_18 : i32
    %dma_start3A_20 = arith.constant 0 : i32
    %dma_start3A_21 = tpu.memref_slice %arg2[%add3A_19, %dma_start3A_20] : memref<320000x128xf32, #tpu.memory_space<hbm>> -> memref<40x128xf32, #tpu.memory_space<hbm>>
    %dma_start3A_22 = arith.constant 0 : i32
    %dma_start3A_23 = tpu.memref_slice %arg2[%add3A_19, %dma_start3A_22] : memref<320000x128xf32, #tpu.memory_space<hbm>> -> memref<40x128xf32, #tpu.memory_space<hbm>>
    tpu.enqueue_dma source(%dma_start3A_23 : memref<40x128xf32, #tpu.memory_space<hbm>>) target(%arg12 : memref<40x128xf32, #tpu.memory_space<vmem>>) target_semaphore(%arg22 : memref<!tpu.dma_semaphore, #tpu.memory_space<semaphore_mem>>)
    %add3A_24 = arith.constant 80 : i32
    %add3A_25 = arith.addi %mul3A_4, %add3A_24 : i32
    %dma_start3A_26 = tpu.memref_slice %arg3[%add3A_25] : memref<320000xi32, #tpu.memory_space<hbm>> -> memref<40xi32, #tpu.memory_space<hbm>>
    %dma_start3A_27 = tpu.memref_slice %arg3[%add3A_25] : memref<320000xi32, #tpu.memory_space<hbm>> -> memref<40xi32, #tpu.memory_space<hbm>>
    tpu.enqueue_dma source(%dma_start3A_27 : memref<40xi32, #tpu.memory_space<hbm>>) target(%arg8 : memref<40xi32, #tpu.memory_space<vmem>>) target_semaphore(%arg18 : memref<!tpu.dma_semaphore, #tpu.memory_space<semaphore_mem>>)
    %add3A_28 = arith.constant 80 : i32
    %add3A_29 = arith.addi %mul3A_4, %add3A_28 : i32
    %dma_start3A_30 = arith.constant 0 : i32
    %dma_start3A_31 = tpu.memref_slice %arg2[%add3A_29, %dma_start3A_30] : memref<320000x128xf32, #tpu.memory_space<hbm>> -> memref<40x128xf32, #tpu.memory_space<hbm>>
    %dma_start3A_32 = arith.constant 0 : i32
    %dma_start3A_33 = tpu.memref_slice %arg2[%add3A_29, %dma_start3A_32] : memref<320000x128xf32, #tpu.memory_space<hbm>> -> memref<40x128xf32, #tpu.memory_space<hbm>>
    tpu.enqueue_dma source(%dma_start3A_33 : memref<40x128xf32, #tpu.memory_space<hbm>>) target(%arg13 : memref<40x128xf32, #tpu.memory_space<vmem>>) target_semaphore(%arg23 : memref<!tpu.dma_semaphore, #tpu.memory_space<semaphore_mem>>)
    %add3A_34 = arith.constant 120 : i32
    %add3A_35 = arith.addi %mul3A_4, %add3A_34 : i32
    %dma_start3A_36 = tpu.memref_slice %arg3[%add3A_35] : memref<320000xi32, #tpu.memory_space<hbm>> -> memref<40xi32, #tpu.memory_space<hbm>>
    %dma_start3A_37 = tpu.memref_slice %arg3[%add3A_35] : memref<320000xi32, #tpu.memory_space<hbm>> -> memref<40xi32, #tpu.memory_space<hbm>>
    tpu.enqueue_dma source(%dma_start3A_37 : memref<40xi32, #tpu.memory_space<hbm>>) target(%arg9 : memref<40xi32, #tpu.memory_space<vmem>>) target_semaphore(%arg19 : memref<!tpu.dma_semaphore, #tpu.memory_space<semaphore_mem>>)
    %add3A_38 = arith.constant 120 : i32
    %add3A_39 = arith.addi %mul3A_4, %add3A_38 : i32
    %dma_start3A_40 = arith.constant 0 : i32
    %dma_start3A_41 = tpu.memref_slice %arg2[%add3A_39, %dma_start3A_40] : memref<320000x128xf32, #tpu.memory_space<hbm>> -> memref<40x128xf32, #tpu.memory_space<hbm>>
    %dma_start3A_42 = arith.constant 0 : i32
    %dma_start3A_43 = tpu.memref_slice %arg2[%add3A_39, %dma_start3A_42] : memref<320000x128xf32, #tpu.memory_space<hbm>> -> memref<40x128xf32, #tpu.memory_space<hbm>>
    tpu.enqueue_dma source(%dma_start3A_43 : memref<40x128xf32, #tpu.memory_space<hbm>>) target(%arg14 : memref<40x128xf32, #tpu.memory_space<vmem>>) target_semaphore(%arg24 : memref<!tpu.dma_semaphore, #tpu.memory_space<semaphore_mem>>)
    %add3A_44 = arith.constant 160 : i32
    %add3A_45 = arith.addi %mul3A_4, %add3A_44 : i32
    %dma_start3A_46 = tpu.memref_slice %arg3[%add3A_45] : memref<320000xi32, #tpu.memory_space<hbm>> -> memref<40xi32, #tpu.memory_space<hbm>>
    %dma_start3A_47 = tpu.memref_slice %arg3[%add3A_45] : memref<320000xi32, #tpu.memory_space<hbm>> -> memref<40xi32, #tpu.memory_space<hbm>>
    tpu.enqueue_dma source(%dma_start3A_47 : memref<40xi32, #tpu.memory_space<hbm>>) target(%arg10 : memref<40xi32, #tpu.memory_space<vmem>>) target_semaphore(%arg20 : memref<!tpu.dma_semaphore, #tpu.memory_space<semaphore_mem>>)
    %add3A_48 = arith.constant 160 : i32
    %add3A_49 = arith.addi %mul3A_4, %add3A_48 : i32
    %dma_start3A_50 = arith.constant 0 : i32
    %dma_start3A_51 = tpu.memref_slice %arg2[%add3A_49, %dma_start3A_50] : memref<320000x128xf32, #tpu.memory_space<hbm>> -> memref<40x128xf32, #tpu.memory_space<hbm>>
    %dma_start3A_52 = arith.constant 0 : i32
    %dma_start3A_53 = tpu.memref_slice %arg2[%add3A_49, %dma_start3A_52] : memref<320000x128xf32, #tpu.memory_space<hbm>> -> memref<40x128xf32, #tpu.memory_space<hbm>>
    tpu.enqueue_dma source(%dma_start3A_53 : memref<40x128xf32, #tpu.memory_space<hbm>>) target(%arg15 : memref<40x128xf32, #tpu.memory_space<vmem>>) target_semaphore(%arg25 : memref<!tpu.dma_semaphore, #tpu.memory_space<semaphore_mem>>)
    %scan3A = arith.constant 0 : i32
    %scan3A_54 = arith.constant 50 : i32
    %scan3A_55 = arith.addi %scan3A, %scan3A_54 : i32
    %scan3A_56 = arith.constant 1 : i32
    scf.for %scan3A_59 = %scan3A to %scan3A_55 step %scan3A_56  : i32 {
      %mul3A_60 = arith.constant 1 : i32
      %mul3A_61 = arith.muli %scan3A_59, %mul3A_60 : i32
      %add3A_62 = arith.constant 0 : i32
      %add3A_63 = arith.addi %add3A_62, %mul3A_61 : i32
      %mul3A_64 = arith.constant 5 : i32
      %mul3A_65 = arith.muli %add3A_63, %mul3A_64 : i32
      %add3A_66 = arith.constant 0 : i32
      %add3A_67 = arith.addi %mul3A_65, %add3A_66 : i32
      %mul3A_68 = arith.constant 40 : i32
      %mul3A_69 = arith.muli %add3A_67, %mul3A_68 : i32
      %add3A_70 = arith.addi %mul3A_4, %mul3A_69 : i32
      %dma_wait3A = tpu.memref_slice %arg3[%add3A_70] : memref<320000xi32, #tpu.memory_space<hbm>> -> memref<40xi32, #tpu.memory_space<hbm>>
      %dma_wait3A_71 = tpu.memref_slice %arg3[%add3A_70] : memref<320000xi32, #tpu.memory_space<hbm>> -> memref<40xi32, #tpu.memory_space<hbm>>
      tpu.wait_dma2 semaphore(%arg16 : memref<!tpu.dma_semaphore, #tpu.memory_space<semaphore_mem>>) src(%dma_wait3A_71 : memref<40xi32, #tpu.memory_space<hbm>>) dst(%arg6 : memref<40xi32, #tpu.memory_space<vmem>>)
      %add3A_72 = arith.addi %mul3A_4, %mul3A_69 : i32
      %dma_wait3A_73 = arith.constant 0 : i32
      %dma_wait3A_74 = tpu.memref_slice %arg2[%add3A_72, %dma_wait3A_73] : memref<320000x128xf32, #tpu.memory_space<hbm>> -> memref<40x128xf32, #tpu.memory_space<hbm>>
      %dma_wait3A_75 = arith.constant 0 : i32
      %dma_wait3A_76 = tpu.memref_slice %arg2[%add3A_72, %dma_wait3A_75] : memref<320000x128xf32, #tpu.memory_space<hbm>> -> memref<40x128xf32, #tpu.memory_space<hbm>>
      tpu.wait_dma2 semaphore(%arg21 : memref<!tpu.dma_semaphore, #tpu.memory_space<semaphore_mem>>) src(%dma_wait3A_76 : memref<40x128xf32, #tpu.memory_space<hbm>>) dst(%arg11 : memref<40x128xf32, #tpu.memory_space<vmem>>)
      "tpu.region"() ({
        %run_scoped3A = tpu.sem_alloc : memref<!tpu.dma_semaphore, #tpu.memory_space<semaphore_mem>>
        %dma_start3A_155 = arith.constant 0 : i32
        %dma_start3A_156 = arith.constant 0 : i32
        %dma_start3A_157 = tpu.memref_slice %arg26[%dma_start3A_155, %dma_start3A_156] : memref<10240x128xf32, #tpu.memory_space<vmem_shared>> -> memref<10240x128xf32, #tpu.memory_space<vmem_shared>>
        tpu.enqueue_indirect_dma source(%arg11 : memref<40x128xf32, #tpu.memory_space<vmem>>) target(%dma_start3A_157 : memref<10240x128xf32, #tpu.memory_space<vmem_shared>>) offsets(%arg6 : memref<40xi32, #tpu.memory_space<vmem>>) semaphore(%run_scoped3A : memref<!tpu.dma_semaphore, #tpu.memory_space<semaphore_mem>>) {add = true}
        %dma_wait3A_158 = arith.constant 0 : i32
        %dma_wait3A_159 = arith.constant 0 : i32
        %dma_wait3A_160 = tpu.memref_slice %arg26[%dma_wait3A_158, %dma_wait3A_159] : memref<10240x128xf32, #tpu.memory_space<vmem_shared>> -> memref<10240x128xf32, #tpu.memory_space<vmem_shared>>
        tpu.wait_indirect_dma semaphore(%run_scoped3A : memref<!tpu.dma_semaphore, #tpu.memory_space<semaphore_mem>>) src(%arg11 : memref<40x128xf32, #tpu.memory_space<vmem>>) dst(%dma_wait3A_160 : memref<10240x128xf32, #tpu.memory_space<vmem_shared>>)
        tpu.yield
      }) : () -> ()
      %lt3A = arith.constant 49 : i32
      %lt3A_77 = arith.cmpi slt, %add3A_63, %lt3A : i32
      %convert_element_type3A = arith.extui %lt3A_77 : i1 to i32
      %cond3A = arith.constant 0 : i32
      %cond3A_78 = arith.cmpi ne, %convert_element_type3A, %cond3A : i32
      scf.if %cond3A_78 {
        %add3A_155 = arith.addi %mul3A_4, %mul3A_69 : i32
        %add3A_156 = arith.constant 200 : i32
        %add3A_157 = arith.addi %add3A_155, %add3A_156 : i32
        %dma_start3A_158 = tpu.memref_slice %arg3[%add3A_157] : memref<320000xi32, #tpu.memory_space<hbm>> -> memref<40xi32, #tpu.memory_space<hbm>>
        %dma_start3A_159 = tpu.memref_slice %arg3[%add3A_157] : memref<320000xi32, #tpu.memory_space<hbm>> -> memref<40xi32, #tpu.memory_space<hbm>>
        tpu.enqueue_dma source(%dma_start3A_159 : memref<40xi32, #tpu.memory_space<hbm>>) target(%arg6 : memref<40xi32, #tpu.memory_space<vmem>>) target_semaphore(%arg16 : memref<!tpu.dma_semaphore, #tpu.memory_space<semaphore_mem>>)
        %add3A_160 = arith.addi %mul3A_4, %mul3A_69 : i32
        %add3A_161 = arith.constant 200 : i32
        %add3A_162 = arith.addi %add3A_160, %add3A_161 : i32
        %dma_start3A_163 = arith.constant 0 : i32
        %dma_start3A_164 = tpu.memref_slice %arg2[%add3A_162, %dma_start3A_163] : memref<320000x128xf32, #tpu.memory_space<hbm>> -> memref<40x128xf32, #tpu.memory_space<hbm>>
        %dma_start3A_165 = arith.constant 0 : i32
        %dma_start3A_166 = tpu.memref_slice %arg2[%add3A_162, %dma_start3A_165] : memref<320000x128xf32, #tpu.memory_space<hbm>> -> memref<40x128xf32, #tpu.memory_space<hbm>>
        tpu.enqueue_dma source(%dma_start3A_166 : memref<40x128xf32, #tpu.memory_space<hbm>>) target(%arg11 : memref<40x128xf32, #tpu.memory_space<vmem>>) target_semaphore(%arg21 : memref<!tpu.dma_semaphore, #tpu.memory_space<semaphore_mem>>)
      } else {
      }
      %mul3A_79 = arith.constant 5 : i32
      %mul3A_80 = arith.muli %add3A_63, %mul3A_79 : i32
      %add3A_81 = arith.constant 1 : i32
      %add3A_82 = arith.addi %mul3A_80, %add3A_81 : i32
      %mul3A_83 = arith.constant 40 : i32
      %mul3A_84 = arith.muli %add3A_82, %mul3A_83 : i32
      %add3A_85 = arith.addi %mul3A_4, %mul3A_84 : i32
      %dma_wait3A_86 = tpu.memref_slice %arg3[%add3A_85] : memref<320000xi32, #tpu.memory_space<hbm>> -> memref<40xi32, #tpu.memory_space<hbm>>
      %dma_wait3A_87 = tpu.memref_slice %arg3[%add3A_85] : memref<320000xi32, #tpu.memory_space<hbm>> -> memref<40xi32, #tpu.memory_space<hbm>>
      tpu.wait_dma2 semaphore(%arg17 : memref<!tpu.dma_semaphore, #tpu.memory_space<semaphore_mem>>) src(%dma_wait3A_87 : memref<40xi32, #tpu.memory_space<hbm>>) dst(%arg7 : memref<40xi32, #tpu.memory_space<vmem>>)
      %add3A_88 = arith.addi %mul3A_4, %mul3A_84 : i32
      %dma_wait3A_89 = arith.constant 0 : i32
      %dma_wait3A_90 = tpu.memref_slice %arg2[%add3A_88, %dma_wait3A_89] : memref<320000x128xf32, #tpu.memory_space<hbm>> -> memref<40x128xf32, #tpu.memory_space<hbm>>
      %dma_wait3A_91 = arith.constant 0 : i32
      %dma_wait3A_92 = tpu.memref_slice %arg2[%add3A_88, %dma_wait3A_91] : memref<320000x128xf32, #tpu.memory_space<hbm>> -> memref<40x128xf32, #tpu.memory_space<hbm>>
      tpu.wait_dma2 semaphore(%arg22 : memref<!tpu.dma_semaphore, #tpu.memory_space<semaphore_mem>>) src(%dma_wait3A_92 : memref<40x128xf32, #tpu.memory_space<hbm>>) dst(%arg12 : memref<40x128xf32, #tpu.memory_space<vmem>>)
      "tpu.region"() ({
        %run_scoped3A = tpu.sem_alloc : memref<!tpu.dma_semaphore, #tpu.memory_space<semaphore_mem>>
        %dma_start3A_155 = arith.constant 0 : i32
        %dma_start3A_156 = arith.constant 0 : i32
        %dma_start3A_157 = tpu.memref_slice %arg26[%dma_start3A_155, %dma_start3A_156] : memref<10240x128xf32, #tpu.memory_space<vmem_shared>> -> memref<10240x128xf32, #tpu.memory_space<vmem_shared>>
        tpu.enqueue_indirect_dma source(%arg12 : memref<40x128xf32, #tpu.memory_space<vmem>>) target(%dma_start3A_157 : memref<10240x128xf32, #tpu.memory_space<vmem_shared>>) offsets(%arg7 : memref<40xi32, #tpu.memory_space<vmem>>) semaphore(%run_scoped3A : memref<!tpu.dma_semaphore, #tpu.memory_space<semaphore_mem>>) {add = true}
        %dma_wait3A_158 = arith.constant 0 : i32
        %dma_wait3A_159 = arith.constant 0 : i32
        %dma_wait3A_160 = tpu.memref_slice %arg26[%dma_wait3A_158, %dma_wait3A_159] : memref<10240x128xf32, #tpu.memory_space<vmem_shared>> -> memref<10240x128xf32, #tpu.memory_space<vmem_shared>>
        tpu.wait_indirect_dma semaphore(%run_scoped3A : memref<!tpu.dma_semaphore, #tpu.memory_space<semaphore_mem>>) src(%arg12 : memref<40x128xf32, #tpu.memory_space<vmem>>) dst(%dma_wait3A_160 : memref<10240x128xf32, #tpu.memory_space<vmem_shared>>)
        tpu.yield
      }) : () -> ()
      %lt3A_93 = arith.constant 49 : i32
      %lt3A_94 = arith.cmpi slt, %add3A_63, %lt3A_93 : i32
      %convert_element_type3A_95 = arith.extui %lt3A_94 : i1 to i32
      %cond3A_96 = arith.constant 0 : i32
      %cond3A_97 = arith.cmpi ne, %convert_element_type3A_95, %cond3A_96 : i32
      scf.if %cond3A_97 {
        %add3A_155 = arith.addi %mul3A_4, %mul3A_84 : i32
        %add3A_156 = arith.constant 200 : i32
        %add3A_157 = arith.addi %add3A_155, %add3A_156 : i32
        %dma_start3A_158 = tpu.memref_slice %arg3[%add3A_157] : memref<320000xi32, #tpu.memory_space<hbm>> -> memref<40xi32, #tpu.memory_space<hbm>>
        %dma_start3A_159 = tpu.memref_slice %arg3[%add3A_157] : memref<320000xi32, #tpu.memory_space<hbm>> -> memref<40xi32, #tpu.memory_space<hbm>>
        tpu.enqueue_dma source(%dma_start3A_159 : memref<40xi32, #tpu.memory_space<hbm>>) target(%arg7 : memref<40xi32, #tpu.memory_space<vmem>>) target_semaphore(%arg17 : memref<!tpu.dma_semaphore, #tpu.memory_space<semaphore_mem>>)
        %add3A_160 = arith.addi %mul3A_4, %mul3A_84 : i32
        %add3A_161 = arith.constant 200 : i32
        %add3A_162 = arith.addi %add3A_160, %add3A_161 : i32
        %dma_start3A_163 = arith.constant 0 : i32
        %dma_start3A_164 = tpu.memref_slice %arg2[%add3A_162, %dma_start3A_163] : memref<320000x128xf32, #tpu.memory_space<hbm>> -> memref<40x128xf32, #tpu.memory_space<hbm>>
        %dma_start3A_165 = arith.constant 0 : i32
        %dma_start3A_166 = tpu.memref_slice %arg2[%add3A_162, %dma_start3A_165] : memref<320000x128xf32, #tpu.memory_space<hbm>> -> memref<40x128xf32, #tpu.memory_space<hbm>>
        tpu.enqueue_dma source(%dma_start3A_166 : memref<40x128xf32, #tpu.memory_space<hbm>>) target(%arg12 : memref<40x128xf32, #tpu.memory_space<vmem>>) target_semaphore(%arg22 : memref<!tpu.dma_semaphore, #tpu.memory_space<semaphore_mem>>)
      } else {
      }
      %mul3A_98 = arith.constant 5 : i32
      %mul3A_99 = arith.muli %add3A_63, %mul3A_98 : i32
      %add3A_100 = arith.constant 2 : i32
      %add3A_101 = arith.addi %mul3A_99, %add3A_100 : i32
      %mul3A_102 = arith.constant 40 : i32
      %mul3A_103 = arith.muli %add3A_101, %mul3A_102 : i32
      %add3A_104 = arith.addi %mul3A_4, %mul3A_103 : i32
      %dma_wait3A_105 = tpu.memref_slice %arg3[%add3A_104] : memref<320000xi32, #tpu.memory_space<hbm>> -> memref<40xi32, #tpu.memory_space<hbm>>
      %dma_wait3A_106 = tpu.memref_slice %arg3[%add3A_104] : memref<320000xi32, #tpu.memory_space<hbm>> -> memref<40xi32, #tpu.memory_space<hbm>>
      tpu.wait_dma2 semaphore(%arg18 : memref<!tpu.dma_semaphore, #tpu.memory_space<semaphore_mem>>) src(%dma_wait3A_106 : memref<40xi32, #tpu.memory_space<hbm>>) dst(%arg8 : memref<40xi32, #tpu.memory_space<vmem>>)
      %add3A_107 = arith.addi %mul3A_4, %mul3A_103 : i32
      %dma_wait3A_108 = arith.constant 0 : i32
      %dma_wait3A_109 = tpu.memref_slice %arg2[%add3A_107, %dma_wait3A_108] : memref<320000x128xf32, #tpu.memory_space<hbm>> -> memref<40x128xf32, #tpu.memory_space<hbm>>
      %dma_wait3A_110 = arith.constant 0 : i32
      %dma_wait3A_111 = tpu.memref_slice %arg2[%add3A_107, %dma_wait3A_110] : memref<320000x128xf32, #tpu.memory_space<hbm>> -> memref<40x128xf32, #tpu.memory_space<hbm>>
      tpu.wait_dma2 semaphore(%arg23 : memref<!tpu.dma_semaphore, #tpu.memory_space<semaphore_mem>>) src(%dma_wait3A_111 : memref<40x128xf32, #tpu.memory_space<hbm>>) dst(%arg13 : memref<40x128xf32, #tpu.memory_space<vmem>>)
      "tpu.region"() ({
        %run_scoped3A = tpu.sem_alloc : memref<!tpu.dma_semaphore, #tpu.memory_space<semaphore_mem>>
        %dma_start3A_155 = arith.constant 0 : i32
        %dma_start3A_156 = arith.constant 0 : i32
        %dma_start3A_157 = tpu.memref_slice %arg26[%dma_start3A_155, %dma_start3A_156] : memref<10240x128xf32, #tpu.memory_space<vmem_shared>> -> memref<10240x128xf32, #tpu.memory_space<vmem_shared>>
        tpu.enqueue_indirect_dma source(%arg13 : memref<40x128xf32, #tpu.memory_space<vmem>>) target(%dma_start3A_157 : memref<10240x128xf32, #tpu.memory_space<vmem_shared>>) offsets(%arg8 : memref<40xi32, #tpu.memory_space<vmem>>) semaphore(%run_scoped3A : memref<!tpu.dma_semaphore, #tpu.memory_space<semaphore_mem>>) {add = true}
        %dma_wait3A_158 = arith.constant 0 : i32
        %dma_wait3A_159 = arith.constant 0 : i32
        %dma_wait3A_160 = tpu.memref_slice %arg26[%dma_wait3A_158, %dma_wait3A_159] : memref<10240x128xf32, #tpu.memory_space<vmem_shared>> -> memref<10240x128xf32, #tpu.memory_space<vmem_shared>>
        tpu.wait_indirect_dma semaphore(%run_scoped3A : memref<!tpu.dma_semaphore, #tpu.memory_space<semaphore_mem>>) src(%arg13 : memref<40x128xf32, #tpu.memory_space<vmem>>) dst(%dma_wait3A_160 : memref<10240x128xf32, #tpu.memory_space<vmem_shared>>)
        tpu.yield
      }) : () -> ()
      %lt3A_112 = arith.constant 49 : i32
      %lt3A_113 = arith.cmpi slt, %add3A_63, %lt3A_112 : i32
      %convert_element_type3A_114 = arith.extui %lt3A_113 : i1 to i32
      %cond3A_115 = arith.constant 0 : i32
      %cond3A_116 = arith.cmpi ne, %convert_element_type3A_114, %cond3A_115 : i32
      scf.if %cond3A_116 {
        %add3A_155 = arith.addi %mul3A_4, %mul3A_103 : i32
        %add3A_156 = arith.constant 200 : i32
        %add3A_157 = arith.addi %add3A_155, %add3A_156 : i32
        %dma_start3A_158 = tpu.memref_slice %arg3[%add3A_157] : memref<320000xi32, #tpu.memory_space<hbm>> -> memref<40xi32, #tpu.memory_space<hbm>>
        %dma_start3A_159 = tpu.memref_slice %arg3[%add3A_157] : memref<320000xi32, #tpu.memory_space<hbm>> -> memref<40xi32, #tpu.memory_space<hbm>>
        tpu.enqueue_dma source(%dma_start3A_159 : memref<40xi32, #tpu.memory_space<hbm>>) target(%arg8 : memref<40xi32, #tpu.memory_space<vmem>>) target_semaphore(%arg18 : memref<!tpu.dma_semaphore, #tpu.memory_space<semaphore_mem>>)
        %add3A_160 = arith.addi %mul3A_4, %mul3A_103 : i32
        %add3A_161 = arith.constant 200 : i32
        %add3A_162 = arith.addi %add3A_160, %add3A_161 : i32
        %dma_start3A_163 = arith.constant 0 : i32
        %dma_start3A_164 = tpu.memref_slice %arg2[%add3A_162, %dma_start3A_163] : memref<320000x128xf32, #tpu.memory_space<hbm>> -> memref<40x128xf32, #tpu.memory_space<hbm>>
        %dma_start3A_165 = arith.constant 0 : i32
        %dma_start3A_166 = tpu.memref_slice %arg2[%add3A_162, %dma_start3A_165] : memref<320000x128xf32, #tpu.memory_space<hbm>> -> memref<40x128xf32, #tpu.memory_space<hbm>>
        tpu.enqueue_dma source(%dma_start3A_166 : memref<40x128xf32, #tpu.memory_space<hbm>>) target(%arg13 : memref<40x128xf32, #tpu.memory_space<vmem>>) target_semaphore(%arg23 : memref<!tpu.dma_semaphore, #tpu.memory_space<semaphore_mem>>)
      } else {
      }
      %mul3A_117 = arith.constant 5 : i32
      %mul3A_118 = arith.muli %add3A_63, %mul3A_117 : i32
      %add3A_119 = arith.constant 3 : i32
      %add3A_120 = arith.addi %mul3A_118, %add3A_119 : i32
      %mul3A_121 = arith.constant 40 : i32
      %mul3A_122 = arith.muli %add3A_120, %mul3A_121 : i32
      %add3A_123 = arith.addi %mul3A_4, %mul3A_122 : i32
      %dma_wait3A_124 = tpu.memref_slice %arg3[%add3A_123] : memref<320000xi32, #tpu.memory_space<hbm>> -> memref<40xi32, #tpu.memory_space<hbm>>
      %dma_wait3A_125 = tpu.memref_slice %arg3[%add3A_123] : memref<320000xi32, #tpu.memory_space<hbm>> -> memref<40xi32, #tpu.memory_space<hbm>>
      tpu.wait_dma2 semaphore(%arg19 : memref<!tpu.dma_semaphore, #tpu.memory_space<semaphore_mem>>) src(%dma_wait3A_125 : memref<40xi32, #tpu.memory_space<hbm>>) dst(%arg9 : memref<40xi32, #tpu.memory_space<vmem>>)
      %add3A_126 = arith.addi %mul3A_4, %mul3A_122 : i32
      %dma_wait3A_127 = arith.constant 0 : i32
      %dma_wait3A_128 = tpu.memref_slice %arg2[%add3A_126, %dma_wait3A_127] : memref<320000x128xf32, #tpu.memory_space<hbm>> -> memref<40x128xf32, #tpu.memory_space<hbm>>
      %dma_wait3A_129 = arith.constant 0 : i32
      %dma_wait3A_130 = tpu.memref_slice %arg2[%add3A_126, %dma_wait3A_129] : memref<320000x128xf32, #tpu.memory_space<hbm>> -> memref<40x128xf32, #tpu.memory_space<hbm>>
      tpu.wait_dma2 semaphore(%arg24 : memref<!tpu.dma_semaphore, #tpu.memory_space<semaphore_mem>>) src(%dma_wait3A_130 : memref<40x128xf32, #tpu.memory_space<hbm>>) dst(%arg14 : memref<40x128xf32, #tpu.memory_space<vmem>>)
      "tpu.region"() ({
        %run_scoped3A = tpu.sem_alloc : memref<!tpu.dma_semaphore, #tpu.memory_space<semaphore_mem>>
        %dma_start3A_155 = arith.constant 0 : i32
        %dma_start3A_156 = arith.constant 0 : i32
        %dma_start3A_157 = tpu.memref_slice %arg26[%dma_start3A_155, %dma_start3A_156] : memref<10240x128xf32, #tpu.memory_space<vmem_shared>> -> memref<10240x128xf32, #tpu.memory_space<vmem_shared>>
        tpu.enqueue_indirect_dma source(%arg14 : memref<40x128xf32, #tpu.memory_space<vmem>>) target(%dma_start3A_157 : memref<10240x128xf32, #tpu.memory_space<vmem_shared>>) offsets(%arg9 : memref<40xi32, #tpu.memory_space<vmem>>) semaphore(%run_scoped3A : memref<!tpu.dma_semaphore, #tpu.memory_space<semaphore_mem>>) {add = true}
        %dma_wait3A_158 = arith.constant 0 : i32
        %dma_wait3A_159 = arith.constant 0 : i32
        %dma_wait3A_160 = tpu.memref_slice %arg26[%dma_wait3A_158, %dma_wait3A_159] : memref<10240x128xf32, #tpu.memory_space<vmem_shared>> -> memref<10240x128xf32, #tpu.memory_space<vmem_shared>>
        tpu.wait_indirect_dma semaphore(%run_scoped3A : memref<!tpu.dma_semaphore, #tpu.memory_space<semaphore_mem>>) src(%arg14 : memref<40x128xf32, #tpu.memory_space<vmem>>) dst(%dma_wait3A_160 : memref<10240x128xf32, #tpu.memory_space<vmem_shared>>)
        tpu.yield
      }) : () -> ()
      %lt3A_131 = arith.constant 49 : i32
      %lt3A_132 = arith.cmpi slt, %add3A_63, %lt3A_131 : i32
      %convert_element_type3A_133 = arith.extui %lt3A_132 : i1 to i32
      %cond3A_134 = arith.constant 0 : i32
      %cond3A_135 = arith.cmpi ne, %convert_element_type3A_133, %cond3A_134 : i32
      scf.if %cond3A_135 {
        %add3A_155 = arith.addi %mul3A_4, %mul3A_122 : i32
        %add3A_156 = arith.constant 200 : i32
        %add3A_157 = arith.addi %add3A_155, %add3A_156 : i32
        %dma_start3A_158 = tpu.memref_slice %arg3[%add3A_157] : memref<320000xi32, #tpu.memory_space<hbm>> -> memref<40xi32, #tpu.memory_space<hbm>>
        %dma_start3A_159 = tpu.memref_slice %arg3[%add3A_157] : memref<320000xi32, #tpu.memory_space<hbm>> -> memref<40xi32, #tpu.memory_space<hbm>>
        tpu.enqueue_dma source(%dma_start3A_159 : memref<40xi32, #tpu.memory_space<hbm>>) target(%arg9 : memref<40xi32, #tpu.memory_space<vmem>>) target_semaphore(%arg19 : memref<!tpu.dma_semaphore, #tpu.memory_space<semaphore_mem>>)
        %add3A_160 = arith.addi %mul3A_4, %mul3A_122 : i32
        %add3A_161 = arith.constant 200 : i32
        %add3A_162 = arith.addi %add3A_160, %add3A_161 : i32
        %dma_start3A_163 = arith.constant 0 : i32
        %dma_start3A_164 = tpu.memref_slice %arg2[%add3A_162, %dma_start3A_163] : memref<320000x128xf32, #tpu.memory_space<hbm>> -> memref<40x128xf32, #tpu.memory_space<hbm>>
        %dma_start3A_165 = arith.constant 0 : i32
        %dma_start3A_166 = tpu.memref_slice %arg2[%add3A_162, %dma_start3A_165] : memref<320000x128xf32, #tpu.memory_space<hbm>> -> memref<40x128xf32, #tpu.memory_space<hbm>>
        tpu.enqueue_dma source(%dma_start3A_166 : memref<40x128xf32, #tpu.memory_space<hbm>>) target(%arg14 : memref<40x128xf32, #tpu.memory_space<vmem>>) target_semaphore(%arg24 : memref<!tpu.dma_semaphore, #tpu.memory_space<semaphore_mem>>)
      } else {
      }
      %mul3A_136 = arith.constant 5 : i32
      %mul3A_137 = arith.muli %add3A_63, %mul3A_136 : i32
      %add3A_138 = arith.constant 4 : i32
      %add3A_139 = arith.addi %mul3A_137, %add3A_138 : i32
      %mul3A_140 = arith.constant 40 : i32
      %mul3A_141 = arith.muli %add3A_139, %mul3A_140 : i32
      %add3A_142 = arith.addi %mul3A_4, %mul3A_141 : i32
      %dma_wait3A_143 = tpu.memref_slice %arg3[%add3A_142] : memref<320000xi32, #tpu.memory_space<hbm>> -> memref<40xi32, #tpu.memory_space<hbm>>
      %dma_wait3A_144 = tpu.memref_slice %arg3[%add3A_142] : memref<320000xi32, #tpu.memory_space<hbm>> -> memref<40xi32, #tpu.memory_space<hbm>>
      tpu.wait_dma2 semaphore(%arg20 : memref<!tpu.dma_semaphore, #tpu.memory_space<semaphore_mem>>) src(%dma_wait3A_144 : memref<40xi32, #tpu.memory_space<hbm>>) dst(%arg10 : memref<40xi32, #tpu.memory_space<vmem>>)
      %add3A_145 = arith.addi %mul3A_4, %mul3A_141 : i32
      %dma_wait3A_146 = arith.constant 0 : i32
      %dma_wait3A_147 = tpu.memref_slice %arg2[%add3A_145, %dma_wait3A_146] : memref<320000x128xf32, #tpu.memory_space<hbm>> -> memref<40x128xf32, #tpu.memory_space<hbm>>
      %dma_wait3A_148 = arith.constant 0 : i32
      %dma_wait3A_149 = tpu.memref_slice %arg2[%add3A_145, %dma_wait3A_148] : memref<320000x128xf32, #tpu.memory_space<hbm>> -> memref<40x128xf32, #tpu.memory_space<hbm>>
      tpu.wait_dma2 semaphore(%arg25 : memref<!tpu.dma_semaphore, #tpu.memory_space<semaphore_mem>>) src(%dma_wait3A_149 : memref<40x128xf32, #tpu.memory_space<hbm>>) dst(%arg15 : memref<40x128xf32, #tpu.memory_space<vmem>>)
      "tpu.region"() ({
        %run_scoped3A = tpu.sem_alloc : memref<!tpu.dma_semaphore, #tpu.memory_space<semaphore_mem>>
        %dma_start3A_155 = arith.constant 0 : i32
        %dma_start3A_156 = arith.constant 0 : i32
        %dma_start3A_157 = tpu.memref_slice %arg26[%dma_start3A_155, %dma_start3A_156] : memref<10240x128xf32, #tpu.memory_space<vmem_shared>> -> memref<10240x128xf32, #tpu.memory_space<vmem_shared>>
        tpu.enqueue_indirect_dma source(%arg15 : memref<40x128xf32, #tpu.memory_space<vmem>>) target(%dma_start3A_157 : memref<10240x128xf32, #tpu.memory_space<vmem_shared>>) offsets(%arg10 : memref<40xi32, #tpu.memory_space<vmem>>) semaphore(%run_scoped3A : memref<!tpu.dma_semaphore, #tpu.memory_space<semaphore_mem>>) {add = true}
        %dma_wait3A_158 = arith.constant 0 : i32
        %dma_wait3A_159 = arith.constant 0 : i32
        %dma_wait3A_160 = tpu.memref_slice %arg26[%dma_wait3A_158, %dma_wait3A_159] : memref<10240x128xf32, #tpu.memory_space<vmem_shared>> -> memref<10240x128xf32, #tpu.memory_space<vmem_shared>>
        tpu.wait_indirect_dma semaphore(%run_scoped3A : memref<!tpu.dma_semaphore, #tpu.memory_space<semaphore_mem>>) src(%arg15 : memref<40x128xf32, #tpu.memory_space<vmem>>) dst(%dma_wait3A_160 : memref<10240x128xf32, #tpu.memory_space<vmem_shared>>)
        tpu.yield
      }) : () -> ()
      %lt3A_150 = arith.constant 49 : i32
      %lt3A_151 = arith.cmpi slt, %add3A_63, %lt3A_150 : i32
      %convert_element_type3A_152 = arith.extui %lt3A_151 : i1 to i32
      %cond3A_153 = arith.constant 0 : i32
      %cond3A_154 = arith.cmpi ne, %convert_element_type3A_152, %cond3A_153 : i32
      scf.if %cond3A_154 {
        %add3A_155 = arith.addi %mul3A_4, %mul3A_141 : i32
        %add3A_156 = arith.constant 200 : i32
        %add3A_157 = arith.addi %add3A_155, %add3A_156 : i32
        %dma_start3A_158 = tpu.memref_slice %arg3[%add3A_157] : memref<320000xi32, #tpu.memory_space<hbm>> -> memref<40xi32, #tpu.memory_space<hbm>>
        %dma_start3A_159 = tpu.memref_slice %arg3[%add3A_157] : memref<320000xi32, #tpu.memory_space<hbm>> -> memref<40xi32, #tpu.memory_space<hbm>>
        tpu.enqueue_dma source(%dma_start3A_159 : memref<40xi32, #tpu.memory_space<hbm>>) target(%arg10 : memref<40xi32, #tpu.memory_space<vmem>>) target_semaphore(%arg20 : memref<!tpu.dma_semaphore, #tpu.memory_space<semaphore_mem>>)
        %add3A_160 = arith.addi %mul3A_4, %mul3A_141 : i32
        %add3A_161 = arith.constant 200 : i32
        %add3A_162 = arith.addi %add3A_160, %add3A_161 : i32
        %dma_start3A_163 = arith.constant 0 : i32
        %dma_start3A_164 = tpu.memref_slice %arg2[%add3A_162, %dma_start3A_163] : memref<320000x128xf32, #tpu.memory_space<hbm>> -> memref<40x128xf32, #tpu.memory_space<hbm>>
        %dma_start3A_165 = arith.constant 0 : i32
        %dma_start3A_166 = tpu.memref_slice %arg2[%add3A_162, %dma_start3A_165] : memref<320000x128xf32, #tpu.memory_space<hbm>> -> memref<40x128xf32, #tpu.memory_space<hbm>>
        tpu.enqueue_dma source(%dma_start3A_166 : memref<40x128xf32, #tpu.memory_space<hbm>>) target(%arg15 : memref<40x128xf32, #tpu.memory_space<vmem>>) target_semaphore(%arg25 : memref<!tpu.dma_semaphore, #tpu.memory_space<semaphore_mem>>)
      } else {
      }
    }
    %scan3A_57 = arith.constant 50 : i32
    %barrier3A_58 = arith.constant 0 : index
    tpu.barrier barrier_id(%barrier3A_58)
    "tpu.region"() ({
      %run_scoped3A = tpu.sem_alloc : memref<!tpu.dma_semaphore, #tpu.memory_space<semaphore_mem>>
      %dma_start3A_59 = arith.constant 0 : i32
      %dma_start3A_60 = arith.constant 0 : i32
      %dma_start3A_61 = tpu.memref_slice %arg5[%arg0, %dma_start3A_59, %dma_start3A_60] : memref<2x10240x128xf32, #tpu.memory_space<hbm>> -> memref<1x10240x128xf32, #tpu.memory_space<hbm>>
      %dma_start3A_62 = tpu.memref_squeeze %dma_start3A_61 : memref<1x10240x128xf32, #tpu.memory_space<hbm>> -> memref<10240x128xf32, #tpu.memory_space<hbm>>
      %dma_start3A_63 = arith.constant 0 : i32
      %dma_start3A_64 = tpu.memref_slice %dma_start3A_62[%mul3A_2, %dma_start3A_63] : memref<10240x128xf32, #tpu.memory_space<hbm>> -> memref<640x128xf32, #tpu.memory_space<hbm>>
      %dma_start3A_65 = arith.constant 0 : i32
      %dma_start3A_66 = tpu.memref_slice %arg26[%mul3A_2, %dma_start3A_65] : memref<10240x128xf32, #tpu.memory_space<vmem_shared>> -> memref<640x128xf32, #tpu.memory_space<vmem_shared>>
      tpu.enqueue_dma source(%dma_start3A_66 : memref<640x128xf32, #tpu.memory_space<vmem_shared>>) target(%dma_start3A_64 : memref<640x128xf32, #tpu.memory_space<hbm>>) target_semaphore(%run_scoped3A : memref<!tpu.dma_semaphore, #tpu.memory_space<semaphore_mem>>)
      %dma_wait3A = arith.constant 0 : i32
      %dma_wait3A_67 = arith.constant 0 : i32
      %dma_wait3A_68 = tpu.memref_slice %arg5[%arg0, %dma_wait3A, %dma_wait3A_67] : memref<2x10240x128xf32, #tpu.memory_space<hbm>> -> memref<1x10240x128xf32, #tpu.memory_space<hbm>>
      %dma_wait3A_69 = tpu.memref_squeeze %dma_wait3A_68 : memref<1x10240x128xf32, #tpu.memory_space<hbm>> -> memref<10240x128xf32, #tpu.memory_space<hbm>>
      %dma_wait3A_70 = arith.constant 0 : i32
      %dma_wait3A_71 = tpu.memref_slice %dma_wait3A_69[%mul3A_2, %dma_wait3A_70] : memref<10240x128xf32, #tpu.memory_space<hbm>> -> memref<640x128xf32, #tpu.memory_space<hbm>>
      %dma_wait3A_72 = arith.constant 0 : i32
      %dma_wait3A_73 = tpu.memref_slice %arg26[%mul3A_2, %dma_wait3A_72] : memref<10240x128xf32, #tpu.memory_space<vmem_shared>> -> memref<640x128xf32, #tpu.memory_space<vmem_shared>>
      tpu.wait_dma2 semaphore(%run_scoped3A : memref<!tpu.dma_semaphore, #tpu.memory_space<semaphore_mem>>) src(%dma_wait3A_73 : memref<640x128xf32, #tpu.memory_space<vmem_shared>>) dst(%dma_wait3A_71 : memref<640x128xf32, #tpu.memory_space<hbm>>)
      tpu.yield
    }) : () -> ()
    return
  }
}

#map = affine_map<(d0, d1) -> (0, 0)>
#map1 = affine_map<(d0, d1) -> (0)>
#map2 = affine_map<(d0, d1) -> (0, 0, 0)>
module attributes {stable_mosaic.version = 14 : i64} {
  func.func @k(%arg0: i32, %arg1: i32, %arg2: memref<320000x128xf32, #tpu.memory_space<hbm>>, %arg3: memref<320000xi32, #tpu.memory_space<hbm>>, %arg4: memref<10240x128xf32, #tpu.memory_space<hbm>>, %arg5: memref<2x10240x128xf32, #tpu.memory_space<hbm>>, %arg6: memref<40xi32, #tpu.memory_space<vmem>>, %arg7: memref<40xi32, #tpu.memory_space<vmem>>, %arg8: memref<40xi32, #tpu.memory_space<vmem>>, %arg9: memref<40xi32, #tpu.memory_space<vmem>>, %arg10: memref<40xi32, #tpu.memory_space<vmem>>, %arg11: memref<40x128xf32, #tpu.memory_space<vmem>>, %arg12: memref<40x128xf32, #tpu.memory_space<vmem>>, %arg13: memref<40x128xf32, #tpu.memory_space<vmem>>, %arg14: memref<40x128xf32, #tpu.memory_space<vmem>>, %arg15: memref<40x128xf32, #tpu.memory_space<vmem>>, %arg16: memref<!tpu.dma_semaphore, #tpu.memory_space<semaphore_mem>>, %arg17: memref<!tpu.dma_semaphore, #tpu.memory_space<semaphore_mem>>, %arg18: memref<!tpu.dma_semaphore, #tpu.memory_space<semaphore_mem>>, %arg19: memref<!tpu.dma_semaphore, #tpu.memory_space<semaphore_mem>>, %arg20: memref<!tpu.dma_semaphore, #tpu.memory_space<semaphore_mem>>, %arg21: memref<!tpu.dma_semaphore, #tpu.memory_space<semaphore_mem>>, %arg22: memref<!tpu.dma_semaphore, #tpu.memory_space<semaphore_mem>>, %arg23: memref<!tpu.dma_semaphore, #tpu.memory_space<semaphore_mem>>, %arg24: memref<!tpu.dma_semaphore, #tpu.memory_space<semaphore_mem>>, %arg25: memref<!tpu.dma_semaphore, #tpu.memory_space<semaphore_mem>>, %arg26: memref<10240x128xf32, #tpu.memory_space<vmem_shared>>) attributes {dimension_semantics = [#tpu.dimension_semantics<core_parallel>, #tpu.dimension_semantics<subcore_parallel>], iteration_bounds = array<i64: 2, 16>, scalar_prefetch = 0 : i64, scratch_operands = 21 : i64, tpu.core_type = #tpu.core_type<sc_vector_subcore>, window_params = [{transform_indices = #map}, {transform_indices = #map1}, {transform_indices = #map}, {transform_indices = #map2}]} {
    %mul3A = arith.constant 2 : i32
    %mul3A_0 = arith.muli %arg1, %mul3A : i32
    %add3A = arith.addi %mul3A_0, %arg0 : i32
    %mul3A_1 = arith.constant 640 : i32
    %mul3A_2 = arith.muli %arg1, %mul3A_1 : i32
    "tpu.region"() ({
      %run_scoped3A = tpu.sem_alloc : memref<!tpu.dma_semaphore, #tpu.memory_space<semaphore_mem>>
      %dma_start3A_59 = arith.constant 0 : i32
      %dma_start3A_60 = tpu.memref_slice %arg26[%mul3A_2, %dma_start3A_59] : memref<10240x128xf32, #tpu.memory_space<vmem_shared>> -> memref<640x128xf32, #tpu.memory_space<vmem_shared>>
      %dma_start3A_61 = arith.constant 0 : i32
      %dma_start3A_62 = tpu.memref_slice %arg4[%mul3A_2, %dma_start3A_61] : memref<10240x128xf32, #tpu.memory_space<hbm>> -> memref<640x128xf32, #tpu.memory_space<hbm>>
      tpu.enqueue_dma source(%dma_start3A_62 : memref<640x128xf32, #tpu.memory_space<hbm>>) target(%dma_start3A_60 : memref<640x128xf32, #tpu.memory_space<vmem_shared>>) target_semaphore(%run_scoped3A : memref<!tpu.dma_semaphore, #tpu.memory_space<semaphore_mem>>)
      %dma_wait3A = arith.constant 0 : i32
      %dma_wait3A_63 = tpu.memref_slice %arg26[%mul3A_2, %dma_wait3A] : memref<10240x128xf32, #tpu.memory_space<vmem_shared>> -> memref<640x128xf32, #tpu.memory_space<vmem_shared>>
      %dma_wait3A_64 = arith.constant 0 : i32
      %dma_wait3A_65 = tpu.memref_slice %arg4[%mul3A_2, %dma_wait3A_64] : memref<10240x128xf32, #tpu.memory_space<hbm>> -> memref<640x128xf32, #tpu.memory_space<hbm>>
      tpu.wait_dma2 semaphore(%run_scoped3A : memref<!tpu.dma_semaphore, #tpu.memory_space<semaphore_mem>>) src(%dma_wait3A_65 : memref<640x128xf32, #tpu.memory_space<hbm>>) dst(%dma_wait3A_63 : memref<640x128xf32, #tpu.memory_space<vmem_shared>>)
      tpu.yield
    }) : () -> ()
    %barrier3A = arith.constant 0 : index
    tpu.barrier barrier_id(%barrier3A)
    %mul3A_3 = arith.constant 10000 : i32
    %mul3A_4 = arith.muli %add3A, %mul3A_3 : i32
    %add3A_5 = arith.constant 0 : i32
    %add3A_6 = arith.addi %mul3A_4, %add3A_5 : i32
    %dma_start3A = tpu.memref_slice %arg3[%add3A_6] : memref<320000xi32, #tpu.memory_space<hbm>> -> memref<40xi32, #tpu.memory_space<hbm>>
    %dma_start3A_7 = tpu.memref_slice %arg3[%add3A_6] : memref<320000xi32, #tpu.memory_space<hbm>> -> memref<40xi32, #tpu.memory_space<hbm>>
    tpu.enqueue_dma source(%dma_start3A_7 : memref<40xi32, #tpu.memory_space<hbm>>) target(%arg6 : memref<40xi32, #tpu.memory_space<vmem>>) target_semaphore(%arg16 : memref<!tpu.dma_semaphore, #tpu.memory_space<semaphore_mem>>)
    %add3A_8 = arith.constant 0 : i32
    %add3A_9 = arith.addi %mul3A_4, %add3A_8 : i32
    %dma_start3A_10 = arith.constant 0 : i32
    %dma_start3A_11 = tpu.memref_slice %arg2[%add3A_9, %dma_start3A_10] : memref<320000x128xf32, #tpu.memory_space<hbm>> -> memref<40x128xf32, #tpu.memory_space<hbm>>
    %dma_start3A_12 = arith.constant 0 : i32
    %dma_start3A_13 = tpu.memref_slice %arg2[%add3A_9, %dma_start3A_12] : memref<320000x128xf32, #tpu.memory_space<hbm>> -> memref<40x128xf32, #tpu.memory_space<hbm>>
    tpu.enqueue_dma source(%dma_start3A_13 : memref<40x128xf32, #tpu.memory_space<hbm>>) target(%arg11 : memref<40x128xf32, #tpu.memory_space<vmem>>) target_semaphore(%arg21 : memref<!tpu.dma_semaphore, #tpu.memory_space<semaphore_mem>>)
    %add3A_14 = arith.constant 40 : i32
    %add3A_15 = arith.addi %mul3A_4, %add3A_14 : i32
    %dma_start3A_16 = tpu.memref_slice %arg3[%add3A_15] : memref<320000xi32, #tpu.memory_space<hbm>> -> memref<40xi32, #tpu.memory_space<hbm>>
    %dma_start3A_17 = tpu.memref_slice %arg3[%add3A_15] : memref<320000xi32, #tpu.memory_space<hbm>> -> memref<40xi32, #tpu.memory_space<hbm>>
    tpu.enqueue_dma source(%dma_start3A_17 : memref<40xi32, #tpu.memory_space<hbm>>) target(%arg7 : memref<40xi32, #tpu.memory_space<vmem>>) target_semaphore(%arg17 : memref<!tpu.dma_semaphore, #tpu.memory_space<semaphore_mem>>)
    %add3A_18 = arith.constant 40 : i32
    %add3A_19 = arith.addi %mul3A_4, %add3A_18 : i32
    %dma_start3A_20 = arith.constant 0 : i32
    %dma_start3A_21 = tpu.memref_slice %arg2[%add3A_19, %dma_start3A_20] : memref<320000x128xf32, #tpu.memory_space<hbm>> -> memref<40x128xf32, #tpu.memory_space<hbm>>
    %dma_start3A_22 = arith.constant 0 : i32
    %dma_start3A_23 = tpu.memref_slice %arg2[%add3A_19, %dma_start3A_22] : memref<320000x128xf32, #tpu.memory_space<hbm>> -> memref<40x128xf32, #tpu.memory_space<hbm>>
    tpu.enqueue_dma source(%dma_start3A_23 : memref<40x128xf32, #tpu.memory_space<hbm>>) target(%arg12 : memref<40x128xf32, #tpu.memory_space<vmem>>) target_semaphore(%arg22 : memref<!tpu.dma_semaphore, #tpu.memory_space<semaphore_mem>>)
    %add3A_24 = arith.constant 80 : i32
    %add3A_25 = arith.addi %mul3A_4, %add3A_24 : i32
    %dma_start3A_26 = tpu.memref_slice %arg3[%add3A_25] : memref<320000xi32, #tpu.memory_space<hbm>> -> memref<40xi32, #tpu.memory_space<hbm>>
    %dma_start3A_27 = tpu.memref_slice %arg3[%add3A_25] : memref<320000xi32, #tpu.memory_space<hbm>> -> memref<40xi32, #tpu.memory_space<hbm>>
    tpu.enqueue_dma source(%dma_start3A_27 : memref<40xi32, #tpu.memory_space<hbm>>) target(%arg8 : memref<40xi32, #tpu.memory_space<vmem>>) target_semaphore(%arg18 : memref<!tpu.dma_semaphore, #tpu.memory_space<semaphore_mem>>)
    %add3A_28 = arith.constant 80 : i32
    %add3A_29 = arith.addi %mul3A_4, %add3A_28 : i32
    %dma_start3A_30 = arith.constant 0 : i32
    %dma_start3A_31 = tpu.memref_slice %arg2[%add3A_29, %dma_start3A_30] : memref<320000x128xf32, #tpu.memory_space<hbm>> -> memref<40x128xf32, #tpu.memory_space<hbm>>
    %dma_start3A_32 = arith.constant 0 : i32
    %dma_start3A_33 = tpu.memref_slice %arg2[%add3A_29, %dma_start3A_32] : memref<320000x128xf32, #tpu.memory_space<hbm>> -> memref<40x128xf32, #tpu.memory_space<hbm>>
    tpu.enqueue_dma source(%dma_start3A_33 : memref<40x128xf32, #tpu.memory_space<hbm>>) target(%arg13 : memref<40x128xf32, #tpu.memory_space<vmem>>) target_semaphore(%arg23 : memref<!tpu.dma_semaphore, #tpu.memory_space<semaphore_mem>>)
    %add3A_34 = arith.constant 120 : i32
    %add3A_35 = arith.addi %mul3A_4, %add3A_34 : i32
    %dma_start3A_36 = tpu.memref_slice %arg3[%add3A_35] : memref<320000xi32, #tpu.memory_space<hbm>> -> memref<40xi32, #tpu.memory_space<hbm>>
    %dma_start3A_37 = tpu.memref_slice %arg3[%add3A_35] : memref<320000xi32, #tpu.memory_space<hbm>> -> memref<40xi32, #tpu.memory_space<hbm>>
    tpu.enqueue_dma source(%dma_start3A_37 : memref<40xi32, #tpu.memory_space<hbm>>) target(%arg9 : memref<40xi32, #tpu.memory_space<vmem>>) target_semaphore(%arg19 : memref<!tpu.dma_semaphore, #tpu.memory_space<semaphore_mem>>)
    %add3A_38 = arith.constant 120 : i32
    %add3A_39 = arith.addi %mul3A_4, %add3A_38 : i32
    %dma_start3A_40 = arith.constant 0 : i32
    %dma_start3A_41 = tpu.memref_slice %arg2[%add3A_39, %dma_start3A_40] : memref<320000x128xf32, #tpu.memory_space<hbm>> -> memref<40x128xf32, #tpu.memory_space<hbm>>
    %dma_start3A_42 = arith.constant 0 : i32
    %dma_start3A_43 = tpu.memref_slice %arg2[%add3A_39, %dma_start3A_42] : memref<320000x128xf32, #tpu.memory_space<hbm>> -> memref<40x128xf32, #tpu.memory_space<hbm>>
    tpu.enqueue_dma source(%dma_start3A_43 : memref<40x128xf32, #tpu.memory_space<hbm>>) target(%arg14 : memref<40x128xf32, #tpu.memory_space<vmem>>) target_semaphore(%arg24 : memref<!tpu.dma_semaphore, #tpu.memory_space<semaphore_mem>>)
    %add3A_44 = arith.constant 160 : i32
    %add3A_45 = arith.addi %mul3A_4, %add3A_44 : i32
    %dma_start3A_46 = tpu.memref_slice %arg3[%add3A_45] : memref<320000xi32, #tpu.memory_space<hbm>> -> memref<40xi32, #tpu.memory_space<hbm>>
    %dma_start3A_47 = tpu.memref_slice %arg3[%add3A_45] : memref<320000xi32, #tpu.memory_space<hbm>> -> memref<40xi32, #tpu.memory_space<hbm>>
    tpu.enqueue_dma source(%dma_start3A_47 : memref<40xi32, #tpu.memory_space<hbm>>) target(%arg10 : memref<40xi32, #tpu.memory_space<vmem>>) target_semaphore(%arg20 : memref<!tpu.dma_semaphore, #tpu.memory_space<semaphore_mem>>)
    %add3A_48 = arith.constant 160 : i32
    %add3A_49 = arith.addi %mul3A_4, %add3A_48 : i32
    %dma_start3A_50 = arith.constant 0 : i32
    %dma_start3A_51 = tpu.memref_slice %arg2[%add3A_49, %dma_start3A_50] : memref<320000x128xf32, #tpu.memory_space<hbm>> -> memref<40x128xf32, #tpu.memory_space<hbm>>
    %dma_start3A_52 = arith.constant 0 : i32
    %dma_start3A_53 = tpu.memref_slice %arg2[%add3A_49, %dma_start3A_52] : memref<320000x128xf32, #tpu.memory_space<hbm>> -> memref<40x128xf32, #tpu.memory_space<hbm>>
    tpu.enqueue_dma source(%dma_start3A_53 : memref<40x128xf32, #tpu.memory_space<hbm>>) target(%arg15 : memref<40x128xf32, #tpu.memory_space<vmem>>) target_semaphore(%arg25 : memref<!tpu.dma_semaphore, #tpu.memory_space<semaphore_mem>>)
    %scan3A = arith.constant 0 : i32
    %scan3A_54 = arith.constant 50 : i32
    %scan3A_55 = arith.addi %scan3A, %scan3A_54 : i32
    %scan3A_56 = arith.constant 1 : i32
    scf.for %scan3A_59 = %scan3A to %scan3A_55 step %scan3A_56  : i32 {
      %mul3A_60 = arith.constant 1 : i32
      %mul3A_61 = arith.muli %scan3A_59, %mul3A_60 : i32
      %add3A_62 = arith.constant 0 : i32
      %add3A_63 = arith.addi %add3A_62, %mul3A_61 : i32
      %mul3A_64 = arith.constant 5 : i32
      %mul3A_65 = arith.muli %add3A_63, %mul3A_64 : i32
      %add3A_66 = arith.constant 0 : i32
      %add3A_67 = arith.addi %mul3A_65, %add3A_66 : i32
      %mul3A_68 = arith.constant 40 : i32
      %mul3A_69 = arith.muli %add3A_67, %mul3A_68 : i32
      %add3A_70 = arith.addi %mul3A_4, %mul3A_69 : i32
      %dma_wait3A = tpu.memref_slice %arg3[%add3A_70] : memref<320000xi32, #tpu.memory_space<hbm>> -> memref<40xi32, #tpu.memory_space<hbm>>
      %dma_wait3A_71 = tpu.memref_slice %arg3[%add3A_70] : memref<320000xi32, #tpu.memory_space<hbm>> -> memref<40xi32, #tpu.memory_space<hbm>>
      tpu.wait_dma2 semaphore(%arg16 : memref<!tpu.dma_semaphore, #tpu.memory_space<semaphore_mem>>) src(%dma_wait3A_71 : memref<40xi32, #tpu.memory_space<hbm>>) dst(%arg6 : memref<40xi32, #tpu.memory_space<vmem>>)
      %add3A_72 = arith.addi %mul3A_4, %mul3A_69 : i32
      %dma_wait3A_73 = arith.constant 0 : i32
      %dma_wait3A_74 = tpu.memref_slice %arg2[%add3A_72, %dma_wait3A_73] : memref<320000x128xf32, #tpu.memory_space<hbm>> -> memref<40x128xf32, #tpu.memory_space<hbm>>
      %dma_wait3A_75 = arith.constant 0 : i32
      %dma_wait3A_76 = tpu.memref_slice %arg2[%add3A_72, %dma_wait3A_75] : memref<320000x128xf32, #tpu.memory_space<hbm>> -> memref<40x128xf32, #tpu.memory_space<hbm>>
      tpu.wait_dma2 semaphore(%arg21 : memref<!tpu.dma_semaphore, #tpu.memory_space<semaphore_mem>>) src(%dma_wait3A_76 : memref<40x128xf32, #tpu.memory_space<hbm>>) dst(%arg11 : memref<40x128xf32, #tpu.memory_space<vmem>>)
      "tpu.region"() ({
        %run_scoped3A = tpu.sem_alloc : memref<!tpu.dma_semaphore, #tpu.memory_space<semaphore_mem>>
        %dma_start3A_155 = arith.constant 0 : i32
        %dma_start3A_156 = arith.constant 0 : i32
        %dma_start3A_157 = tpu.memref_slice %arg26[%dma_start3A_155, %dma_start3A_156] : memref<10240x128xf32, #tpu.memory_space<vmem_shared>> -> memref<10240x128xf32, #tpu.memory_space<vmem_shared>>
        tpu.enqueue_indirect_dma source(%arg11 : memref<40x128xf32, #tpu.memory_space<vmem>>) target(%dma_start3A_157 : memref<10240x128xf32, #tpu.memory_space<vmem_shared>>) offsets(%arg6 : memref<40xi32, #tpu.memory_space<vmem>>) semaphore(%run_scoped3A : memref<!tpu.dma_semaphore, #tpu.memory_space<semaphore_mem>>) {add = true}
        %dma_wait3A_158 = arith.constant 0 : i32
        %dma_wait3A_159 = arith.constant 0 : i32
        %dma_wait3A_160 = tpu.memref_slice %arg26[%dma_wait3A_158, %dma_wait3A_159] : memref<10240x128xf32, #tpu.memory_space<vmem_shared>> -> memref<10240x128xf32, #tpu.memory_space<vmem_shared>>
        tpu.wait_indirect_dma semaphore(%run_scoped3A : memref<!tpu.dma_semaphore, #tpu.memory_space<semaphore_mem>>) src(%arg11 : memref<40x128xf32, #tpu.memory_space<vmem>>) dst(%dma_wait3A_160 : memref<10240x128xf32, #tpu.memory_space<vmem_shared>>)
        tpu.yield
      }) : () -> ()
      %lt3A = arith.constant 49 : i32
      %lt3A_77 = arith.cmpi slt, %add3A_63, %lt3A : i32
      %convert_element_type3A = arith.extui %lt3A_77 : i1 to i32
      %cond3A = arith.constant 0 : i32
      %cond3A_78 = arith.cmpi ne, %convert_element_type3A, %cond3A : i32
      scf.if %cond3A_78 {
        %add3A_155 = arith.addi %mul3A_4, %mul3A_69 : i32
        %add3A_156 = arith.constant 200 : i32
        %add3A_157 = arith.addi %add3A_155, %add3A_156 : i32
        %dma_start3A_158 = tpu.memref_slice %arg3[%add3A_157] : memref<320000xi32, #tpu.memory_space<hbm>> -> memref<40xi32, #tpu.memory_space<hbm>>
        %dma_start3A_159 = tpu.memref_slice %arg3[%add3A_157] : memref<320000xi32, #tpu.memory_space<hbm>> -> memref<40xi32, #tpu.memory_space<hbm>>
        tpu.enqueue_dma source(%dma_start3A_159 : memref<40xi32, #tpu.memory_space<hbm>>) target(%arg6 : memref<40xi32, #tpu.memory_space<vmem>>) target_semaphore(%arg16 : memref<!tpu.dma_semaphore, #tpu.memory_space<semaphore_mem>>)
        %add3A_160 = arith.addi %mul3A_4, %mul3A_69 : i32
        %add3A_161 = arith.constant 200 : i32
        %add3A_162 = arith.addi %add3A_160, %add3A_161 : i32
        %dma_start3A_163 = arith.constant 0 : i32
        %dma_start3A_164 = tpu.memref_slice %arg2[%add3A_162, %dma_start3A_163] : memref<320000x128xf32, #tpu.memory_space<hbm>> -> memref<40x128xf32, #tpu.memory_space<hbm>>
        %dma_start3A_165 = arith.constant 0 : i32
        %dma_start3A_166 = tpu.memref_slice %arg2[%add3A_162, %dma_start3A_165] : memref<320000x128xf32, #tpu.memory_space<hbm>> -> memref<40x128xf32, #tpu.memory_space<hbm>>
        tpu.enqueue_dma source(%dma_start3A_166 : memref<40x128xf32, #tpu.memory_space<hbm>>) target(%arg11 : memref<40x128xf32, #tpu.memory_space<vmem>>) target_semaphore(%arg21 : memref<!tpu.dma_semaphore, #tpu.memory_space<semaphore_mem>>)
      } else {
      }
      %mul3A_79 = arith.constant 5 : i32
      %mul3A_80 = arith.muli %add3A_63, %mul3A_79 : i32
      %add3A_81 = arith.constant 1 : i32
      %add3A_82 = arith.addi %mul3A_80, %add3A_81 : i32
      %mul3A_83 = arith.constant 40 : i32
      %mul3A_84 = arith.muli %add3A_82, %mul3A_83 : i32
      %add3A_85 = arith.addi %mul3A_4, %mul3A_84 : i32
      %dma_wait3A_86 = tpu.memref_slice %arg3[%add3A_85] : memref<320000xi32, #tpu.memory_space<hbm>> -> memref<40xi32, #tpu.memory_space<hbm>>
      %dma_wait3A_87 = tpu.memref_slice %arg3[%add3A_85] : memref<320000xi32, #tpu.memory_space<hbm>> -> memref<40xi32, #tpu.memory_space<hbm>>
      tpu.wait_dma2 semaphore(%arg17 : memref<!tpu.dma_semaphore, #tpu.memory_space<semaphore_mem>>) src(%dma_wait3A_87 : memref<40xi32, #tpu.memory_space<hbm>>) dst(%arg7 : memref<40xi32, #tpu.memory_space<vmem>>)
      %add3A_88 = arith.addi %mul3A_4, %mul3A_84 : i32
      %dma_wait3A_89 = arith.constant 0 : i32
      %dma_wait3A_90 = tpu.memref_slice %arg2[%add3A_88, %dma_wait3A_89] : memref<320000x128xf32, #tpu.memory_space<hbm>> -> memref<40x128xf32, #tpu.memory_space<hbm>>
      %dma_wait3A_91 = arith.constant 0 : i32
      %dma_wait3A_92 = tpu.memref_slice %arg2[%add3A_88, %dma_wait3A_91] : memref<320000x128xf32, #tpu.memory_space<hbm>> -> memref<40x128xf32, #tpu.memory_space<hbm>>
      tpu.wait_dma2 semaphore(%arg22 : memref<!tpu.dma_semaphore, #tpu.memory_space<semaphore_mem>>) src(%dma_wait3A_92 : memref<40x128xf32, #tpu.memory_space<hbm>>) dst(%arg12 : memref<40x128xf32, #tpu.memory_space<vmem>>)
      "tpu.region"() ({
        %run_scoped3A = tpu.sem_alloc : memref<!tpu.dma_semaphore, #tpu.memory_space<semaphore_mem>>
        %dma_start3A_155 = arith.constant 0 : i32
        %dma_start3A_156 = arith.constant 0 : i32
        %dma_start3A_157 = tpu.memref_slice %arg26[%dma_start3A_155, %dma_start3A_156] : memref<10240x128xf32, #tpu.memory_space<vmem_shared>> -> memref<10240x128xf32, #tpu.memory_space<vmem_shared>>
        tpu.enqueue_indirect_dma source(%arg12 : memref<40x128xf32, #tpu.memory_space<vmem>>) target(%dma_start3A_157 : memref<10240x128xf32, #tpu.memory_space<vmem_shared>>) offsets(%arg7 : memref<40xi32, #tpu.memory_space<vmem>>) semaphore(%run_scoped3A : memref<!tpu.dma_semaphore, #tpu.memory_space<semaphore_mem>>) {add = true}
        %dma_wait3A_158 = arith.constant 0 : i32
        %dma_wait3A_159 = arith.constant 0 : i32
        %dma_wait3A_160 = tpu.memref_slice %arg26[%dma_wait3A_158, %dma_wait3A_159] : memref<10240x128xf32, #tpu.memory_space<vmem_shared>> -> memref<10240x128xf32, #tpu.memory_space<vmem_shared>>
        tpu.wait_indirect_dma semaphore(%run_scoped3A : memref<!tpu.dma_semaphore, #tpu.memory_space<semaphore_mem>>) src(%arg12 : memref<40x128xf32, #tpu.memory_space<vmem>>) dst(%dma_wait3A_160 : memref<10240x128xf32, #tpu.memory_space<vmem_shared>>)
        tpu.yield
      }) : () -> ()
      %lt3A_93 = arith.constant 49 : i32
      %lt3A_94 = arith.cmpi slt, %add3A_63, %lt3A_93 : i32
      %convert_element_type3A_95 = arith.extui %lt3A_94 : i1 to i32
      %cond3A_96 = arith.constant 0 : i32
      %cond3A_97 = arith.cmpi ne, %convert_element_type3A_95, %cond3A_96 : i32
      scf.if %cond3A_97 {
        %add3A_155 = arith.addi %mul3A_4, %mul3A_84 : i32
        %add3A_156 = arith.constant 200 : i32
        %add3A_157 = arith.addi %add3A_155, %add3A_156 : i32
        %dma_start3A_158 = tpu.memref_slice %arg3[%add3A_157] : memref<320000xi32, #tpu.memory_space<hbm>> -> memref<40xi32, #tpu.memory_space<hbm>>
        %dma_start3A_159 = tpu.memref_slice %arg3[%add3A_157] : memref<320000xi32, #tpu.memory_space<hbm>> -> memref<40xi32, #tpu.memory_space<hbm>>
        tpu.enqueue_dma source(%dma_start3A_159 : memref<40xi32, #tpu.memory_space<hbm>>) target(%arg7 : memref<40xi32, #tpu.memory_space<vmem>>) target_semaphore(%arg17 : memref<!tpu.dma_semaphore, #tpu.memory_space<semaphore_mem>>)
        %add3A_160 = arith.addi %mul3A_4, %mul3A_84 : i32
        %add3A_161 = arith.constant 200 : i32
        %add3A_162 = arith.addi %add3A_160, %add3A_161 : i32
        %dma_start3A_163 = arith.constant 0 : i32
        %dma_start3A_164 = tpu.memref_slice %arg2[%add3A_162, %dma_start3A_163] : memref<320000x128xf32, #tpu.memory_space<hbm>> -> memref<40x128xf32, #tpu.memory_space<hbm>>
        %dma_start3A_165 = arith.constant 0 : i32
        %dma_start3A_166 = tpu.memref_slice %arg2[%add3A_162, %dma_start3A_165] : memref<320000x128xf32, #tpu.memory_space<hbm>> -> memref<40x128xf32, #tpu.memory_space<hbm>>
        tpu.enqueue_dma source(%dma_start3A_166 : memref<40x128xf32, #tpu.memory_space<hbm>>) target(%arg12 : memref<40x128xf32, #tpu.memory_space<vmem>>) target_semaphore(%arg22 : memref<!tpu.dma_semaphore, #tpu.memory_space<semaphore_mem>>)
      } else {
      }
      %mul3A_98 = arith.constant 5 : i32
      %mul3A_99 = arith.muli %add3A_63, %mul3A_98 : i32
      %add3A_100 = arith.constant 2 : i32
      %add3A_101 = arith.addi %mul3A_99, %add3A_100 : i32
      %mul3A_102 = arith.constant 40 : i32
      %mul3A_103 = arith.muli %add3A_101, %mul3A_102 : i32
      %add3A_104 = arith.addi %mul3A_4, %mul3A_103 : i32
      %dma_wait3A_105 = tpu.memref_slice %arg3[%add3A_104] : memref<320000xi32, #tpu.memory_space<hbm>> -> memref<40xi32, #tpu.memory_space<hbm>>
      %dma_wait3A_106 = tpu.memref_slice %arg3[%add3A_104] : memref<320000xi32, #tpu.memory_space<hbm>> -> memref<40xi32, #tpu.memory_space<hbm>>
      tpu.wait_dma2 semaphore(%arg18 : memref<!tpu.dma_semaphore, #tpu.memory_space<semaphore_mem>>) src(%dma_wait3A_106 : memref<40xi32, #tpu.memory_space<hbm>>) dst(%arg8 : memref<40xi32, #tpu.memory_space<vmem>>)
      %add3A_107 = arith.addi %mul3A_4, %mul3A_103 : i32
      %dma_wait3A_108 = arith.constant 0 : i32
      %dma_wait3A_109 = tpu.memref_slice %arg2[%add3A_107, %dma_wait3A_108] : memref<320000x128xf32, #tpu.memory_space<hbm>> -> memref<40x128xf32, #tpu.memory_space<hbm>>
      %dma_wait3A_110 = arith.constant 0 : i32
      %dma_wait3A_111 = tpu.memref_slice %arg2[%add3A_107, %dma_wait3A_110] : memref<320000x128xf32, #tpu.memory_space<hbm>> -> memref<40x128xf32, #tpu.memory_space<hbm>>
      tpu.wait_dma2 semaphore(%arg23 : memref<!tpu.dma_semaphore, #tpu.memory_space<semaphore_mem>>) src(%dma_wait3A_111 : memref<40x128xf32, #tpu.memory_space<hbm>>) dst(%arg13 : memref<40x128xf32, #tpu.memory_space<vmem>>)
      "tpu.region"() ({
        %run_scoped3A = tpu.sem_alloc : memref<!tpu.dma_semaphore, #tpu.memory_space<semaphore_mem>>
        %dma_start3A_155 = arith.constant 0 : i32
        %dma_start3A_156 = arith.constant 0 : i32
        %dma_start3A_157 = tpu.memref_slice %arg26[%dma_start3A_155, %dma_start3A_156] : memref<10240x128xf32, #tpu.memory_space<vmem_shared>> -> memref<10240x128xf32, #tpu.memory_space<vmem_shared>>
        tpu.enqueue_indirect_dma source(%arg13 : memref<40x128xf32, #tpu.memory_space<vmem>>) target(%dma_start3A_157 : memref<10240x128xf32, #tpu.memory_space<vmem_shared>>) offsets(%arg8 : memref<40xi32, #tpu.memory_space<vmem>>) semaphore(%run_scoped3A : memref<!tpu.dma_semaphore, #tpu.memory_space<semaphore_mem>>) {add = true}
        %dma_wait3A_158 = arith.constant 0 : i32
        %dma_wait3A_159 = arith.constant 0 : i32
        %dma_wait3A_160 = tpu.memref_slice %arg26[%dma_wait3A_158, %dma_wait3A_159] : memref<10240x128xf32, #tpu.memory_space<vmem_shared>> -> memref<10240x128xf32, #tpu.memory_space<vmem_shared>>
        tpu.wait_indirect_dma semaphore(%run_scoped3A : memref<!tpu.dma_semaphore, #tpu.memory_space<semaphore_mem>>) src(%arg13 : memref<40x128xf32, #tpu.memory_space<vmem>>) dst(%dma_wait3A_160 : memref<10240x128xf32, #tpu.memory_space<vmem_shared>>)
        tpu.yield
      }) : () -> ()
      %lt3A_112 = arith.constant 49 : i32
      %lt3A_113 = arith.cmpi slt, %add3A_63, %lt3A_112 : i32
      %convert_element_type3A_114 = arith.extui %lt3A_113 : i1 to i32
      %cond3A_115 = arith.constant 0 : i32
      %cond3A_116 = arith.cmpi ne, %convert_element_type3A_114, %cond3A_115 : i32
      scf.if %cond3A_116 {
        %add3A_155 = arith.addi %mul3A_4, %mul3A_103 : i32
        %add3A_156 = arith.constant 200 : i32
        %add3A_157 = arith.addi %add3A_155, %add3A_156 : i32
        %dma_start3A_158 = tpu.memref_slice %arg3[%add3A_157] : memref<320000xi32, #tpu.memory_space<hbm>> -> memref<40xi32, #tpu.memory_space<hbm>>
        %dma_start3A_159 = tpu.memref_slice %arg3[%add3A_157] : memref<320000xi32, #tpu.memory_space<hbm>> -> memref<40xi32, #tpu.memory_space<hbm>>
        tpu.enqueue_dma source(%dma_start3A_159 : memref<40xi32, #tpu.memory_space<hbm>>) target(%arg8 : memref<40xi32, #tpu.memory_space<vmem>>) target_semaphore(%arg18 : memref<!tpu.dma_semaphore, #tpu.memory_space<semaphore_mem>>)
        %add3A_160 = arith.addi %mul3A_4, %mul3A_103 : i32
        %add3A_161 = arith.constant 200 : i32
        %add3A_162 = arith.addi %add3A_160, %add3A_161 : i32
        %dma_start3A_163 = arith.constant 0 : i32
        %dma_start3A_164 = tpu.memref_slice %arg2[%add3A_162, %dma_start3A_163] : memref<320000x128xf32, #tpu.memory_space<hbm>> -> memref<40x128xf32, #tpu.memory_space<hbm>>
        %dma_start3A_165 = arith.constant 0 : i32
        %dma_start3A_166 = tpu.memref_slice %arg2[%add3A_162, %dma_start3A_165] : memref<320000x128xf32, #tpu.memory_space<hbm>> -> memref<40x128xf32, #tpu.memory_space<hbm>>
        tpu.enqueue_dma source(%dma_start3A_166 : memref<40x128xf32, #tpu.memory_space<hbm>>) target(%arg13 : memref<40x128xf32, #tpu.memory_space<vmem>>) target_semaphore(%arg23 : memref<!tpu.dma_semaphore, #tpu.memory_space<semaphore_mem>>)
      } else {
      }
      %mul3A_117 = arith.constant 5 : i32
      %mul3A_118 = arith.muli %add3A_63, %mul3A_117 : i32
      %add3A_119 = arith.constant 3 : i32
      %add3A_120 = arith.addi %mul3A_118, %add3A_119 : i32
      %mul3A_121 = arith.constant 40 : i32
      %mul3A_122 = arith.muli %add3A_120, %mul3A_121 : i32
      %add3A_123 = arith.addi %mul3A_4, %mul3A_122 : i32
      %dma_wait3A_124 = tpu.memref_slice %arg3[%add3A_123] : memref<320000xi32, #tpu.memory_space<hbm>> -> memref<40xi32, #tpu.memory_space<hbm>>
      %dma_wait3A_125 = tpu.memref_slice %arg3[%add3A_123] : memref<320000xi32, #tpu.memory_space<hbm>> -> memref<40xi32, #tpu.memory_space<hbm>>
      tpu.wait_dma2 semaphore(%arg19 : memref<!tpu.dma_semaphore, #tpu.memory_space<semaphore_mem>>) src(%dma_wait3A_125 : memref<40xi32, #tpu.memory_space<hbm>>) dst(%arg9 : memref<40xi32, #tpu.memory_space<vmem>>)
      %add3A_126 = arith.addi %mul3A_4, %mul3A_122 : i32
      %dma_wait3A_127 = arith.constant 0 : i32
      %dma_wait3A_128 = tpu.memref_slice %arg2[%add3A_126, %dma_wait3A_127] : memref<320000x128xf32, #tpu.memory_space<hbm>> -> memref<40x128xf32, #tpu.memory_space<hbm>>
      %dma_wait3A_129 = arith.constant 0 : i32
      %dma_wait3A_130 = tpu.memref_slice %arg2[%add3A_126, %dma_wait3A_129] : memref<320000x128xf32, #tpu.memory_space<hbm>> -> memref<40x128xf32, #tpu.memory_space<hbm>>
      tpu.wait_dma2 semaphore(%arg24 : memref<!tpu.dma_semaphore, #tpu.memory_space<semaphore_mem>>) src(%dma_wait3A_130 : memref<40x128xf32, #tpu.memory_space<hbm>>) dst(%arg14 : memref<40x128xf32, #tpu.memory_space<vmem>>)
      "tpu.region"() ({
        %run_scoped3A = tpu.sem_alloc : memref<!tpu.dma_semaphore, #tpu.memory_space<semaphore_mem>>
        %dma_start3A_155 = arith.constant 0 : i32
        %dma_start3A_156 = arith.constant 0 : i32
        %dma_start3A_157 = tpu.memref_slice %arg26[%dma_start3A_155, %dma_start3A_156] : memref<10240x128xf32, #tpu.memory_space<vmem_shared>> -> memref<10240x128xf32, #tpu.memory_space<vmem_shared>>
        tpu.enqueue_indirect_dma source(%arg14 : memref<40x128xf32, #tpu.memory_space<vmem>>) target(%dma_start3A_157 : memref<10240x128xf32, #tpu.memory_space<vmem_shared>>) offsets(%arg9 : memref<40xi32, #tpu.memory_space<vmem>>) semaphore(%run_scoped3A : memref<!tpu.dma_semaphore, #tpu.memory_space<semaphore_mem>>) {add = true}
        %dma_wait3A_158 = arith.constant 0 : i32
        %dma_wait3A_159 = arith.constant 0 : i32
        %dma_wait3A_160 = tpu.memref_slice %arg26[%dma_wait3A_158, %dma_wait3A_159] : memref<10240x128xf32, #tpu.memory_space<vmem_shared>> -> memref<10240x128xf32, #tpu.memory_space<vmem_shared>>
        tpu.wait_indirect_dma semaphore(%run_scoped3A : memref<!tpu.dma_semaphore, #tpu.memory_space<semaphore_mem>>) src(%arg14 : memref<40x128xf32, #tpu.memory_space<vmem>>) dst(%dma_wait3A_160 : memref<10240x128xf32, #tpu.memory_space<vmem_shared>>)
        tpu.yield
      }) : () -> ()
      %lt3A_131 = arith.constant 49 : i32
      %lt3A_132 = arith.cmpi slt, %add3A_63, %lt3A_131 : i32
      %convert_element_type3A_133 = arith.extui %lt3A_132 : i1 to i32
      %cond3A_134 = arith.constant 0 : i32
      %cond3A_135 = arith.cmpi ne, %convert_element_type3A_133, %cond3A_134 : i32
      scf.if %cond3A_135 {
        %add3A_155 = arith.addi %mul3A_4, %mul3A_122 : i32
        %add3A_156 = arith.constant 200 : i32
        %add3A_157 = arith.addi %add3A_155, %add3A_156 : i32
        %dma_start3A_158 = tpu.memref_slice %arg3[%add3A_157] : memref<320000xi32, #tpu.memory_space<hbm>> -> memref<40xi32, #tpu.memory_space<hbm>>
        %dma_start3A_159 = tpu.memref_slice %arg3[%add3A_157] : memref<320000xi32, #tpu.memory_space<hbm>> -> memref<40xi32, #tpu.memory_space<hbm>>
        tpu.enqueue_dma source(%dma_start3A_159 : memref<40xi32, #tpu.memory_space<hbm>>) target(%arg9 : memref<40xi32, #tpu.memory_space<vmem>>) target_semaphore(%arg19 : memref<!tpu.dma_semaphore, #tpu.memory_space<semaphore_mem>>)
        %add3A_160 = arith.addi %mul3A_4, %mul3A_122 : i32
        %add3A_161 = arith.constant 200 : i32
        %add3A_162 = arith.addi %add3A_160, %add3A_161 : i32
        %dma_start3A_163 = arith.constant 0 : i32
        %dma_start3A_164 = tpu.memref_slice %arg2[%add3A_162, %dma_start3A_163] : memref<320000x128xf32, #tpu.memory_space<hbm>> -> memref<40x128xf32, #tpu.memory_space<hbm>>
        %dma_start3A_165 = arith.constant 0 : i32
        %dma_start3A_166 = tpu.memref_slice %arg2[%add3A_162, %dma_start3A_165] : memref<320000x128xf32, #tpu.memory_space<hbm>> -> memref<40x128xf32, #tpu.memory_space<hbm>>
        tpu.enqueue_dma source(%dma_start3A_166 : memref<40x128xf32, #tpu.memory_space<hbm>>) target(%arg14 : memref<40x128xf32, #tpu.memory_space<vmem>>) target_semaphore(%arg24 : memref<!tpu.dma_semaphore, #tpu.memory_space<semaphore_mem>>)
      } else {
      }
      %mul3A_136 = arith.constant 5 : i32
      %mul3A_137 = arith.muli %add3A_63, %mul3A_136 : i32
      %add3A_138 = arith.constant 4 : i32
      %add3A_139 = arith.addi %mul3A_137, %add3A_138 : i32
      %mul3A_140 = arith.constant 40 : i32
      %mul3A_141 = arith.muli %add3A_139, %mul3A_140 : i32
      %add3A_142 = arith.addi %mul3A_4, %mul3A_141 : i32
      %dma_wait3A_143 = tpu.memref_slice %arg3[%add3A_142] : memref<320000xi32, #tpu.memory_space<hbm>> -> memref<40xi32, #tpu.memory_space<hbm>>
      %dma_wait3A_144 = tpu.memref_slice %arg3[%add3A_142] : memref<320000xi32, #tpu.memory_space<hbm>> -> memref<40xi32, #tpu.memory_space<hbm>>
      tpu.wait_dma2 semaphore(%arg20 : memref<!tpu.dma_semaphore, #tpu.memory_space<semaphore_mem>>) src(%dma_wait3A_144 : memref<40xi32, #tpu.memory_space<hbm>>) dst(%arg10 : memref<40xi32, #tpu.memory_space<vmem>>)
      %add3A_145 = arith.addi %mul3A_4, %mul3A_141 : i32
      %dma_wait3A_146 = arith.constant 0 : i32
      %dma_wait3A_147 = tpu.memref_slice %arg2[%add3A_145, %dma_wait3A_146] : memref<320000x128xf32, #tpu.memory_space<hbm>> -> memref<40x128xf32, #tpu.memory_space<hbm>>
      %dma_wait3A_148 = arith.constant 0 : i32
      %dma_wait3A_149 = tpu.memref_slice %arg2[%add3A_145, %dma_wait3A_148] : memref<320000x128xf32, #tpu.memory_space<hbm>> -> memref<40x128xf32, #tpu.memory_space<hbm>>
      tpu.wait_dma2 semaphore(%arg25 : memref<!tpu.dma_semaphore, #tpu.memory_space<semaphore_mem>>) src(%dma_wait3A_149 : memref<40x128xf32, #tpu.memory_space<hbm>>) dst(%arg15 : memref<40x128xf32, #tpu.memory_space<vmem>>)
      "tpu.region"() ({
        %run_scoped3A = tpu.sem_alloc : memref<!tpu.dma_semaphore, #tpu.memory_space<semaphore_mem>>
        %dma_start3A_155 = arith.constant 0 : i32
        %dma_start3A_156 = arith.constant 0 : i32
        %dma_start3A_157 = tpu.memref_slice %arg26[%dma_start3A_155, %dma_start3A_156] : memref<10240x128xf32, #tpu.memory_space<vmem_shared>> -> memref<10240x128xf32, #tpu.memory_space<vmem_shared>>
        tpu.enqueue_indirect_dma source(%arg15 : memref<40x128xf32, #tpu.memory_space<vmem>>) target(%dma_start3A_157 : memref<10240x128xf32, #tpu.memory_space<vmem_shared>>) offsets(%arg10 : memref<40xi32, #tpu.memory_space<vmem>>) semaphore(%run_scoped3A : memref<!tpu.dma_semaphore, #tpu.memory_space<semaphore_mem>>) {add = true}
        %dma_wait3A_158 = arith.constant 0 : i32
        %dma_wait3A_159 = arith.constant 0 : i32
        %dma_wait3A_160 = tpu.memref_slice %arg26[%dma_wait3A_158, %dma_wait3A_159] : memref<10240x128xf32, #tpu.memory_space<vmem_shared>> -> memref<10240x128xf32, #tpu.memory_space<vmem_shared>>
        tpu.wait_indirect_dma semaphore(%run_scoped3A : memref<!tpu.dma_semaphore, #tpu.memory_space<semaphore_mem>>) src(%arg15 : memref<40x128xf32, #tpu.memory_space<vmem>>) dst(%dma_wait3A_160 : memref<10240x128xf32, #tpu.memory_space<vmem_shared>>)
        tpu.yield
      }) : () -> ()
      %lt3A_150 = arith.constant 49 : i32
      %lt3A_151 = arith.cmpi slt, %add3A_63, %lt3A_150 : i32
      %convert_element_type3A_152 = arith.extui %lt3A_151 : i1 to i32
      %cond3A_153 = arith.constant 0 : i32
      %cond3A_154 = arith.cmpi ne, %convert_element_type3A_152, %cond3A_153 : i32
      scf.if %cond3A_154 {
        %add3A_155 = arith.addi %mul3A_4, %mul3A_141 : i32
        %add3A_156 = arith.constant 200 : i32
        %add3A_157 = arith.addi %add3A_155, %add3A_156 : i32
        %dma_start3A_158 = tpu.memref_slice %arg3[%add3A_157] : memref<320000xi32, #tpu.memory_space<hbm>> -> memref<40xi32, #tpu.memory_space<hbm>>
        %dma_start3A_159 = tpu.memref_slice %arg3[%add3A_157] : memref<320000xi32, #tpu.memory_space<hbm>> -> memref<40xi32, #tpu.memory_space<hbm>>
        tpu.enqueue_dma source(%dma_start3A_159 : memref<40xi32, #tpu.memory_space<hbm>>) target(%arg10 : memref<40xi32, #tpu.memory_space<vmem>>) target_semaphore(%arg20 : memref<!tpu.dma_semaphore, #tpu.memory_space<semaphore_mem>>)
        %add3A_160 = arith.addi %mul3A_4, %mul3A_141 : i32
        %add3A_161 = arith.constant 200 : i32
        %add3A_162 = arith.addi %add3A_160, %add3A_161 : i32
        %dma_start3A_163 = arith.constant 0 : i32
        %dma_start3A_164 = tpu.memref_slice %arg2[%add3A_162, %dma_start3A_163] : memref<320000x128xf32, #tpu.memory_space<hbm>> -> memref<40x128xf32, #tpu.memory_space<hbm>>
        %dma_start3A_165 = arith.constant 0 : i32
        %dma_start3A_166 = tpu.memref_slice %arg2[%add3A_162, %dma_start3A_165] : memref<320000x128xf32, #tpu.memory_space<hbm>> -> memref<40x128xf32, #tpu.memory_space<hbm>>
        tpu.enqueue_dma source(%dma_start3A_166 : memref<40x128xf32, #tpu.memory_space<hbm>>) target(%arg15 : memref<40x128xf32, #tpu.memory_space<vmem>>) target_semaphore(%arg25 : memref<!tpu.dma_semaphore, #tpu.memory_space<semaphore_mem>>)
      } else {
      }
    }
    %scan3A_57 = arith.constant 50 : i32
    %barrier3A_58 = arith.constant 0 : index
    tpu.barrier barrier_id(%barrier3A_58)
    "tpu.region"() ({
      %run_scoped3A = tpu.sem_alloc : memref<!tpu.dma_semaphore, #tpu.memory_space<semaphore_mem>>
      %dma_start3A_59 = arith.constant 0 : i32
      %dma_start3A_60 = arith.constant 0 : i32
      %dma_start3A_61 = tpu.memref_slice %arg5[%arg0, %dma_start3A_59, %dma_start3A_60] : memref<2x10240x128xf32, #tpu.memory_space<hbm>> -> memref<1x10240x128xf32, #tpu.memory_space<hbm>>
      %dma_start3A_62 = tpu.memref_squeeze %dma_start3A_61 : memref<1x10240x128xf32, #tpu.memory_space<hbm>> -> memref<10240x128xf32, #tpu.memory_space<hbm>>
      %dma_start3A_63 = arith.constant 0 : i32
      %dma_start3A_64 = tpu.memref_slice %dma_start3A_62[%mul3A_2, %dma_start3A_63] : memref<10240x128xf32, #tpu.memory_space<hbm>> -> memref<640x128xf32, #tpu.memory_space<hbm>>
      %dma_start3A_65 = arith.constant 0 : i32
      %dma_start3A_66 = tpu.memref_slice %arg26[%mul3A_2, %dma_start3A_65] : memref<10240x128xf32, #tpu.memory_space<vmem_shared>> -> memref<640x128xf32, #tpu.memory_space<vmem_shared>>
      tpu.enqueue_dma source(%dma_start3A_66 : memref<640x128xf32, #tpu.memory_space<vmem_shared>>) target(%dma_start3A_64 : memref<640x128xf32, #tpu.memory_space<hbm>>) target_semaphore(%run_scoped3A : memref<!tpu.dma_semaphore, #tpu.memory_space<semaphore_mem>>)
      %dma_wait3A = arith.constant 0 : i32
      %dma_wait3A_67 = arith.constant 0 : i32
      %dma_wait3A_68 = tpu.memref_slice %arg5[%arg0, %dma_wait3A, %dma_wait3A_67] : memref<2x10240x128xf32, #tpu.memory_space<hbm>> -> memref<1x10240x128xf32, #tpu.memory_space<hbm>>
      %dma_wait3A_69 = tpu.memref_squeeze %dma_wait3A_68 : memref<1x10240x128xf32, #tpu.memory_space<hbm>> -> memref<10240x128xf32, #tpu.memory_space<hbm>>
      %dma_wait3A_70 = arith.constant 0 : i32
      %dma_wait3A_71 = tpu.memref_slice %dma_wait3A_69[%mul3A_2, %dma_wait3A_70] : memref<10240x128xf32, #tpu.memory_space<hbm>> -> memref<640x128xf32, #tpu.memory_space<hbm>>
      %dma_wait3A_72 = arith.constant 0 : i32
      %dma_wait3A_73 = tpu.memref_slice %arg26[%mul3A_2, %dma_wait3A_72] : memref<10240x128xf32, #tpu.memory_space<vmem_shared>> -> memref<640x128xf32, #tpu.memory_space<vmem_shared>>
      tpu.wait_dma2 semaphore(%run_scoped3A : memref<!tpu.dma_semaphore, #tpu.memory_space<semaphore_mem>>) src(%dma_wait3A_73 : memref<640x128xf32, #tpu.memory_space<vmem_shared>>) dst(%dma_wait3A_71 : memref<640x128xf32, #tpu.memory_space<hbm>>)
      tpu.yield
    }) : () -> ()
    return
  }
}

#map = affine_map<(d0, d1) -> (0, 0, 0)>
#map1 = affine_map<(d0, d1) -> (0, 0)>
module attributes {stable_mosaic.version = 14 : i64} {
  func.func @k(%arg0: i32, %arg1: i32, %arg2: memref<2x10240x128xf32, #tpu.memory_space<hbm>>, %arg3: memref<2x323584xi32, #tpu.memory_space<hbm>>, %arg4: memref<2x320000x128xf32, #tpu.memory_space<hbm>>, %arg5: memref<128xi32, #tpu.memory_space<vmem>>, %arg6: memref<128xi32, #tpu.memory_space<vmem>>, %arg7: memref<128x128xf32, #tpu.memory_space<vmem>>, %arg8: memref<128x128xf32, #tpu.memory_space<vmem>>, %arg9: memref<!tpu.dma_semaphore, #tpu.memory_space<semaphore_mem>>, %arg10: memref<!tpu.dma_semaphore, #tpu.memory_space<semaphore_mem>>, %arg11: memref<!tpu.dma_semaphore, #tpu.memory_space<semaphore_mem>>, %arg12: memref<!tpu.dma_semaphore, #tpu.memory_space<semaphore_mem>>, %arg13: memref<10240x128xf32, #tpu.memory_space<vmem_shared>>) attributes {dimension_semantics = [#tpu.dimension_semantics<core_parallel>, #tpu.dimension_semantics<subcore_parallel>], iteration_bounds = array<i64: 2, 16>, scalar_prefetch = 0 : i64, scratch_operands = 9 : i64, tpu.core_type = #tpu.core_type<sc_vector_subcore>, window_params = [{transform_indices = #map}, {transform_indices = #map1}, {transform_indices = #map}]} {
    %mul3A = arith.constant 640 : i32
    %mul3A_0 = arith.muli %arg1, %mul3A : i32
    %mul3A_1 = arith.constant 640 : i32
    %mul3A_2 = arith.muli %arg1, %mul3A_1 : i32
    "tpu.region"() ({
      %run_scoped3A = tpu.sem_alloc : memref<!tpu.dma_semaphore, #tpu.memory_space<semaphore_mem>>
      %dma_start3A_58 = arith.constant 0 : i32
      %dma_start3A_59 = tpu.memref_slice %arg13[%mul3A_2, %dma_start3A_58] : memref<10240x128xf32, #tpu.memory_space<vmem_shared>> -> memref<640x128xf32, #tpu.memory_space<vmem_shared>>
      %dma_start3A_60 = arith.constant 0 : i32
      %dma_start3A_61 = arith.constant 0 : i32
      %dma_start3A_62 = tpu.memref_slice %arg2[%arg0, %dma_start3A_60, %dma_start3A_61] : memref<2x10240x128xf32, #tpu.memory_space<hbm>> -> memref<1x10240x128xf32, #tpu.memory_space<hbm>>
      %dma_start3A_63 = tpu.memref_squeeze %dma_start3A_62 : memref<1x10240x128xf32, #tpu.memory_space<hbm>> -> memref<10240x128xf32, #tpu.memory_space<hbm>>
      %dma_start3A_64 = arith.constant 0 : i32
      %dma_start3A_65 = tpu.memref_slice %dma_start3A_63[%mul3A_0, %dma_start3A_64] : memref<10240x128xf32, #tpu.memory_space<hbm>> -> memref<640x128xf32, #tpu.memory_space<hbm>>
      tpu.enqueue_dma source(%dma_start3A_65 : memref<640x128xf32, #tpu.memory_space<hbm>>) target(%dma_start3A_59 : memref<640x128xf32, #tpu.memory_space<vmem_shared>>) target_semaphore(%run_scoped3A : memref<!tpu.dma_semaphore, #tpu.memory_space<semaphore_mem>>)
      %dma_wait3A = arith.constant 0 : i32
      %dma_wait3A_66 = tpu.memref_slice %arg13[%mul3A_2, %dma_wait3A] : memref<10240x128xf32, #tpu.memory_space<vmem_shared>> -> memref<640x128xf32, #tpu.memory_space<vmem_shared>>
      %dma_wait3A_67 = arith.constant 0 : i32
      %dma_wait3A_68 = arith.constant 0 : i32
      %dma_wait3A_69 = tpu.memref_slice %arg2[%arg0, %dma_wait3A_67, %dma_wait3A_68] : memref<2x10240x128xf32, #tpu.memory_space<hbm>> -> memref<1x10240x128xf32, #tpu.memory_space<hbm>>
      %dma_wait3A_70 = tpu.memref_squeeze %dma_wait3A_69 : memref<1x10240x128xf32, #tpu.memory_space<hbm>> -> memref<10240x128xf32, #tpu.memory_space<hbm>>
      %dma_wait3A_71 = arith.constant 0 : i32
      %dma_wait3A_72 = tpu.memref_slice %dma_wait3A_70[%mul3A_0, %dma_wait3A_71] : memref<10240x128xf32, #tpu.memory_space<hbm>> -> memref<640x128xf32, #tpu.memory_space<hbm>>
      tpu.wait_dma2 semaphore(%run_scoped3A : memref<!tpu.dma_semaphore, #tpu.memory_space<semaphore_mem>>) src(%dma_wait3A_72 : memref<640x128xf32, #tpu.memory_space<hbm>>) dst(%dma_wait3A_66 : memref<640x128xf32, #tpu.memory_space<vmem_shared>>)
      tpu.yield
    }) : () -> ()
    %barrier3A = arith.constant 0 : index
    tpu.barrier barrier_id(%barrier3A)
    %mul3A_3 = arith.constant 158 : i32
    %mul3A_4 = arith.muli %arg1, %mul3A_3 : i32
    %mul3A_5 = arith.constant 1 : i32
    %mul3A_6 = arith.muli %arg0, %mul3A_5 : i32
    %add3A = arith.constant 0 : i32
    %add3A_7 = arith.addi %mul3A_6, %add3A : i32
    %add3A_8 = arith.constant 0 : i32
    %add3A_9 = arith.addi %mul3A_4, %add3A_8 : i32
    %mul3A_10 = arith.constant 128 : i32
    %mul3A_11 = arith.muli %add3A_9, %mul3A_10 : i32
    %dma_start3A = arith.constant 0 : i32
    %dma_start3A_12 = tpu.memref_slice %arg3[%add3A_7, %dma_start3A] : memref<2x323584xi32, #tpu.memory_space<hbm>> -> memref<1x323584xi32, #tpu.memory_space<hbm>>
    %dma_start3A_13 = tpu.memref_squeeze %dma_start3A_12 : memref<1x323584xi32, #tpu.memory_space<hbm>> -> memref<323584xi32, #tpu.memory_space<hbm>>
    %dma_start3A_14 = tpu.memref_slice %dma_start3A_13[%mul3A_11] : memref<323584xi32, #tpu.memory_space<hbm>> -> memref<128xi32, #tpu.memory_space<hbm>>
    %dma_start3A_15 = arith.constant 0 : i32
    %dma_start3A_16 = tpu.memref_slice %arg3[%add3A_7, %dma_start3A_15] : memref<2x323584xi32, #tpu.memory_space<hbm>> -> memref<1x323584xi32, #tpu.memory_space<hbm>>
    %dma_start3A_17 = tpu.memref_squeeze %dma_start3A_16 : memref<1x323584xi32, #tpu.memory_space<hbm>> -> memref<323584xi32, #tpu.memory_space<hbm>>
    %dma_start3A_18 = tpu.memref_slice %dma_start3A_17[%mul3A_11] : memref<323584xi32, #tpu.memory_space<hbm>> -> memref<128xi32, #tpu.memory_space<hbm>>
    tpu.enqueue_dma source(%dma_start3A_18 : memref<128xi32, #tpu.memory_space<hbm>>) target(%arg5 : memref<128xi32, #tpu.memory_space<vmem>>) target_semaphore(%arg9 : memref<!tpu.dma_semaphore, #tpu.memory_space<semaphore_mem>>)
    %mul3A_19 = arith.constant 1 : i32
    %mul3A_20 = arith.muli %arg0, %mul3A_19 : i32
    %add3A_21 = arith.constant 0 : i32
    %add3A_22 = arith.addi %mul3A_20, %add3A_21 : i32
    %add3A_23 = arith.constant 1 : i32
    %add3A_24 = arith.addi %mul3A_4, %add3A_23 : i32
    %mul3A_25 = arith.constant 128 : i32
    %mul3A_26 = arith.muli %add3A_24, %mul3A_25 : i32
    %dma_start3A_27 = arith.constant 0 : i32
    %dma_start3A_28 = tpu.memref_slice %arg3[%add3A_22, %dma_start3A_27] : memref<2x323584xi32, #tpu.memory_space<hbm>> -> memref<1x323584xi32, #tpu.memory_space<hbm>>
    %dma_start3A_29 = tpu.memref_squeeze %dma_start3A_28 : memref<1x323584xi32, #tpu.memory_space<hbm>> -> memref<323584xi32, #tpu.memory_space<hbm>>
    %dma_start3A_30 = tpu.memref_slice %dma_start3A_29[%mul3A_26] : memref<323584xi32, #tpu.memory_space<hbm>> -> memref<128xi32, #tpu.memory_space<hbm>>
    %dma_start3A_31 = arith.constant 0 : i32
    %dma_start3A_32 = tpu.memref_slice %arg3[%add3A_22, %dma_start3A_31] : memref<2x323584xi32, #tpu.memory_space<hbm>> -> memref<1x323584xi32, #tpu.memory_space<hbm>>
    %dma_start3A_33 = tpu.memref_squeeze %dma_start3A_32 : memref<1x323584xi32, #tpu.memory_space<hbm>> -> memref<323584xi32, #tpu.memory_space<hbm>>
    %dma_start3A_34 = tpu.memref_slice %dma_start3A_33[%mul3A_26] : memref<323584xi32, #tpu.memory_space<hbm>> -> memref<128xi32, #tpu.memory_space<hbm>>
    tpu.enqueue_dma source(%dma_start3A_34 : memref<128xi32, #tpu.memory_space<hbm>>) target(%arg6 : memref<128xi32, #tpu.memory_space<vmem>>) target_semaphore(%arg10 : memref<!tpu.dma_semaphore, #tpu.memory_space<semaphore_mem>>)
    %scan3A = arith.constant 0 : i32
    %scan3A_35 = arith.constant 79 : i32
    %scan3A_36 = arith.addi %scan3A, %scan3A_35 : i32
    %scan3A_37 = arith.constant 1 : i32
    scf.for %scan3A_58 = %scan3A to %scan3A_36 step %scan3A_37  : i32 {
      %mul3A_59 = arith.constant 1 : i32
      %mul3A_60 = arith.muli %scan3A_58, %mul3A_59 : i32
      %add3A_61 = arith.constant 0 : i32
      %add3A_62 = arith.addi %add3A_61, %mul3A_60 : i32
      %mul3A_63 = arith.constant 2 : i32
      %mul3A_64 = arith.muli %add3A_62, %mul3A_63 : i32
      %add3A_65 = arith.addi %mul3A_4, %mul3A_64 : i32
      %add3A_66 = arith.constant 0 : i32
      %add3A_67 = arith.addi %add3A_65, %add3A_66 : i32
      %mul3A_68 = arith.constant 128 : i32
      %mul3A_69 = arith.muli %add3A_67, %mul3A_68 : i32
      %gt3A = arith.constant 0 : i32
      %gt3A_70 = arith.cmpi sgt, %add3A_62, %gt3A : i32
      %sub3A = arith.constant 256 : i32
      %sub3A_71 = arith.subi %mul3A_69, %sub3A : i32
      %lt3A_72 = arith.constant 320000 : i32
      %lt3A_73 = arith.cmpi slt, %sub3A_71, %lt3A_72 : i32
      %and3A = arith.andi %gt3A_70, %lt3A_73 : i1
      %convert_element_type3A_74 = arith.extui %and3A : i1 to i32
      %cond3A_75 = arith.constant 0 : i32
      %cond3A_76 = arith.cmpi ne, %convert_element_type3A_74, %cond3A_75 : i32
      scf.if %cond3A_76 {
        %sub3A_137 = arith.constant 256 : i32
        %sub3A_138 = arith.subi %mul3A_69, %sub3A_137 : i32
        %dma_wait3A_139 = arith.constant 0 : i32
        %dma_wait3A_140 = arith.constant 0 : i32
        %dma_wait3A_141 = tpu.memref_slice %arg4[%arg0, %dma_wait3A_139, %dma_wait3A_140] : memref<2x320000x128xf32, #tpu.memory_space<hbm>> -> memref<1x320000x128xf32, #tpu.memory_space<hbm>>
        %dma_wait3A_142 = tpu.memref_squeeze %dma_wait3A_141 : memref<1x320000x128xf32, #tpu.memory_space<hbm>> -> memref<320000x128xf32, #tpu.memory_space<hbm>>
        %dma_wait3A_143 = arith.constant 0 : i32
        %dma_wait3A_144 = tpu.memref_slice %dma_wait3A_142[%sub3A_138, %dma_wait3A_143] : memref<320000x128xf32, #tpu.memory_space<hbm>> -> memref<128x128xf32, #tpu.memory_space<hbm>>
        %dma_wait3A_145 = arith.constant 0 : i32
        %dma_wait3A_146 = arith.constant 0 : i32
        %dma_wait3A_147 = tpu.memref_slice %arg4[%arg0, %dma_wait3A_145, %dma_wait3A_146] : memref<2x320000x128xf32, #tpu.memory_space<hbm>> -> memref<1x320000x128xf32, #tpu.memory_space<hbm>>
        %dma_wait3A_148 = tpu.memref_squeeze %dma_wait3A_147 : memref<1x320000x128xf32, #tpu.memory_space<hbm>> -> memref<320000x128xf32, #tpu.memory_space<hbm>>
        %dma_wait3A_149 = arith.constant 0 : i32
        %dma_wait3A_150 = tpu.memref_slice %dma_wait3A_148[%sub3A_138, %dma_wait3A_149] : memref<320000x128xf32, #tpu.memory_space<hbm>> -> memref<128x128xf32, #tpu.memory_space<hbm>>
        tpu.wait_dma2 semaphore(%arg11 : memref<!tpu.dma_semaphore, #tpu.memory_space<semaphore_mem>>) src(%arg7 : memref<128x128xf32, #tpu.memory_space<vmem>>) dst(%dma_wait3A_150 : memref<128x128xf32, #tpu.memory_space<hbm>>)
      } else {
      }
      %mul3A_77 = arith.constant 1 : i32
      %mul3A_78 = arith.muli %arg0, %mul3A_77 : i32
      %add3A_79 = arith.constant 0 : i32
      %add3A_80 = arith.addi %mul3A_78, %add3A_79 : i32
      %dma_wait3A = arith.constant 0 : i32
      %dma_wait3A_81 = tpu.memref_slice %arg3[%add3A_80, %dma_wait3A] : memref<2x323584xi32, #tpu.memory_space<hbm>> -> memref<1x323584xi32, #tpu.memory_space<hbm>>
      %dma_wait3A_82 = tpu.memref_squeeze %dma_wait3A_81 : memref<1x323584xi32, #tpu.memory_space<hbm>> -> memref<323584xi32, #tpu.memory_space<hbm>>
      %dma_wait3A_83 = tpu.memref_slice %dma_wait3A_82[%mul3A_69] : memref<323584xi32, #tpu.memory_space<hbm>> -> memref<128xi32, #tpu.memory_space<hbm>>
      %dma_wait3A_84 = arith.constant 0 : i32
      %dma_wait3A_85 = tpu.memref_slice %arg3[%add3A_80, %dma_wait3A_84] : memref<2x323584xi32, #tpu.memory_space<hbm>> -> memref<1x323584xi32, #tpu.memory_space<hbm>>
      %dma_wait3A_86 = tpu.memref_squeeze %dma_wait3A_85 : memref<1x323584xi32, #tpu.memory_space<hbm>> -> memref<323584xi32, #tpu.memory_space<hbm>>
      %dma_wait3A_87 = tpu.memref_slice %dma_wait3A_86[%mul3A_69] : memref<323584xi32, #tpu.memory_space<hbm>> -> memref<128xi32, #tpu.memory_space<hbm>>
      tpu.wait_dma2 semaphore(%arg9 : memref<!tpu.dma_semaphore, #tpu.memory_space<semaphore_mem>>) src(%dma_wait3A_87 : memref<128xi32, #tpu.memory_space<hbm>>) dst(%arg5 : memref<128xi32, #tpu.memory_space<vmem>>)
      "tpu.region"() ({
        %run_scoped3A = tpu.sem_alloc : memref<!tpu.dma_semaphore, #tpu.memory_space<semaphore_mem>>
        %dma_start3A_137 = arith.constant 0 : i32
        %dma_start3A_138 = arith.constant 0 : i32
        %dma_start3A_139 = tpu.memref_slice %arg13[%dma_start3A_137, %dma_start3A_138] : memref<10240x128xf32, #tpu.memory_space<vmem_shared>> -> memref<10240x128xf32, #tpu.memory_space<vmem_shared>>
        tpu.enqueue_indirect_dma source(%dma_start3A_139 : memref<10240x128xf32, #tpu.memory_space<vmem_shared>>) target(%arg7 : memref<128x128xf32, #tpu.memory_space<vmem>>) offsets(%arg5 : memref<128xi32, #tpu.memory_space<vmem>>) semaphore(%run_scoped3A : memref<!tpu.dma_semaphore, #tpu.memory_space<semaphore_mem>>)
        %dma_wait3A_140 = arith.constant 0 : i32
        %dma_wait3A_141 = arith.constant 0 : i32
        %dma_wait3A_142 = tpu.memref_slice %arg13[%dma_wait3A_140, %dma_wait3A_141] : memref<10240x128xf32, #tpu.memory_space<vmem_shared>> -> memref<10240x128xf32, #tpu.memory_space<vmem_shared>>
        tpu.wait_indirect_dma semaphore(%run_scoped3A : memref<!tpu.dma_semaphore, #tpu.memory_space<semaphore_mem>>) src(%dma_wait3A_142 : memref<10240x128xf32, #tpu.memory_space<vmem_shared>>) dst(%arg7 : memref<128x128xf32, #tpu.memory_space<vmem>>)
        tpu.yield
      }) : () -> ()
      %lt3A_88 = arith.constant 320000 : i32
      %lt3A_89 = arith.cmpi slt, %mul3A_69, %lt3A_88 : i32
      %convert_element_type3A_90 = arith.extui %lt3A_89 : i1 to i32
      %cond3A_91 = arith.constant 0 : i32
      %cond3A_92 = arith.cmpi ne, %convert_element_type3A_90, %cond3A_91 : i32
      scf.if %cond3A_92 {
        %dma_start3A_137 = arith.constant 0 : i32
        %dma_start3A_138 = arith.constant 0 : i32
        %dma_start3A_139 = tpu.memref_slice %arg4[%arg0, %dma_start3A_137, %dma_start3A_138] : memref<2x320000x128xf32, #tpu.memory_space<hbm>> -> memref<1x320000x128xf32, #tpu.memory_space<hbm>>
        %dma_start3A_140 = tpu.memref_squeeze %dma_start3A_139 : memref<1x320000x128xf32, #tpu.memory_space<hbm>> -> memref<320000x128xf32, #tpu.memory_space<hbm>>
        %dma_start3A_141 = arith.constant 0 : i32
        %dma_start3A_142 = tpu.memref_slice %dma_start3A_140[%mul3A_69, %dma_start3A_141] : memref<320000x128xf32, #tpu.memory_space<hbm>> -> memref<128x128xf32, #tpu.memory_space<hbm>>
        %dma_start3A_143 = arith.constant 0 : i32
        %dma_start3A_144 = arith.constant 0 : i32
        %dma_start3A_145 = tpu.memref_slice %arg4[%arg0, %dma_start3A_143, %dma_start3A_144] : memref<2x320000x128xf32, #tpu.memory_space<hbm>> -> memref<1x320000x128xf32, #tpu.memory_space<hbm>>
        %dma_start3A_146 = tpu.memref_squeeze %dma_start3A_145 : memref<1x320000x128xf32, #tpu.memory_space<hbm>> -> memref<320000x128xf32, #tpu.memory_space<hbm>>
        %dma_start3A_147 = arith.constant 0 : i32
        %dma_start3A_148 = tpu.memref_slice %dma_start3A_146[%mul3A_69, %dma_start3A_147] : memref<320000x128xf32, #tpu.memory_space<hbm>> -> memref<128x128xf32, #tpu.memory_space<hbm>>
        tpu.enqueue_dma source(%arg7 : memref<128x128xf32, #tpu.memory_space<vmem>>) target(%dma_start3A_148 : memref<128x128xf32, #tpu.memory_space<hbm>>) target_semaphore(%arg11 : memref<!tpu.dma_semaphore, #tpu.memory_space<semaphore_mem>>)
      } else {
      }
      %lt3A_93 = arith.constant 78 : i32
      %lt3A_94 = arith.cmpi slt, %add3A_62, %lt3A_93 : i32
      %convert_element_type3A_95 = arith.extui %lt3A_94 : i1 to i32
      %cond3A_96 = arith.constant 0 : i32
      %cond3A_97 = arith.cmpi ne, %convert_element_type3A_95, %cond3A_96 : i32
      scf.if %cond3A_97 {
        %mul3A_137 = arith.constant 1 : i32
        %mul3A_138 = arith.muli %arg0, %mul3A_137 : i32
        %add3A_139 = arith.constant 0 : i32
        %add3A_140 = arith.addi %mul3A_138, %add3A_139 : i32
        %add3A_141 = arith.constant 256 : i32
        %add3A_142 = arith.addi %mul3A_69, %add3A_141 : i32
        %dma_start3A_143 = arith.constant 0 : i32
        %dma_start3A_144 = tpu.memref_slice %arg3[%add3A_140, %dma_start3A_143] : memref<2x323584xi32, #tpu.memory_space<hbm>> -> memref<1x323584xi32, #tpu.memory_space<hbm>>
        %dma_start3A_145 = tpu.memref_squeeze %dma_start3A_144 : memref<1x323584xi32, #tpu.memory_space<hbm>> -> memref<323584xi32, #tpu.memory_space<hbm>>
        %dma_start3A_146 = tpu.memref_slice %dma_start3A_145[%add3A_142] : memref<323584xi32, #tpu.memory_space<hbm>> -> memref<128xi32, #tpu.memory_space<hbm>>
        %dma_start3A_147 = arith.constant 0 : i32
        %dma_start3A_148 = tpu.memref_slice %arg3[%add3A_140, %dma_start3A_147] : memref<2x323584xi32, #tpu.memory_space<hbm>> -> memref<1x323584xi32, #tpu.memory_space<hbm>>
        %dma_start3A_149 = tpu.memref_squeeze %dma_start3A_148 : memref<1x323584xi32, #tpu.memory_space<hbm>> -> memref<323584xi32, #tpu.memory_space<hbm>>
        %dma_start3A_150 = tpu.memref_slice %dma_start3A_149[%add3A_142] : memref<323584xi32, #tpu.memory_space<hbm>> -> memref<128xi32, #tpu.memory_space<hbm>>
        tpu.enqueue_dma source(%dma_start3A_150 : memref<128xi32, #tpu.memory_space<hbm>>) target(%arg5 : memref<128xi32, #tpu.memory_space<vmem>>) target_semaphore(%arg9 : memref<!tpu.dma_semaphore, #tpu.memory_space<semaphore_mem>>)
      } else {
      }
      %mul3A_98 = arith.constant 2 : i32
      %mul3A_99 = arith.muli %add3A_62, %mul3A_98 : i32
      %add3A_100 = arith.addi %mul3A_4, %mul3A_99 : i32
      %add3A_101 = arith.constant 1 : i32
      %add3A_102 = arith.addi %add3A_100, %add3A_101 : i32
      %mul3A_103 = arith.constant 128 : i32
      %mul3A_104 = arith.muli %add3A_102, %mul3A_103 : i32
      %gt3A_105 = arith.constant 0 : i32
      %gt3A_106 = arith.cmpi sgt, %add3A_62, %gt3A_105 : i32
      %sub3A_107 = arith.constant 256 : i32
      %sub3A_108 = arith.subi %mul3A_104, %sub3A_107 : i32
      %lt3A_109 = arith.constant 320000 : i32
      %lt3A_110 = arith.cmpi slt, %sub3A_108, %lt3A_109 : i32
      %and3A_111 = arith.andi %gt3A_106, %lt3A_110 : i1
      %convert_element_type3A_112 = arith.extui %and3A_111 : i1 to i32
      %cond3A_113 = arith.constant 0 : i32
      %cond3A_114 = arith.cmpi ne, %convert_element_type3A_112, %cond3A_113 : i32
      scf.if %cond3A_114 {
        %sub3A_137 = arith.constant 256 : i32
        %sub3A_138 = arith.subi %mul3A_104, %sub3A_137 : i32
        %dma_wait3A_139 = arith.constant 0 : i32
        %dma_wait3A_140 = arith.constant 0 : i32
        %dma_wait3A_141 = tpu.memref_slice %arg4[%arg0, %dma_wait3A_139, %dma_wait3A_140] : memref<2x320000x128xf32, #tpu.memory_space<hbm>> -> memref<1x320000x128xf32, #tpu.memory_space<hbm>>
        %dma_wait3A_142 = tpu.memref_squeeze %dma_wait3A_141 : memref<1x320000x128xf32, #tpu.memory_space<hbm>> -> memref<320000x128xf32, #tpu.memory_space<hbm>>
        %dma_wait3A_143 = arith.constant 0 : i32
        %dma_wait3A_144 = tpu.memref_slice %dma_wait3A_142[%sub3A_138, %dma_wait3A_143] : memref<320000x128xf32, #tpu.memory_space<hbm>> -> memref<128x128xf32, #tpu.memory_space<hbm>>
        %dma_wait3A_145 = arith.constant 0 : i32
        %dma_wait3A_146 = arith.constant 0 : i32
        %dma_wait3A_147 = tpu.memref_slice %arg4[%arg0, %dma_wait3A_145, %dma_wait3A_146] : memref<2x320000x128xf32, #tpu.memory_space<hbm>> -> memref<1x320000x128xf32, #tpu.memory_space<hbm>>
        %dma_wait3A_148 = tpu.memref_squeeze %dma_wait3A_147 : memref<1x320000x128xf32, #tpu.memory_space<hbm>> -> memref<320000x128xf32, #tpu.memory_space<hbm>>
        %dma_wait3A_149 = arith.constant 0 : i32
        %dma_wait3A_150 = tpu.memref_slice %dma_wait3A_148[%sub3A_138, %dma_wait3A_149] : memref<320000x128xf32, #tpu.memory_space<hbm>> -> memref<128x128xf32, #tpu.memory_space<hbm>>
        tpu.wait_dma2 semaphore(%arg12 : memref<!tpu.dma_semaphore, #tpu.memory_space<semaphore_mem>>) src(%arg8 : memref<128x128xf32, #tpu.memory_space<vmem>>) dst(%dma_wait3A_150 : memref<128x128xf32, #tpu.memory_space<hbm>>)
      } else {
      }
      %mul3A_115 = arith.constant 1 : i32
      %mul3A_116 = arith.muli %arg0, %mul3A_115 : i32
      %add3A_117 = arith.constant 0 : i32
      %add3A_118 = arith.addi %mul3A_116, %add3A_117 : i32
      %dma_wait3A_119 = arith.constant 0 : i32
      %dma_wait3A_120 = tpu.memref_slice %arg3[%add3A_118, %dma_wait3A_119] : memref<2x323584xi32, #tpu.memory_space<hbm>> -> memref<1x323584xi32, #tpu.memory_space<hbm>>
      %dma_wait3A_121 = tpu.memref_squeeze %dma_wait3A_120 : memref<1x323584xi32, #tpu.memory_space<hbm>> -> memref<323584xi32, #tpu.memory_space<hbm>>
      %dma_wait3A_122 = tpu.memref_slice %dma_wait3A_121[%mul3A_104] : memref<323584xi32, #tpu.memory_space<hbm>> -> memref<128xi32, #tpu.memory_space<hbm>>
      %dma_wait3A_123 = arith.constant 0 : i32
      %dma_wait3A_124 = tpu.memref_slice %arg3[%add3A_118, %dma_wait3A_123] : memref<2x323584xi32, #tpu.memory_space<hbm>> -> memref<1x323584xi32, #tpu.memory_space<hbm>>
      %dma_wait3A_125 = tpu.memref_squeeze %dma_wait3A_124 : memref<1x323584xi32, #tpu.memory_space<hbm>> -> memref<323584xi32, #tpu.memory_space<hbm>>
      %dma_wait3A_126 = tpu.memref_slice %dma_wait3A_125[%mul3A_104] : memref<323584xi32, #tpu.memory_space<hbm>> -> memref<128xi32, #tpu.memory_space<hbm>>
      tpu.wait_dma2 semaphore(%arg10 : memref<!tpu.dma_semaphore, #tpu.memory_space<semaphore_mem>>) src(%dma_wait3A_126 : memref<128xi32, #tpu.memory_space<hbm>>) dst(%arg6 : memref<128xi32, #tpu.memory_space<vmem>>)
      "tpu.region"() ({
        %run_scoped3A = tpu.sem_alloc : memref<!tpu.dma_semaphore, #tpu.memory_space<semaphore_mem>>
        %dma_start3A_137 = arith.constant 0 : i32
        %dma_start3A_138 = arith.constant 0 : i32
        %dma_start3A_139 = tpu.memref_slice %arg13[%dma_start3A_137, %dma_start3A_138] : memref<10240x128xf32, #tpu.memory_space<vmem_shared>> -> memref<10240x128xf32, #tpu.memory_space<vmem_shared>>
        tpu.enqueue_indirect_dma source(%dma_start3A_139 : memref<10240x128xf32, #tpu.memory_space<vmem_shared>>) target(%arg8 : memref<128x128xf32, #tpu.memory_space<vmem>>) offsets(%arg6 : memref<128xi32, #tpu.memory_space<vmem>>) semaphore(%run_scoped3A : memref<!tpu.dma_semaphore, #tpu.memory_space<semaphore_mem>>)
        %dma_wait3A_140 = arith.constant 0 : i32
        %dma_wait3A_141 = arith.constant 0 : i32
        %dma_wait3A_142 = tpu.memref_slice %arg13[%dma_wait3A_140, %dma_wait3A_141] : memref<10240x128xf32, #tpu.memory_space<vmem_shared>> -> memref<10240x128xf32, #tpu.memory_space<vmem_shared>>
        tpu.wait_indirect_dma semaphore(%run_scoped3A : memref<!tpu.dma_semaphore, #tpu.memory_space<semaphore_mem>>) src(%dma_wait3A_142 : memref<10240x128xf32, #tpu.memory_space<vmem_shared>>) dst(%arg8 : memref<128x128xf32, #tpu.memory_space<vmem>>)
        tpu.yield
      }) : () -> ()
      %lt3A_127 = arith.constant 320000 : i32
      %lt3A_128 = arith.cmpi slt, %mul3A_104, %lt3A_127 : i32
      %convert_element_type3A_129 = arith.extui %lt3A_128 : i1 to i32
      %cond3A_130 = arith.constant 0 : i32
      %cond3A_131 = arith.cmpi ne, %convert_element_type3A_129, %cond3A_130 : i32
      scf.if %cond3A_131 {
        %dma_start3A_137 = arith.constant 0 : i32
        %dma_start3A_138 = arith.constant 0 : i32
        %dma_start3A_139 = tpu.memref_slice %arg4[%arg0, %dma_start3A_137, %dma_start3A_138] : memref<2x320000x128xf32, #tpu.memory_space<hbm>> -> memref<1x320000x128xf32, #tpu.memory_space<hbm>>
        %dma_start3A_140 = tpu.memref_squeeze %dma_start3A_139 : memref<1x320000x128xf32, #tpu.memory_space<hbm>> -> memref<320000x128xf32, #tpu.memory_space<hbm>>
        %dma_start3A_141 = arith.constant 0 : i32
        %dma_start3A_142 = tpu.memref_slice %dma_start3A_140[%mul3A_104, %dma_start3A_141] : memref<320000x128xf32, #tpu.memory_space<hbm>> -> memref<128x128xf32, #tpu.memory_space<hbm>>
        %dma_start3A_143 = arith.constant 0 : i32
        %dma_start3A_144 = arith.constant 0 : i32
        %dma_start3A_145 = tpu.memref_slice %arg4[%arg0, %dma_start3A_143, %dma_start3A_144] : memref<2x320000x128xf32, #tpu.memory_space<hbm>> -> memref<1x320000x128xf32, #tpu.memory_space<hbm>>
        %dma_start3A_146 = tpu.memref_squeeze %dma_start3A_145 : memref<1x320000x128xf32, #tpu.memory_space<hbm>> -> memref<320000x128xf32, #tpu.memory_space<hbm>>
        %dma_start3A_147 = arith.constant 0 : i32
        %dma_start3A_148 = tpu.memref_slice %dma_start3A_146[%mul3A_104, %dma_start3A_147] : memref<320000x128xf32, #tpu.memory_space<hbm>> -> memref<128x128xf32, #tpu.memory_space<hbm>>
        tpu.enqueue_dma source(%arg8 : memref<128x128xf32, #tpu.memory_space<vmem>>) target(%dma_start3A_148 : memref<128x128xf32, #tpu.memory_space<hbm>>) target_semaphore(%arg12 : memref<!tpu.dma_semaphore, #tpu.memory_space<semaphore_mem>>)
      } else {
      }
      %lt3A_132 = arith.constant 78 : i32
      %lt3A_133 = arith.cmpi slt, %add3A_62, %lt3A_132 : i32
      %convert_element_type3A_134 = arith.extui %lt3A_133 : i1 to i32
      %cond3A_135 = arith.constant 0 : i32
      %cond3A_136 = arith.cmpi ne, %convert_element_type3A_134, %cond3A_135 : i32
      scf.if %cond3A_136 {
        %mul3A_137 = arith.constant 1 : i32
        %mul3A_138 = arith.muli %arg0, %mul3A_137 : i32
        %add3A_139 = arith.constant 0 : i32
        %add3A_140 = arith.addi %mul3A_138, %add3A_139 : i32
        %add3A_141 = arith.constant 256 : i32
        %add3A_142 = arith.addi %mul3A_104, %add3A_141 : i32
        %dma_start3A_143 = arith.constant 0 : i32
        %dma_start3A_144 = tpu.memref_slice %arg3[%add3A_140, %dma_start3A_143] : memref<2x323584xi32, #tpu.memory_space<hbm>> -> memref<1x323584xi32, #tpu.memory_space<hbm>>
        %dma_start3A_145 = tpu.memref_squeeze %dma_start3A_144 : memref<1x323584xi32, #tpu.memory_space<hbm>> -> memref<323584xi32, #tpu.memory_space<hbm>>
        %dma_start3A_146 = tpu.memref_slice %dma_start3A_145[%add3A_142] : memref<323584xi32, #tpu.memory_space<hbm>> -> memref<128xi32, #tpu.memory_space<hbm>>
        %dma_start3A_147 = arith.constant 0 : i32
        %dma_start3A_148 = tpu.memref_slice %arg3[%add3A_140, %dma_start3A_147] : memref<2x323584xi32, #tpu.memory_space<hbm>> -> memref<1x323584xi32, #tpu.memory_space<hbm>>
        %dma_start3A_149 = tpu.memref_squeeze %dma_start3A_148 : memref<1x323584xi32, #tpu.memory_space<hbm>> -> memref<323584xi32, #tpu.memory_space<hbm>>
        %dma_start3A_150 = tpu.memref_slice %dma_start3A_149[%add3A_142] : memref<323584xi32, #tpu.memory_space<hbm>> -> memref<128xi32, #tpu.memory_space<hbm>>
        tpu.enqueue_dma source(%dma_start3A_150 : memref<128xi32, #tpu.memory_space<hbm>>) target(%arg6 : memref<128xi32, #tpu.memory_space<vmem>>) target_semaphore(%arg10 : memref<!tpu.dma_semaphore, #tpu.memory_space<semaphore_mem>>)
      } else {
      }
    }
    %scan3A_38 = arith.constant 79 : i32
    %add3A_39 = arith.constant 156 : i32
    %add3A_40 = arith.addi %mul3A_4, %add3A_39 : i32
    %add3A_41 = arith.constant 0 : i32
    %add3A_42 = arith.addi %add3A_40, %add3A_41 : i32
    %mul3A_43 = arith.constant 128 : i32
    %mul3A_44 = arith.muli %add3A_42, %mul3A_43 : i32
    %lt3A = arith.constant 320000 : i32
    %lt3A_45 = arith.cmpi slt, %mul3A_44, %lt3A : i32
    %convert_element_type3A = arith.extui %lt3A_45 : i1 to i32
    %cond3A = arith.constant 0 : i32
    %cond3A_46 = arith.cmpi ne, %convert_element_type3A, %cond3A : i32
    scf.if %cond3A_46 {
      %dma_wait3A = arith.constant 0 : i32
      %dma_wait3A_58 = arith.constant 0 : i32
      %dma_wait3A_59 = tpu.memref_slice %arg4[%arg0, %dma_wait3A, %dma_wait3A_58] : memref<2x320000x128xf32, #tpu.memory_space<hbm>> -> memref<1x320000x128xf32, #tpu.memory_space<hbm>>
      %dma_wait3A_60 = tpu.memref_squeeze %dma_wait3A_59 : memref<1x320000x128xf32, #tpu.memory_space<hbm>> -> memref<320000x128xf32, #tpu.memory_space<hbm>>
      %dma_wait3A_61 = arith.constant 0 : i32
      %dma_wait3A_62 = tpu.memref_slice %dma_wait3A_60[%mul3A_44, %dma_wait3A_61] : memref<320000x128xf32, #tpu.memory_space<hbm>> -> memref<128x128xf32, #tpu.memory_space<hbm>>
      %dma_wait3A_63 = arith.constant 0 : i32
      %dma_wait3A_64 = arith.constant 0 : i32
      %dma_wait3A_65 = tpu.memref_slice %arg4[%arg0, %dma_wait3A_63, %dma_wait3A_64] : memref<2x320000x128xf32, #tpu.memory_space<hbm>> -> memref<1x320000x128xf32, #tpu.memory_space<hbm>>
      %dma_wait3A_66 = tpu.memref_squeeze %dma_wait3A_65 : memref<1x320000x128xf32, #tpu.memory_space<hbm>> -> memref<320000x128xf32, #tpu.memory_space<hbm>>
      %dma_wait3A_67 = arith.constant 0 : i32
      %dma_wait3A_68 = tpu.memref_slice %dma_wait3A_66[%mul3A_44, %dma_wait3A_67] : memref<320000x128xf32, #tpu.memory_space<hbm>> -> memref<128x128xf32, #tpu.memory_space<hbm>>
      tpu.wait_dma2 semaphore(%arg11 : memref<!tpu.dma_semaphore, #tpu.memory_space<semaphore_mem>>) src(%arg7 : memref<128x128xf32, #tpu.memory_space<vmem>>) dst(%dma_wait3A_68 : memref<128x128xf32, #tpu.memory_space<hbm>>)
    } else {
    }
    %add3A_47 = arith.constant 156 : i32
    %add3A_48 = arith.addi %mul3A_4, %add3A_47 : i32
    %add3A_49 = arith.constant 1 : i32
    %add3A_50 = arith.addi %add3A_48, %add3A_49 : i32
    %mul3A_51 = arith.constant 128 : i32
    %mul3A_52 = arith.muli %add3A_50, %mul3A_51 : i32
    %lt3A_53 = arith.constant 320000 : i32
    %lt3A_54 = arith.cmpi slt, %mul3A_52, %lt3A_53 : i32
    %convert_element_type3A_55 = arith.extui %lt3A_54 : i1 to i32
    %cond3A_56 = arith.constant 0 : i32
    %cond3A_57 = arith.cmpi ne, %convert_element_type3A_55, %cond3A_56 : i32
    scf.if %cond3A_57 {
      %dma_wait3A = arith.constant 0 : i32
      %dma_wait3A_58 = arith.constant 0 : i32
      %dma_wait3A_59 = tpu.memref_slice %arg4[%arg0, %dma_wait3A, %dma_wait3A_58] : memref<2x320000x128xf32, #tpu.memory_space<hbm>> -> memref<1x320000x128xf32, #tpu.memory_space<hbm>>
      %dma_wait3A_60 = tpu.memref_squeeze %dma_wait3A_59 : memref<1x320000x128xf32, #tpu.memory_space<hbm>> -> memref<320000x128xf32, #tpu.memory_space<hbm>>
      %dma_wait3A_61 = arith.constant 0 : i32
      %dma_wait3A_62 = tpu.memref_slice %dma_wait3A_60[%mul3A_52, %dma_wait3A_61] : memref<320000x128xf32, #tpu.memory_space<hbm>> -> memref<128x128xf32, #tpu.memory_space<hbm>>
      %dma_wait3A_63 = arith.constant 0 : i32
      %dma_wait3A_64 = arith.constant 0 : i32
      %dma_wait3A_65 = tpu.memref_slice %arg4[%arg0, %dma_wait3A_63, %dma_wait3A_64] : memref<2x320000x128xf32, #tpu.memory_space<hbm>> -> memref<1x320000x128xf32, #tpu.memory_space<hbm>>
      %dma_wait3A_66 = tpu.memref_squeeze %dma_wait3A_65 : memref<1x320000x128xf32, #tpu.memory_space<hbm>> -> memref<320000x128xf32, #tpu.memory_space<hbm>>
      %dma_wait3A_67 = arith.constant 0 : i32
      %dma_wait3A_68 = tpu.memref_slice %dma_wait3A_66[%mul3A_52, %dma_wait3A_67] : memref<320000x128xf32, #tpu.memory_space<hbm>> -> memref<128x128xf32, #tpu.memory_space<hbm>>
      tpu.wait_dma2 semaphore(%arg12 : memref<!tpu.dma_semaphore, #tpu.memory_space<semaphore_mem>>) src(%arg8 : memref<128x128xf32, #tpu.memory_space<vmem>>) dst(%dma_wait3A_68 : memref<128x128xf32, #tpu.memory_space<hbm>>)
    } else {
    }
    return
  }
}

#map = affine_map<(d0, d1) -> (0, 0, 0)>
#map1 = affine_map<(d0, d1) -> (0, 0)>
module attributes {stable_mosaic.version = 14 : i64} {
  func.func @k(%arg0: i32, %arg1: i32, %arg2: memref<2x10240x128xf32, #tpu.memory_space<hbm>>, %arg3: memref<2x323584xi32, #tpu.memory_space<hbm>>, %arg4: memref<2x320000x128xf32, #tpu.memory_space<hbm>>, %arg5: memref<128xi32, #tpu.memory_space<vmem>>, %arg6: memref<128xi32, #tpu.memory_space<vmem>>, %arg7: memref<128x128xf32, #tpu.memory_space<vmem>>, %arg8: memref<128x128xf32, #tpu.memory_space<vmem>>, %arg9: memref<!tpu.dma_semaphore, #tpu.memory_space<semaphore_mem>>, %arg10: memref<!tpu.dma_semaphore, #tpu.memory_space<semaphore_mem>>, %arg11: memref<!tpu.dma_semaphore, #tpu.memory_space<semaphore_mem>>, %arg12: memref<!tpu.dma_semaphore, #tpu.memory_space<semaphore_mem>>, %arg13: memref<10240x128xf32, #tpu.memory_space<vmem_shared>>) attributes {dimension_semantics = [#tpu.dimension_semantics<core_parallel>, #tpu.dimension_semantics<subcore_parallel>], iteration_bounds = array<i64: 2, 16>, scalar_prefetch = 0 : i64, scratch_operands = 9 : i64, tpu.core_type = #tpu.core_type<sc_vector_subcore>, window_params = [{transform_indices = #map}, {transform_indices = #map1}, {transform_indices = #map}]} {
    %mul3A = arith.constant 640 : i32
    %mul3A_0 = arith.muli %arg1, %mul3A : i32
    %mul3A_1 = arith.constant 640 : i32
    %mul3A_2 = arith.muli %arg1, %mul3A_1 : i32
    "tpu.region"() ({
      %run_scoped3A = tpu.sem_alloc : memref<!tpu.dma_semaphore, #tpu.memory_space<semaphore_mem>>
      %dma_start3A_58 = arith.constant 0 : i32
      %dma_start3A_59 = tpu.memref_slice %arg13[%mul3A_2, %dma_start3A_58] : memref<10240x128xf32, #tpu.memory_space<vmem_shared>> -> memref<640x128xf32, #tpu.memory_space<vmem_shared>>
      %dma_start3A_60 = arith.constant 0 : i32
      %dma_start3A_61 = arith.constant 0 : i32
      %dma_start3A_62 = tpu.memref_slice %arg2[%arg0, %dma_start3A_60, %dma_start3A_61] : memref<2x10240x128xf32, #tpu.memory_space<hbm>> -> memref<1x10240x128xf32, #tpu.memory_space<hbm>>
      %dma_start3A_63 = tpu.memref_squeeze %dma_start3A_62 : memref<1x10240x128xf32, #tpu.memory_space<hbm>> -> memref<10240x128xf32, #tpu.memory_space<hbm>>
      %dma_start3A_64 = arith.constant 0 : i32
      %dma_start3A_65 = tpu.memref_slice %dma_start3A_63[%mul3A_0, %dma_start3A_64] : memref<10240x128xf32, #tpu.memory_space<hbm>> -> memref<640x128xf32, #tpu.memory_space<hbm>>
      tpu.enqueue_dma source(%dma_start3A_65 : memref<640x128xf32, #tpu.memory_space<hbm>>) target(%dma_start3A_59 : memref<640x128xf32, #tpu.memory_space<vmem_shared>>) target_semaphore(%run_scoped3A : memref<!tpu.dma_semaphore, #tpu.memory_space<semaphore_mem>>)
      %dma_wait3A = arith.constant 0 : i32
      %dma_wait3A_66 = tpu.memref_slice %arg13[%mul3A_2, %dma_wait3A] : memref<10240x128xf32, #tpu.memory_space<vmem_shared>> -> memref<640x128xf32, #tpu.memory_space<vmem_shared>>
      %dma_wait3A_67 = arith.constant 0 : i32
      %dma_wait3A_68 = arith.constant 0 : i32
      %dma_wait3A_69 = tpu.memref_slice %arg2[%arg0, %dma_wait3A_67, %dma_wait3A_68] : memref<2x10240x128xf32, #tpu.memory_space<hbm>> -> memref<1x10240x128xf32, #tpu.memory_space<hbm>>
      %dma_wait3A_70 = tpu.memref_squeeze %dma_wait3A_69 : memref<1x10240x128xf32, #tpu.memory_space<hbm>> -> memref<10240x128xf32, #tpu.memory_space<hbm>>
      %dma_wait3A_71 = arith.constant 0 : i32
      %dma_wait3A_72 = tpu.memref_slice %dma_wait3A_70[%mul3A_0, %dma_wait3A_71] : memref<10240x128xf32, #tpu.memory_space<hbm>> -> memref<640x128xf32, #tpu.memory_space<hbm>>
      tpu.wait_dma2 semaphore(%run_scoped3A : memref<!tpu.dma_semaphore, #tpu.memory_space<semaphore_mem>>) src(%dma_wait3A_72 : memref<640x128xf32, #tpu.memory_space<hbm>>) dst(%dma_wait3A_66 : memref<640x128xf32, #tpu.memory_space<vmem_shared>>)
      tpu.yield
    }) : () -> ()
    %barrier3A = arith.constant 0 : index
    tpu.barrier barrier_id(%barrier3A)
    %mul3A_3 = arith.constant 158 : i32
    %mul3A_4 = arith.muli %arg1, %mul3A_3 : i32
    %mul3A_5 = arith.constant 1 : i32
    %mul3A_6 = arith.muli %arg0, %mul3A_5 : i32
    %add3A = arith.constant 0 : i32
    %add3A_7 = arith.addi %mul3A_6, %add3A : i32
    %add3A_8 = arith.constant 0 : i32
    %add3A_9 = arith.addi %mul3A_4, %add3A_8 : i32
    %mul3A_10 = arith.constant 128 : i32
    %mul3A_11 = arith.muli %add3A_9, %mul3A_10 : i32
    %dma_start3A = arith.constant 0 : i32
    %dma_start3A_12 = tpu.memref_slice %arg3[%add3A_7, %dma_start3A] : memref<2x323584xi32, #tpu.memory_space<hbm>> -> memref<1x323584xi32, #tpu.memory_space<hbm>>
    %dma_start3A_13 = tpu.memref_squeeze %dma_start3A_12 : memref<1x323584xi32, #tpu.memory_space<hbm>> -> memref<323584xi32, #tpu.memory_space<hbm>>
    %dma_start3A_14 = tpu.memref_slice %dma_start3A_13[%mul3A_11] : memref<323584xi32, #tpu.memory_space<hbm>> -> memref<128xi32, #tpu.memory_space<hbm>>
    %dma_start3A_15 = arith.constant 0 : i32
    %dma_start3A_16 = tpu.memref_slice %arg3[%add3A_7, %dma_start3A_15] : memref<2x323584xi32, #tpu.memory_space<hbm>> -> memref<1x323584xi32, #tpu.memory_space<hbm>>
    %dma_start3A_17 = tpu.memref_squeeze %dma_start3A_16 : memref<1x323584xi32, #tpu.memory_space<hbm>> -> memref<323584xi32, #tpu.memory_space<hbm>>
    %dma_start3A_18 = tpu.memref_slice %dma_start3A_17[%mul3A_11] : memref<323584xi32, #tpu.memory_space<hbm>> -> memref<128xi32, #tpu.memory_space<hbm>>
    tpu.enqueue_dma source(%dma_start3A_18 : memref<128xi32, #tpu.memory_space<hbm>>) target(%arg5 : memref<128xi32, #tpu.memory_space<vmem>>) target_semaphore(%arg9 : memref<!tpu.dma_semaphore, #tpu.memory_space<semaphore_mem>>)
    %mul3A_19 = arith.constant 1 : i32
    %mul3A_20 = arith.muli %arg0, %mul3A_19 : i32
    %add3A_21 = arith.constant 0 : i32
    %add3A_22 = arith.addi %mul3A_20, %add3A_21 : i32
    %add3A_23 = arith.constant 1 : i32
    %add3A_24 = arith.addi %mul3A_4, %add3A_23 : i32
    %mul3A_25 = arith.constant 128 : i32
    %mul3A_26 = arith.muli %add3A_24, %mul3A_25 : i32
    %dma_start3A_27 = arith.constant 0 : i32
    %dma_start3A_28 = tpu.memref_slice %arg3[%add3A_22, %dma_start3A_27] : memref<2x323584xi32, #tpu.memory_space<hbm>> -> memref<1x323584xi32, #tpu.memory_space<hbm>>
    %dma_start3A_29 = tpu.memref_squeeze %dma_start3A_28 : memref<1x323584xi32, #tpu.memory_space<hbm>> -> memref<323584xi32, #tpu.memory_space<hbm>>
    %dma_start3A_30 = tpu.memref_slice %dma_start3A_29[%mul3A_26] : memref<323584xi32, #tpu.memory_space<hbm>> -> memref<128xi32, #tpu.memory_space<hbm>>
    %dma_start3A_31 = arith.constant 0 : i32
    %dma_start3A_32 = tpu.memref_slice %arg3[%add3A_22, %dma_start3A_31] : memref<2x323584xi32, #tpu.memory_space<hbm>> -> memref<1x323584xi32, #tpu.memory_space<hbm>>
    %dma_start3A_33 = tpu.memref_squeeze %dma_start3A_32 : memref<1x323584xi32, #tpu.memory_space<hbm>> -> memref<323584xi32, #tpu.memory_space<hbm>>
    %dma_start3A_34 = tpu.memref_slice %dma_start3A_33[%mul3A_26] : memref<323584xi32, #tpu.memory_space<hbm>> -> memref<128xi32, #tpu.memory_space<hbm>>
    tpu.enqueue_dma source(%dma_start3A_34 : memref<128xi32, #tpu.memory_space<hbm>>) target(%arg6 : memref<128xi32, #tpu.memory_space<vmem>>) target_semaphore(%arg10 : memref<!tpu.dma_semaphore, #tpu.memory_space<semaphore_mem>>)
    %scan3A = arith.constant 0 : i32
    %scan3A_35 = arith.constant 79 : i32
    %scan3A_36 = arith.addi %scan3A, %scan3A_35 : i32
    %scan3A_37 = arith.constant 1 : i32
    scf.for %scan3A_58 = %scan3A to %scan3A_36 step %scan3A_37  : i32 {
      %mul3A_59 = arith.constant 1 : i32
      %mul3A_60 = arith.muli %scan3A_58, %mul3A_59 : i32
      %add3A_61 = arith.constant 0 : i32
      %add3A_62 = arith.addi %add3A_61, %mul3A_60 : i32
      %mul3A_63 = arith.constant 2 : i32
      %mul3A_64 = arith.muli %add3A_62, %mul3A_63 : i32
      %add3A_65 = arith.addi %mul3A_4, %mul3A_64 : i32
      %add3A_66 = arith.constant 0 : i32
      %add3A_67 = arith.addi %add3A_65, %add3A_66 : i32
      %mul3A_68 = arith.constant 128 : i32
      %mul3A_69 = arith.muli %add3A_67, %mul3A_68 : i32
      %gt3A = arith.constant 0 : i32
      %gt3A_70 = arith.cmpi sgt, %add3A_62, %gt3A : i32
      %sub3A = arith.constant 256 : i32
      %sub3A_71 = arith.subi %mul3A_69, %sub3A : i32
      %lt3A_72 = arith.constant 320000 : i32
      %lt3A_73 = arith.cmpi slt, %sub3A_71, %lt3A_72 : i32
      %and3A = arith.andi %gt3A_70, %lt3A_73 : i1
      %convert_element_type3A_74 = arith.extui %and3A : i1 to i32
      %cond3A_75 = arith.constant 0 : i32
      %cond3A_76 = arith.cmpi ne, %convert_element_type3A_74, %cond3A_75 : i32
      scf.if %cond3A_76 {
        %sub3A_137 = arith.constant 256 : i32
        %sub3A_138 = arith.subi %mul3A_69, %sub3A_137 : i32
        %dma_wait3A_139 = arith.constant 0 : i32
        %dma_wait3A_140 = arith.constant 0 : i32
        %dma_wait3A_141 = tpu.memref_slice %arg4[%arg0, %dma_wait3A_139, %dma_wait3A_140] : memref<2x320000x128xf32, #tpu.memory_space<hbm>> -> memref<1x320000x128xf32, #tpu.memory_space<hbm>>
        %dma_wait3A_142 = tpu.memref_squeeze %dma_wait3A_141 : memref<1x320000x128xf32, #tpu.memory_space<hbm>> -> memref<320000x128xf32, #tpu.memory_space<hbm>>
        %dma_wait3A_143 = arith.constant 0 : i32
        %dma_wait3A_144 = tpu.memref_slice %dma_wait3A_142[%sub3A_138, %dma_wait3A_143] : memref<320000x128xf32, #tpu.memory_space<hbm>> -> memref<128x128xf32, #tpu.memory_space<hbm>>
        %dma_wait3A_145 = arith.constant 0 : i32
        %dma_wait3A_146 = arith.constant 0 : i32
        %dma_wait3A_147 = tpu.memref_slice %arg4[%arg0, %dma_wait3A_145, %dma_wait3A_146] : memref<2x320000x128xf32, #tpu.memory_space<hbm>> -> memref<1x320000x128xf32, #tpu.memory_space<hbm>>
        %dma_wait3A_148 = tpu.memref_squeeze %dma_wait3A_147 : memref<1x320000x128xf32, #tpu.memory_space<hbm>> -> memref<320000x128xf32, #tpu.memory_space<hbm>>
        %dma_wait3A_149 = arith.constant 0 : i32
        %dma_wait3A_150 = tpu.memref_slice %dma_wait3A_148[%sub3A_138, %dma_wait3A_149] : memref<320000x128xf32, #tpu.memory_space<hbm>> -> memref<128x128xf32, #tpu.memory_space<hbm>>
        tpu.wait_dma2 semaphore(%arg11 : memref<!tpu.dma_semaphore, #tpu.memory_space<semaphore_mem>>) src(%arg7 : memref<128x128xf32, #tpu.memory_space<vmem>>) dst(%dma_wait3A_150 : memref<128x128xf32, #tpu.memory_space<hbm>>)
      } else {
      }
      %mul3A_77 = arith.constant 1 : i32
      %mul3A_78 = arith.muli %arg0, %mul3A_77 : i32
      %add3A_79 = arith.constant 0 : i32
      %add3A_80 = arith.addi %mul3A_78, %add3A_79 : i32
      %dma_wait3A = arith.constant 0 : i32
      %dma_wait3A_81 = tpu.memref_slice %arg3[%add3A_80, %dma_wait3A] : memref<2x323584xi32, #tpu.memory_space<hbm>> -> memref<1x323584xi32, #tpu.memory_space<hbm>>
      %dma_wait3A_82 = tpu.memref_squeeze %dma_wait3A_81 : memref<1x323584xi32, #tpu.memory_space<hbm>> -> memref<323584xi32, #tpu.memory_space<hbm>>
      %dma_wait3A_83 = tpu.memref_slice %dma_wait3A_82[%mul3A_69] : memref<323584xi32, #tpu.memory_space<hbm>> -> memref<128xi32, #tpu.memory_space<hbm>>
      %dma_wait3A_84 = arith.constant 0 : i32
      %dma_wait3A_85 = tpu.memref_slice %arg3[%add3A_80, %dma_wait3A_84] : memref<2x323584xi32, #tpu.memory_space<hbm>> -> memref<1x323584xi32, #tpu.memory_space<hbm>>
      %dma_wait3A_86 = tpu.memref_squeeze %dma_wait3A_85 : memref<1x323584xi32, #tpu.memory_space<hbm>> -> memref<323584xi32, #tpu.memory_space<hbm>>
      %dma_wait3A_87 = tpu.memref_slice %dma_wait3A_86[%mul3A_69] : memref<323584xi32, #tpu.memory_space<hbm>> -> memref<128xi32, #tpu.memory_space<hbm>>
      tpu.wait_dma2 semaphore(%arg9 : memref<!tpu.dma_semaphore, #tpu.memory_space<semaphore_mem>>) src(%dma_wait3A_87 : memref<128xi32, #tpu.memory_space<hbm>>) dst(%arg5 : memref<128xi32, #tpu.memory_space<vmem>>)
      "tpu.region"() ({
        %run_scoped3A = tpu.sem_alloc : memref<!tpu.dma_semaphore, #tpu.memory_space<semaphore_mem>>
        %dma_start3A_137 = arith.constant 0 : i32
        %dma_start3A_138 = arith.constant 0 : i32
        %dma_start3A_139 = tpu.memref_slice %arg13[%dma_start3A_137, %dma_start3A_138] : memref<10240x128xf32, #tpu.memory_space<vmem_shared>> -> memref<10240x128xf32, #tpu.memory_space<vmem_shared>>
        tpu.enqueue_indirect_dma source(%dma_start3A_139 : memref<10240x128xf32, #tpu.memory_space<vmem_shared>>) target(%arg7 : memref<128x128xf32, #tpu.memory_space<vmem>>) offsets(%arg5 : memref<128xi32, #tpu.memory_space<vmem>>) semaphore(%run_scoped3A : memref<!tpu.dma_semaphore, #tpu.memory_space<semaphore_mem>>)
        %dma_wait3A_140 = arith.constant 0 : i32
        %dma_wait3A_141 = arith.constant 0 : i32
        %dma_wait3A_142 = tpu.memref_slice %arg13[%dma_wait3A_140, %dma_wait3A_141] : memref<10240x128xf32, #tpu.memory_space<vmem_shared>> -> memref<10240x128xf32, #tpu.memory_space<vmem_shared>>
        tpu.wait_indirect_dma semaphore(%run_scoped3A : memref<!tpu.dma_semaphore, #tpu.memory_space<semaphore_mem>>) src(%dma_wait3A_142 : memref<10240x128xf32, #tpu.memory_space<vmem_shared>>) dst(%arg7 : memref<128x128xf32, #tpu.memory_space<vmem>>)
        tpu.yield
      }) : () -> ()
      %lt3A_88 = arith.constant 320000 : i32
      %lt3A_89 = arith.cmpi slt, %mul3A_69, %lt3A_88 : i32
      %convert_element_type3A_90 = arith.extui %lt3A_89 : i1 to i32
      %cond3A_91 = arith.constant 0 : i32
      %cond3A_92 = arith.cmpi ne, %convert_element_type3A_90, %cond3A_91 : i32
      scf.if %cond3A_92 {
        %dma_start3A_137 = arith.constant 0 : i32
        %dma_start3A_138 = arith.constant 0 : i32
        %dma_start3A_139 = tpu.memref_slice %arg4[%arg0, %dma_start3A_137, %dma_start3A_138] : memref<2x320000x128xf32, #tpu.memory_space<hbm>> -> memref<1x320000x128xf32, #tpu.memory_space<hbm>>
        %dma_start3A_140 = tpu.memref_squeeze %dma_start3A_139 : memref<1x320000x128xf32, #tpu.memory_space<hbm>> -> memref<320000x128xf32, #tpu.memory_space<hbm>>
        %dma_start3A_141 = arith.constant 0 : i32
        %dma_start3A_142 = tpu.memref_slice %dma_start3A_140[%mul3A_69, %dma_start3A_141] : memref<320000x128xf32, #tpu.memory_space<hbm>> -> memref<128x128xf32, #tpu.memory_space<hbm>>
        %dma_start3A_143 = arith.constant 0 : i32
        %dma_start3A_144 = arith.constant 0 : i32
        %dma_start3A_145 = tpu.memref_slice %arg4[%arg0, %dma_start3A_143, %dma_start3A_144] : memref<2x320000x128xf32, #tpu.memory_space<hbm>> -> memref<1x320000x128xf32, #tpu.memory_space<hbm>>
        %dma_start3A_146 = tpu.memref_squeeze %dma_start3A_145 : memref<1x320000x128xf32, #tpu.memory_space<hbm>> -> memref<320000x128xf32, #tpu.memory_space<hbm>>
        %dma_start3A_147 = arith.constant 0 : i32
        %dma_start3A_148 = tpu.memref_slice %dma_start3A_146[%mul3A_69, %dma_start3A_147] : memref<320000x128xf32, #tpu.memory_space<hbm>> -> memref<128x128xf32, #tpu.memory_space<hbm>>
        tpu.enqueue_dma source(%arg7 : memref<128x128xf32, #tpu.memory_space<vmem>>) target(%dma_start3A_148 : memref<128x128xf32, #tpu.memory_space<hbm>>) target_semaphore(%arg11 : memref<!tpu.dma_semaphore, #tpu.memory_space<semaphore_mem>>)
      } else {
      }
      %lt3A_93 = arith.constant 78 : i32
      %lt3A_94 = arith.cmpi slt, %add3A_62, %lt3A_93 : i32
      %convert_element_type3A_95 = arith.extui %lt3A_94 : i1 to i32
      %cond3A_96 = arith.constant 0 : i32
      %cond3A_97 = arith.cmpi ne, %convert_element_type3A_95, %cond3A_96 : i32
      scf.if %cond3A_97 {
        %mul3A_137 = arith.constant 1 : i32
        %mul3A_138 = arith.muli %arg0, %mul3A_137 : i32
        %add3A_139 = arith.constant 0 : i32
        %add3A_140 = arith.addi %mul3A_138, %add3A_139 : i32
        %add3A_141 = arith.constant 256 : i32
        %add3A_142 = arith.addi %mul3A_69, %add3A_141 : i32
        %dma_start3A_143 = arith.constant 0 : i32
        %dma_start3A_144 = tpu.memref_slice %arg3[%add3A_140, %dma_start3A_143] : memref<2x323584xi32, #tpu.memory_space<hbm>> -> memref<1x323584xi32, #tpu.memory_space<hbm>>
        %dma_start3A_145 = tpu.memref_squeeze %dma_start3A_144 : memref<1x323584xi32, #tpu.memory_space<hbm>> -> memref<323584xi32, #tpu.memory_space<hbm>>
        %dma_start3A_146 = tpu.memref_slice %dma_start3A_145[%add3A_142] : memref<323584xi32, #tpu.memory_space<hbm>> -> memref<128xi32, #tpu.memory_space<hbm>>
        %dma_start3A_147 = arith.constant 0 : i32
        %dma_start3A_148 = tpu.memref_slice %arg3[%add3A_140, %dma_start3A_147] : memref<2x323584xi32, #tpu.memory_space<hbm>> -> memref<1x323584xi32, #tpu.memory_space<hbm>>
        %dma_start3A_149 = tpu.memref_squeeze %dma_start3A_148 : memref<1x323584xi32, #tpu.memory_space<hbm>> -> memref<323584xi32, #tpu.memory_space<hbm>>
        %dma_start3A_150 = tpu.memref_slice %dma_start3A_149[%add3A_142] : memref<323584xi32, #tpu.memory_space<hbm>> -> memref<128xi32, #tpu.memory_space<hbm>>
        tpu.enqueue_dma source(%dma_start3A_150 : memref<128xi32, #tpu.memory_space<hbm>>) target(%arg5 : memref<128xi32, #tpu.memory_space<vmem>>) target_semaphore(%arg9 : memref<!tpu.dma_semaphore, #tpu.memory_space<semaphore_mem>>)
      } else {
      }
      %mul3A_98 = arith.constant 2 : i32
      %mul3A_99 = arith.muli %add3A_62, %mul3A_98 : i32
      %add3A_100 = arith.addi %mul3A_4, %mul3A_99 : i32
      %add3A_101 = arith.constant 1 : i32
      %add3A_102 = arith.addi %add3A_100, %add3A_101 : i32
      %mul3A_103 = arith.constant 128 : i32
      %mul3A_104 = arith.muli %add3A_102, %mul3A_103 : i32
      %gt3A_105 = arith.constant 0 : i32
      %gt3A_106 = arith.cmpi sgt, %add3A_62, %gt3A_105 : i32
      %sub3A_107 = arith.constant 256 : i32
      %sub3A_108 = arith.subi %mul3A_104, %sub3A_107 : i32
      %lt3A_109 = arith.constant 320000 : i32
      %lt3A_110 = arith.cmpi slt, %sub3A_108, %lt3A_109 : i32
      %and3A_111 = arith.andi %gt3A_106, %lt3A_110 : i1
      %convert_element_type3A_112 = arith.extui %and3A_111 : i1 to i32
      %cond3A_113 = arith.constant 0 : i32
      %cond3A_114 = arith.cmpi ne, %convert_element_type3A_112, %cond3A_113 : i32
      scf.if %cond3A_114 {
        %sub3A_137 = arith.constant 256 : i32
        %sub3A_138 = arith.subi %mul3A_104, %sub3A_137 : i32
        %dma_wait3A_139 = arith.constant 0 : i32
        %dma_wait3A_140 = arith.constant 0 : i32
        %dma_wait3A_141 = tpu.memref_slice %arg4[%arg0, %dma_wait3A_139, %dma_wait3A_140] : memref<2x320000x128xf32, #tpu.memory_space<hbm>> -> memref<1x320000x128xf32, #tpu.memory_space<hbm>>
        %dma_wait3A_142 = tpu.memref_squeeze %dma_wait3A_141 : memref<1x320000x128xf32, #tpu.memory_space<hbm>> -> memref<320000x128xf32, #tpu.memory_space<hbm>>
        %dma_wait3A_143 = arith.constant 0 : i32
        %dma_wait3A_144 = tpu.memref_slice %dma_wait3A_142[%sub3A_138, %dma_wait3A_143] : memref<320000x128xf32, #tpu.memory_space<hbm>> -> memref<128x128xf32, #tpu.memory_space<hbm>>
        %dma_wait3A_145 = arith.constant 0 : i32
        %dma_wait3A_146 = arith.constant 0 : i32
        %dma_wait3A_147 = tpu.memref_slice %arg4[%arg0, %dma_wait3A_145, %dma_wait3A_146] : memref<2x320000x128xf32, #tpu.memory_space<hbm>> -> memref<1x320000x128xf32, #tpu.memory_space<hbm>>
        %dma_wait3A_148 = tpu.memref_squeeze %dma_wait3A_147 : memref<1x320000x128xf32, #tpu.memory_space<hbm>> -> memref<320000x128xf32, #tpu.memory_space<hbm>>
        %dma_wait3A_149 = arith.constant 0 : i32
        %dma_wait3A_150 = tpu.memref_slice %dma_wait3A_148[%sub3A_138, %dma_wait3A_149] : memref<320000x128xf32, #tpu.memory_space<hbm>> -> memref<128x128xf32, #tpu.memory_space<hbm>>
        tpu.wait_dma2 semaphore(%arg12 : memref<!tpu.dma_semaphore, #tpu.memory_space<semaphore_mem>>) src(%arg8 : memref<128x128xf32, #tpu.memory_space<vmem>>) dst(%dma_wait3A_150 : memref<128x128xf32, #tpu.memory_space<hbm>>)
      } else {
      }
      %mul3A_115 = arith.constant 1 : i32
      %mul3A_116 = arith.muli %arg0, %mul3A_115 : i32
      %add3A_117 = arith.constant 0 : i32
      %add3A_118 = arith.addi %mul3A_116, %add3A_117 : i32
      %dma_wait3A_119 = arith.constant 0 : i32
      %dma_wait3A_120 = tpu.memref_slice %arg3[%add3A_118, %dma_wait3A_119] : memref<2x323584xi32, #tpu.memory_space<hbm>> -> memref<1x323584xi32, #tpu.memory_space<hbm>>
      %dma_wait3A_121 = tpu.memref_squeeze %dma_wait3A_120 : memref<1x323584xi32, #tpu.memory_space<hbm>> -> memref<323584xi32, #tpu.memory_space<hbm>>
      %dma_wait3A_122 = tpu.memref_slice %dma_wait3A_121[%mul3A_104] : memref<323584xi32, #tpu.memory_space<hbm>> -> memref<128xi32, #tpu.memory_space<hbm>>
      %dma_wait3A_123 = arith.constant 0 : i32
      %dma_wait3A_124 = tpu.memref_slice %arg3[%add3A_118, %dma_wait3A_123] : memref<2x323584xi32, #tpu.memory_space<hbm>> -> memref<1x323584xi32, #tpu.memory_space<hbm>>
      %dma_wait3A_125 = tpu.memref_squeeze %dma_wait3A_124 : memref<1x323584xi32, #tpu.memory_space<hbm>> -> memref<323584xi32, #tpu.memory_space<hbm>>
      %dma_wait3A_126 = tpu.memref_slice %dma_wait3A_125[%mul3A_104] : memref<323584xi32, #tpu.memory_space<hbm>> -> memref<128xi32, #tpu.memory_space<hbm>>
      tpu.wait_dma2 semaphore(%arg10 : memref<!tpu.dma_semaphore, #tpu.memory_space<semaphore_mem>>) src(%dma_wait3A_126 : memref<128xi32, #tpu.memory_space<hbm>>) dst(%arg6 : memref<128xi32, #tpu.memory_space<vmem>>)
      "tpu.region"() ({
        %run_scoped3A = tpu.sem_alloc : memref<!tpu.dma_semaphore, #tpu.memory_space<semaphore_mem>>
        %dma_start3A_137 = arith.constant 0 : i32
        %dma_start3A_138 = arith.constant 0 : i32
        %dma_start3A_139 = tpu.memref_slice %arg13[%dma_start3A_137, %dma_start3A_138] : memref<10240x128xf32, #tpu.memory_space<vmem_shared>> -> memref<10240x128xf32, #tpu.memory_space<vmem_shared>>
        tpu.enqueue_indirect_dma source(%dma_start3A_139 : memref<10240x128xf32, #tpu.memory_space<vmem_shared>>) target(%arg8 : memref<128x128xf32, #tpu.memory_space<vmem>>) offsets(%arg6 : memref<128xi32, #tpu.memory_space<vmem>>) semaphore(%run_scoped3A : memref<!tpu.dma_semaphore, #tpu.memory_space<semaphore_mem>>)
        %dma_wait3A_140 = arith.constant 0 : i32
        %dma_wait3A_141 = arith.constant 0 : i32
        %dma_wait3A_142 = tpu.memref_slice %arg13[%dma_wait3A_140, %dma_wait3A_141] : memref<10240x128xf32, #tpu.memory_space<vmem_shared>> -> memref<10240x128xf32, #tpu.memory_space<vmem_shared>>
        tpu.wait_indirect_dma semaphore(%run_scoped3A : memref<!tpu.dma_semaphore, #tpu.memory_space<semaphore_mem>>) src(%dma_wait3A_142 : memref<10240x128xf32, #tpu.memory_space<vmem_shared>>) dst(%arg8 : memref<128x128xf32, #tpu.memory_space<vmem>>)
        tpu.yield
      }) : () -> ()
      %lt3A_127 = arith.constant 320000 : i32
      %lt3A_128 = arith.cmpi slt, %mul3A_104, %lt3A_127 : i32
      %convert_element_type3A_129 = arith.extui %lt3A_128 : i1 to i32
      %cond3A_130 = arith.constant 0 : i32
      %cond3A_131 = arith.cmpi ne, %convert_element_type3A_129, %cond3A_130 : i32
      scf.if %cond3A_131 {
        %dma_start3A_137 = arith.constant 0 : i32
        %dma_start3A_138 = arith.constant 0 : i32
        %dma_start3A_139 = tpu.memref_slice %arg4[%arg0, %dma_start3A_137, %dma_start3A_138] : memref<2x320000x128xf32, #tpu.memory_space<hbm>> -> memref<1x320000x128xf32, #tpu.memory_space<hbm>>
        %dma_start3A_140 = tpu.memref_squeeze %dma_start3A_139 : memref<1x320000x128xf32, #tpu.memory_space<hbm>> -> memref<320000x128xf32, #tpu.memory_space<hbm>>
        %dma_start3A_141 = arith.constant 0 : i32
        %dma_start3A_142 = tpu.memref_slice %dma_start3A_140[%mul3A_104, %dma_start3A_141] : memref<320000x128xf32, #tpu.memory_space<hbm>> -> memref<128x128xf32, #tpu.memory_space<hbm>>
        %dma_start3A_143 = arith.constant 0 : i32
        %dma_start3A_144 = arith.constant 0 : i32
        %dma_start3A_145 = tpu.memref_slice %arg4[%arg0, %dma_start3A_143, %dma_start3A_144] : memref<2x320000x128xf32, #tpu.memory_space<hbm>> -> memref<1x320000x128xf32, #tpu.memory_space<hbm>>
        %dma_start3A_146 = tpu.memref_squeeze %dma_start3A_145 : memref<1x320000x128xf32, #tpu.memory_space<hbm>> -> memref<320000x128xf32, #tpu.memory_space<hbm>>
        %dma_start3A_147 = arith.constant 0 : i32
        %dma_start3A_148 = tpu.memref_slice %dma_start3A_146[%mul3A_104, %dma_start3A_147] : memref<320000x128xf32, #tpu.memory_space<hbm>> -> memref<128x128xf32, #tpu.memory_space<hbm>>
        tpu.enqueue_dma source(%arg8 : memref<128x128xf32, #tpu.memory_space<vmem>>) target(%dma_start3A_148 : memref<128x128xf32, #tpu.memory_space<hbm>>) target_semaphore(%arg12 : memref<!tpu.dma_semaphore, #tpu.memory_space<semaphore_mem>>)
      } else {
      }
      %lt3A_132 = arith.constant 78 : i32
      %lt3A_133 = arith.cmpi slt, %add3A_62, %lt3A_132 : i32
      %convert_element_type3A_134 = arith.extui %lt3A_133 : i1 to i32
      %cond3A_135 = arith.constant 0 : i32
      %cond3A_136 = arith.cmpi ne, %convert_element_type3A_134, %cond3A_135 : i32
      scf.if %cond3A_136 {
        %mul3A_137 = arith.constant 1 : i32
        %mul3A_138 = arith.muli %arg0, %mul3A_137 : i32
        %add3A_139 = arith.constant 0 : i32
        %add3A_140 = arith.addi %mul3A_138, %add3A_139 : i32
        %add3A_141 = arith.constant 256 : i32
        %add3A_142 = arith.addi %mul3A_104, %add3A_141 : i32
        %dma_start3A_143 = arith.constant 0 : i32
        %dma_start3A_144 = tpu.memref_slice %arg3[%add3A_140, %dma_start3A_143] : memref<2x323584xi32, #tpu.memory_space<hbm>> -> memref<1x323584xi32, #tpu.memory_space<hbm>>
        %dma_start3A_145 = tpu.memref_squeeze %dma_start3A_144 : memref<1x323584xi32, #tpu.memory_space<hbm>> -> memref<323584xi32, #tpu.memory_space<hbm>>
        %dma_start3A_146 = tpu.memref_slice %dma_start3A_145[%add3A_142] : memref<323584xi32, #tpu.memory_space<hbm>> -> memref<128xi32, #tpu.memory_space<hbm>>
        %dma_start3A_147 = arith.constant 0 : i32
        %dma_start3A_148 = tpu.memref_slice %arg3[%add3A_140, %dma_start3A_147] : memref<2x323584xi32, #tpu.memory_space<hbm>> -> memref<1x323584xi32, #tpu.memory_space<hbm>>
        %dma_start3A_149 = tpu.memref_squeeze %dma_start3A_148 : memref<1x323584xi32, #tpu.memory_space<hbm>> -> memref<323584xi32, #tpu.memory_space<hbm>>
        %dma_start3A_150 = tpu.memref_slice %dma_start3A_149[%add3A_142] : memref<323584xi32, #tpu.memory_space<hbm>> -> memref<128xi32, #tpu.memory_space<hbm>>
        tpu.enqueue_dma source(%dma_start3A_150 : memref<128xi32, #tpu.memory_space<hbm>>) target(%arg6 : memref<128xi32, #tpu.memory_space<vmem>>) target_semaphore(%arg10 : memref<!tpu.dma_semaphore, #tpu.memory_space<semaphore_mem>>)
      } else {
      }
    }
    %scan3A_38 = arith.constant 79 : i32
    %add3A_39 = arith.constant 156 : i32
    %add3A_40 = arith.addi %mul3A_4, %add3A_39 : i32
    %add3A_41 = arith.constant 0 : i32
    %add3A_42 = arith.addi %add3A_40, %add3A_41 : i32
    %mul3A_43 = arith.constant 128 : i32
    %mul3A_44 = arith.muli %add3A_42, %mul3A_43 : i32
    %lt3A = arith.constant 320000 : i32
    %lt3A_45 = arith.cmpi slt, %mul3A_44, %lt3A : i32
    %convert_element_type3A = arith.extui %lt3A_45 : i1 to i32
    %cond3A = arith.constant 0 : i32
    %cond3A_46 = arith.cmpi ne, %convert_element_type3A, %cond3A : i32
    scf.if %cond3A_46 {
      %dma_wait3A = arith.constant 0 : i32
      %dma_wait3A_58 = arith.constant 0 : i32
      %dma_wait3A_59 = tpu.memref_slice %arg4[%arg0, %dma_wait3A, %dma_wait3A_58] : memref<2x320000x128xf32, #tpu.memory_space<hbm>> -> memref<1x320000x128xf32, #tpu.memory_space<hbm>>
      %dma_wait3A_60 = tpu.memref_squeeze %dma_wait3A_59 : memref<1x320000x128xf32, #tpu.memory_space<hbm>> -> memref<320000x128xf32, #tpu.memory_space<hbm>>
      %dma_wait3A_61 = arith.constant 0 : i32
      %dma_wait3A_62 = tpu.memref_slice %dma_wait3A_60[%mul3A_44, %dma_wait3A_61] : memref<320000x128xf32, #tpu.memory_space<hbm>> -> memref<128x128xf32, #tpu.memory_space<hbm>>
      %dma_wait3A_63 = arith.constant 0 : i32
      %dma_wait3A_64 = arith.constant 0 : i32
      %dma_wait3A_65 = tpu.memref_slice %arg4[%arg0, %dma_wait3A_63, %dma_wait3A_64] : memref<2x320000x128xf32, #tpu.memory_space<hbm>> -> memref<1x320000x128xf32, #tpu.memory_space<hbm>>
      %dma_wait3A_66 = tpu.memref_squeeze %dma_wait3A_65 : memref<1x320000x128xf32, #tpu.memory_space<hbm>> -> memref<320000x128xf32, #tpu.memory_space<hbm>>
      %dma_wait3A_67 = arith.constant 0 : i32
      %dma_wait3A_68 = tpu.memref_slice %dma_wait3A_66[%mul3A_44, %dma_wait3A_67] : memref<320000x128xf32, #tpu.memory_space<hbm>> -> memref<128x128xf32, #tpu.memory_space<hbm>>
      tpu.wait_dma2 semaphore(%arg11 : memref<!tpu.dma_semaphore, #tpu.memory_space<semaphore_mem>>) src(%arg7 : memref<128x128xf32, #tpu.memory_space<vmem>>) dst(%dma_wait3A_68 : memref<128x128xf32, #tpu.memory_space<hbm>>)
    } else {
    }
    %add3A_47 = arith.constant 156 : i32
    %add3A_48 = arith.addi %mul3A_4, %add3A_47 : i32
    %add3A_49 = arith.constant 1 : i32
    %add3A_50 = arith.addi %add3A_48, %add3A_49 : i32
    %mul3A_51 = arith.constant 128 : i32
    %mul3A_52 = arith.muli %add3A_50, %mul3A_51 : i32
    %lt3A_53 = arith.constant 320000 : i32
    %lt3A_54 = arith.cmpi slt, %mul3A_52, %lt3A_53 : i32
    %convert_element_type3A_55 = arith.extui %lt3A_54 : i1 to i32
    %cond3A_56 = arith.constant 0 : i32
    %cond3A_57 = arith.cmpi ne, %convert_element_type3A_55, %cond3A_56 : i32
    scf.if %cond3A_57 {
      %dma_wait3A = arith.constant 0 : i32
      %dma_wait3A_58 = arith.constant 0 : i32
      %dma_wait3A_59 = tpu.memref_slice %arg4[%arg0, %dma_wait3A, %dma_wait3A_58] : memref<2x320000x128xf32, #tpu.memory_space<hbm>> -> memref<1x320000x128xf32, #tpu.memory_space<hbm>>
      %dma_wait3A_60 = tpu.memref_squeeze %dma_wait3A_59 : memref<1x320000x128xf32, #tpu.memory_space<hbm>> -> memref<320000x128xf32, #tpu.memory_space<hbm>>
      %dma_wait3A_61 = arith.constant 0 : i32
      %dma_wait3A_62 = tpu.memref_slice %dma_wait3A_60[%mul3A_52, %dma_wait3A_61] : memref<320000x128xf32, #tpu.memory_space<hbm>> -> memref<128x128xf32, #tpu.memory_space<hbm>>
      %dma_wait3A_63 = arith.constant 0 : i32
      %dma_wait3A_64 = arith.constant 0 : i32
      %dma_wait3A_65 = tpu.memref_slice %arg4[%arg0, %dma_wait3A_63, %dma_wait3A_64] : memref<2x320000x128xf32, #tpu.memory_space<hbm>> -> memref<1x320000x128xf32, #tpu.memory_space<hbm>>
      %dma_wait3A_66 = tpu.memref_squeeze %dma_wait3A_65 : memref<1x320000x128xf32, #tpu.memory_space<hbm>> -> memref<320000x128xf32, #tpu.memory_space<hbm>>
      %dma_wait3A_67 = arith.constant 0 : i32
      %dma_wait3A_68 = tpu.memref_slice %dma_wait3A_66[%mul3A_52, %dma_wait3A_67] : memref<320000x128xf32, #tpu.memory_space<hbm>> -> memref<128x128xf32, #tpu.memory_space<hbm>>
      tpu.wait_dma2 semaphore(%arg12 : memref<!tpu.dma_semaphore, #tpu.memory_space<semaphore_mem>>) src(%arg8 : memref<128x128xf32, #tpu.memory_space<vmem>>) dst(%dma_wait3A_68 : memref<128x128xf32, #tpu.memory_space<hbm>>)
    } else {
    }
    return
  }
}

module attributes {stable_mosaic.version = 14 : i64} {
  func.func @_proj_body(%arg0: i32, %arg1: i32, %arg2: memref<2048x128xf32, #tpu.memory_space<vmem>>, %arg3: memref<1x128x128xf32, #tpu.memory_space<vmem>>, %arg4: memref<1x2048x128xf32, #tpu.memory_space<vmem>>) attributes {dimension_semantics = [#tpu.dimension_semantics<arbitrary>, #tpu.dimension_semantics<arbitrary>], iteration_bounds = array<i64: 2, 5>, scalar_prefetch = 0 : i64, scratch_operands = 0 : i64, tpu.core_type = #tpu.core_type<tc>, window_params = [{transform_indices = @transform_0, window_bounds = array<i64: 2048, 128>}, {transform_indices = @transform_1, window_bounds = array<i64: 1, 128, 128>}, {transform_indices = @transform_2, window_bounds = array<i64: 1, 2048, 128>}]} {
    %get3A = arith.constant 0 : index
    %get3A_0 = arith.constant 0 : index
    %get3A_1 = vector.load %arg2[%get3A, %get3A_0] : memref<2048x128xf32, #tpu.memory_space<vmem>>, vector<2048x128xf32>
    %get3A_2 = arith.constant 0 : index
    %get3A_3 = arith.constant 0 : index
    %get3A_4 = arith.constant 0 : index
    %get3A_5 = vector.load %arg3[%get3A_2, %get3A_3, %get3A_4] : memref<1x128x128xf32, #tpu.memory_space<vmem>>, vector<1x128x128xf32>
    %get3A_6 = vector.shape_cast %get3A_5 : vector<1x128x128xf32> to vector<128x128xf32>
    %dot_general3A = arith.constant dense<0.000000e+00> : vector<2048x128xf32>
    %dot_general3A_7 = tpu.matmul %get3A_1, %get3A_6, %dot_general3A {dimension_numbers = #tpu.dot_dimension_numbers<[1], [0], [0], [1], [0, 0, 1, 1], [], []>, transpose_lhs_hint = false} : vector<2048x128xf32>, vector<128x128xf32>, vector<2048x128xf32> -> vector<2048x128xf32>
    %swap3A = arith.constant 0 : index
    %swap3A_8 = arith.constant 0 : index
    %swap3A_9 = arith.constant 0 : index
    %swap3A_10 = vector.load %arg4[%swap3A, %swap3A_8, %swap3A_9] : memref<1x2048x128xf32, #tpu.memory_space<vmem>>, vector<1x2048x128xf32>
    %swap3A_11 = vector.shape_cast %swap3A_10 : vector<1x2048x128xf32> to vector<2048x128xf32>
    %swap3A_12 = vector.shape_cast %dot_general3A_7 : vector<2048x128xf32> to vector<1x2048x128xf32>
    tpu.vector_store %arg4[%swap3A, %swap3A_8, %swap3A_9], %swap3A_12 {strides = array<i32>} : memref<1x2048x128xf32, #tpu.memory_space<vmem>>, vector<1x2048x128xf32>,
    return
  }
  func.func @transform_0(%arg0: i32, %arg1: i32) -> (i32, i32) {
    %c0_i32 = arith.constant 0 : i32
    %c0_i32_0 = arith.constant 0 : i32
    return %arg1, %c0_i32 : i32, i32
  }
  func.func @transform_1(%arg0: i32, %arg1: i32) -> (i32, i32, i32) {
    %c0_i32 = arith.constant 0 : i32
    %c0_i32_0 = arith.constant 0 : i32
    %c0_i32_1 = arith.constant 0 : i32
    return %arg0, %c0_i32, %c0_i32_0 : i32, i32, i32
  }
  func.func @transform_2(%arg0: i32, %arg1: i32) -> (i32, i32, i32) {
    %c0_i32 = arith.constant 0 : i32
    %c0_i32_0 = arith.constant 0 : i32
    return %arg0, %arg1, %c0_i32 : i32, i32, i32
  }
}

module attributes {stable_mosaic.version = 14 : i64} {
  func.func @_edge_body(%arg0: i32, %arg1: memref<1x2000x128xf32, #tpu.memory_space<vmem>>, %arg2: memref<1x2000x128xf32, #tpu.memory_space<vmem>>, %arg3: memref<2000x128xf32, #tpu.memory_space<vmem>>, %arg4: memref<128x128xf32, #tpu.memory_space<vmem>>, %arg5: memref<1x128xf32, #tpu.memory_space<vmem>>, %arg6: memref<128x128xf32, #tpu.memory_space<vmem>>, %arg7: memref<1x128xf32, #tpu.memory_space<vmem>>, %arg8: memref<1x128xf32, #tpu.memory_space<vmem>>, %arg9: memref<1x128xf32, #tpu.memory_space<vmem>>, %arg10: memref<2000x128xf32, #tpu.memory_space<vmem>>) attributes {dimension_semantics = [#tpu.dimension_semantics<arbitrary>], iteration_bounds = array<i64: 160>, scalar_prefetch = 0 : i64, scratch_operands = 0 : i64, tpu.core_type = #tpu.core_type<tc>, window_params = [{transform_indices = @transform_0, window_bounds = array<i64: 1, 2000, 128>}, {transform_indices = @transform_1, window_bounds = array<i64: 1, 2000, 128>}, {transform_indices = @transform_2, window_bounds = array<i64: 2000, 128>}, {pipeline_mode = #tpu.pipeline_mode<synchronous>, transform_indices = @transform_3, window_bounds = array<i64: 128, 128>}, {pipeline_mode = #tpu.pipeline_mode<synchronous>, transform_indices = @transform_4, window_bounds = array<i64: 1, 128>}, {pipeline_mode = #tpu.pipeline_mode<synchronous>, transform_indices = @transform_5, window_bounds = array<i64: 128, 128>}, {pipeline_mode = #tpu.pipeline_mode<synchronous>, transform_indices = @transform_6, window_bounds = array<i64: 1, 128>}, {pipeline_mode = #tpu.pipeline_mode<synchronous>, transform_indices = @transform_7, window_bounds = array<i64: 1, 128>}, {pipeline_mode = #tpu.pipeline_mode<synchronous>, transform_indices = @transform_8, window_bounds = array<i64: 1, 128>}, {transform_indices = @transform_9, window_bounds = array<i64: 2000, 128>}]} {
    %get3A = arith.constant 0 : index
    %get3A_0 = arith.constant 0 : index
    %get3A_1 = vector.load %arg3[%get3A, %get3A_0] : memref<2000x128xf32, #tpu.memory_space<vmem>>, vector<2000x128xf32>
    %get3A_2 = arith.constant 0 : index
    %get3A_3 = arith.constant 0 : index
    %get3A_4 = arith.constant 0 : index
    %get3A_5 = vector.load %arg1[%get3A_2, %get3A_3, %get3A_4] : memref<1x2000x128xf32, #tpu.memory_space<vmem>>, vector<1x2000x128xf32>
    %get3A_6 = vector.shape_cast %get3A_5 : vector<1x2000x128xf32> to vector<2000x128xf32>
    %get3A_7 = arith.constant 0 : index
    %get3A_8 = arith.constant 0 : index
    %get3A_9 = arith.constant 0 : index
    %get3A_10 = vector.load %arg2[%get3A_7, %get3A_8, %get3A_9] : memref<1x2000x128xf32, #tpu.memory_space<vmem>>, vector<1x2000x128xf32>
    %get3A_11 = vector.shape_cast %get3A_10 : vector<1x2000x128xf32> to vector<2000x128xf32>
    %add3A = arith.addf %get3A_6, %get3A_11 : vector<2000x128xf32>
    %get3A_12 = arith.constant 0 : index
    %get3A_13 = arith.constant 0 : index
    %get3A_14 = vector.load %arg4[%get3A_12, %get3A_13] : memref<128x128xf32, #tpu.memory_space<vmem>>, vector<128x128xf32>
    %dot_general3A = arith.constant dense<0.000000e+00> : vector<2000x128xf32>
    %dot_general3A_15 = tpu.matmul %get3A_1, %get3A_14, %dot_general3A {dimension_numbers = #tpu.dot_dimension_numbers<[1], [0], [0], [1], [0, 0, 1, 1], [], []>, transpose_lhs_hint = false} : vector<2000x128xf32>, vector<128x128xf32>, vector<2000x128xf32> -> vector<2000x128xf32>
    %add3A_16 = arith.addf %add3A, %dot_general3A_15 : vector<2000x128xf32>
    %get3A_17 = arith.constant 0 : index
    %get3A_18 = arith.constant 0 : index
    %get3A_19 = vector.load %arg5[%get3A_17, %get3A_18] : memref<1x128xf32, #tpu.memory_space<vmem>>, vector<1x128xf32>
    %add3A_20 = vector.broadcast %get3A_19 : vector<1x128xf32> to vector<2000x128xf32>
    %add3A_21 = arith.addf %add3A_16, %add3A_20 : vector<2000x128xf32>
    %logistic3A = arith.negf %add3A_21 : vector<2000x128xf32>
    %logistic3A_22 = math.exp %logistic3A : vector<2000x128xf32>
    %logistic3A_23 = arith.constant 1.000000e+00 : f32
    %logistic3A_24 = vector.broadcast %logistic3A_23 : f32 to vector<2000x128xf32>
    %logistic3A_25 = arith.addf %logistic3A_24, %logistic3A_22 : vector<2000x128xf32>
    %logistic3A_26 = arith.divf %logistic3A_24, %logistic3A_25 : vector<2000x128xf32>
    %mul3A = arith.mulf %add3A_21, %logistic3A_26 : vector<2000x128xf32>
    %get3A_27 = arith.constant 0 : index
    %get3A_28 = arith.constant 0 : index
    %get3A_29 = vector.load %arg6[%get3A_27, %get3A_28] : memref<128x128xf32, #tpu.memory_space<vmem>>, vector<128x128xf32>
    %dot_general3A_30 = arith.constant dense<0.000000e+00> : vector<2000x128xf32>
    %dot_general3A_31 = tpu.matmul %mul3A, %get3A_29, %dot_general3A_30 {dimension_numbers = #tpu.dot_dimension_numbers<[1], [0], [0], [1], [0, 0, 1, 1], [], []>, transpose_lhs_hint = false} : vector<2000x128xf32>, vector<128x128xf32>, vector<2000x128xf32> -> vector<2000x128xf32>
    %get3A_32 = arith.constant 0 : index
    %get3A_33 = arith.constant 0 : index
    %get3A_34 = vector.load %arg7[%get3A_32, %get3A_33] : memref<1x128xf32, #tpu.memory_space<vmem>>, vector<1x128xf32>
    %add3A_35 = vector.broadcast %get3A_34 : vector<1x128xf32> to vector<2000x128xf32>
    %add3A_36 = arith.addf %dot_general3A_31, %add3A_35 : vector<2000x128xf32>
    %reduce_sum3A = arith.constant dense<0.000000e+00> : vector<2000xf32>
    %reduce_sum3A_37 = vector.multi_reduction <add>, %add3A_36, %reduce_sum3A [1] : vector<2000x128xf32> to vector<2000xf32>
    %broadcast_in_dim3A = vector.shape_cast %reduce_sum3A_37 : vector<2000xf32> to vector<2000x1xf32>
    %div3A = arith.constant 1.280000e+02 : f32
    %div3A_38 = vector.broadcast %div3A : f32 to vector<2000x1xf32>
    %div3A_39 = arith.divf %broadcast_in_dim3A, %div3A_38 : vector<2000x1xf32>
    %sub3A = vector.broadcast %div3A_39 : vector<2000x1xf32> to vector<2000x128xf32>
    %sub3A_40 = arith.subf %add3A_36, %sub3A : vector<2000x128xf32>
    %mul3A_41 = arith.mulf %sub3A_40, %sub3A_40 : vector<2000x128xf32>
    %reduce_sum3A_42 = arith.constant dense<0.000000e+00> : vector<2000xf32>
    %reduce_sum3A_43 = vector.multi_reduction <add>, %mul3A_41, %reduce_sum3A_42 [1] : vector<2000x128xf32> to vector<2000xf32>
    %broadcast_in_dim3A_44 = vector.shape_cast %reduce_sum3A_43 : vector<2000xf32> to vector<2000x1xf32>
    %div3A_45 = arith.constant 1.280000e+02 : f32
    %div3A_46 = vector.broadcast %div3A_45 : f32 to vector<2000x1xf32>
    %div3A_47 = arith.divf %broadcast_in_dim3A_44, %div3A_46 : vector<2000x1xf32>
    %add3A_48 = arith.constant 9.99999974E-6 : f32
    %add3A_49 = vector.broadcast %add3A_48 : f32 to vector<2000x1xf32>
    %add3A_50 = arith.addf %div3A_47, %add3A_49 : vector<2000x1xf32>
    %rsqrt3A = math.rsqrt %add3A_50 : vector<2000x1xf32>
    %mul3A_51 = vector.broadcast %rsqrt3A : vector<2000x1xf32> to vector<2000x128xf32>
    %mul3A_52 = arith.mulf %sub3A_40, %mul3A_51 : vector<2000x128xf32>
    %get3A_53 = arith.constant 0 : index
    %get3A_54 = arith.constant 0 : index
    %get3A_55 = vector.load %arg8[%get3A_53, %get3A_54] : memref<1x128xf32, #tpu.memory_space<vmem>>, vector<1x128xf32>
    %mul3A_56 = vector.broadcast %get3A_55 : vector<1x128xf32> to vector<2000x128xf32>
    %mul3A_57 = arith.mulf %mul3A_52, %mul3A_56 : vector<2000x128xf32>
    %get3A_58 = arith.constant 0 : index
    %get3A_59 = arith.constant 0 : index
    %get3A_60 = vector.load %arg9[%get3A_58, %get3A_59] : memref<1x128xf32, #tpu.memory_space<vmem>>, vector<1x128xf32>
    %add3A_61 = vector.broadcast %get3A_60 : vector<1x128xf32> to vector<2000x128xf32>
    %add3A_62 = arith.addf %mul3A_57, %add3A_61 : vector<2000x128xf32>
    %add3A_63 = arith.addf %add3A_62, %get3A_1 : vector<2000x128xf32>
    %swap3A = arith.constant 0 : index
    %swap3A_64 = arith.constant 0 : index
    %swap3A_65 = vector.load %arg10[%swap3A, %swap3A_64] : memref<2000x128xf32, #tpu.memory_space<vmem>>, vector<2000x128xf32>
    tpu.vector_store %arg10[%swap3A, %swap3A_64], %add3A_63 {strides = array<i32>} : memref<2000x128xf32, #tpu.memory_space<vmem>>, vector<2000x128xf32>,
    return
  }
  func.func @transform_0(%arg0: i32) -> (i32, i32, i32) {
    %c0_i32 = arith.constant 0 : i32
    %c0_i32_0 = arith.constant 0 : i32
    %c0_i32_1 = arith.constant 0 : i32
    return %c0_i32, %arg0, %c0_i32_0 : i32, i32, i32
  }
  func.func @transform_1(%arg0: i32) -> (i32, i32, i32) {
    %c1_i32 = arith.constant 1 : i32
    %c0_i32 = arith.constant 0 : i32
    %c0_i32_0 = arith.constant 0 : i32
    return %c1_i32, %arg0, %c0_i32 : i32, i32, i32
  }
  func.func @transform_2(%arg0: i32) -> (i32, i32) {
    %c0_i32 = arith.constant 0 : i32
    %c0_i32_0 = arith.constant 0 : i32
    return %arg0, %c0_i32 : i32, i32
  }
  func.func @transform_3(%arg0: i32) -> (i32, i32) {
    %c0_i32 = arith.constant 0 : i32
    %c0_i32_0 = arith.constant 0 : i32
    %c0_i32_1 = arith.constant 0 : i32
    return %c0_i32, %c0_i32_0 : i32, i32
  }
  func.func @transform_4(%arg0: i32) -> (i32, i32) {
    %c0_i32 = arith.constant 0 : i32
    %c0_i32_0 = arith.constant 0 : i32
    %c0_i32_1 = arith.constant 0 : i32
    return %c0_i32, %c0_i32_0 : i32, i32
  }
  func.func @transform_5(%arg0: i32) -> (i32, i32) {
    %c0_i32 = arith.constant 0 : i32
    %c0_i32_0 = arith.constant 0 : i32
    %c0_i32_1 = arith.constant 0 : i32
    return %c0_i32, %c0_i32_0 : i32, i32
  }
  func.func @transform_6(%arg0: i32) -> (i32, i32) {
    %c0_i32 = arith.constant 0 : i32
    %c0_i32_0 = arith.constant 0 : i32
    %c0_i32_1 = arith.constant 0 : i32
    return %c0_i32, %c0_i32_0 : i32, i32
  }
  func.func @transform_7(%arg0: i32) -> (i32, i32) {
    %c0_i32 = arith.constant 0 : i32
    %c0_i32_0 = arith.constant 0 : i32
    %c0_i32_1 = arith.constant 0 : i32
    return %c0_i32, %c0_i32_0 : i32, i32
  }
  func.func @transform_8(%arg0: i32) -> (i32, i32) {
    %c0_i32 = arith.constant 0 : i32
    %c0_i32_0 = arith.constant 0 : i32
    %c0_i32_1 = arith.constant 0 : i32
    return %c0_i32, %c0_i32_0 : i32, i32
  }
  func.func @transform_9(%arg0: i32) -> (i32, i32) {
    %c0_i32 = arith.constant 0 : i32
    %c0_i32_0 = arith.constant 0 : i32
    return %arg0, %c0_i32 : i32, i32
  }
}

module attributes {stable_mosaic.version = 14 : i64} {
  func.func @_node_body(%arg0: i32, %arg1: memref<2000x128xf32, #tpu.memory_space<vmem>>, %arg2: memref<1x2000x128xf32, #tpu.memory_space<vmem>>, %arg3: memref<1x2000x128xf32, #tpu.memory_space<vmem>>, %arg4: memref<128x128xf32, #tpu.memory_space<vmem>>, %arg5: memref<128x128xf32, #tpu.memory_space<vmem>>, %arg6: memref<1x128xf32, #tpu.memory_space<vmem>>, %arg7: memref<128x128xf32, #tpu.memory_space<vmem>>, %arg8: memref<1x128xf32, #tpu.memory_space<vmem>>, %arg9: memref<1x128xf32, #tpu.memory_space<vmem>>, %arg10: memref<1x128xf32, #tpu.memory_space<vmem>>, %arg11: memref<2000x128xf32, #tpu.memory_space<vmem>>) attributes {dimension_semantics = [#tpu.dimension_semantics<arbitrary>], iteration_bounds = array<i64: 5>, scalar_prefetch = 0 : i64, scratch_operands = 0 : i64, tpu.core_type = #tpu.core_type<tc>, window_params = [{transform_indices = @transform_0, window_bounds = array<i64: 2000, 128>}, {transform_indices = @transform_1, window_bounds = array<i64: 1, 2000, 128>}, {transform_indices = @transform_2, window_bounds = array<i64: 1, 2000, 128>}, {pipeline_mode = #tpu.pipeline_mode<synchronous>, transform_indices = @transform_3, window_bounds = array<i64: 128, 128>}, {pipeline_mode = #tpu.pipeline_mode<synchronous>, transform_indices = @transform_4, window_bounds = array<i64: 128, 128>}, {pipeline_mode = #tpu.pipeline_mode<synchronous>, transform_indices = @transform_5, window_bounds = array<i64: 1, 128>}, {pipeline_mode = #tpu.pipeline_mode<synchronous>, transform_indices = @transform_6, window_bounds = array<i64: 128, 128>}, {pipeline_mode = #tpu.pipeline_mode<synchronous>, transform_indices = @transform_7, window_bounds = array<i64: 1, 128>}, {pipeline_mode = #tpu.pipeline_mode<synchronous>, transform_indices = @transform_8, window_bounds = array<i64: 1, 128>}, {pipeline_mode = #tpu.pipeline_mode<synchronous>, transform_indices = @transform_9, window_bounds = array<i64: 1, 128>}, {transform_indices = @transform_10, window_bounds = array<i64: 2000, 128>}]} {
    %get3A = arith.constant 0 : index
    %get3A_0 = arith.constant 0 : index
    %get3A_1 = vector.load %arg1[%get3A, %get3A_0] : memref<2000x128xf32, #tpu.memory_space<vmem>>, vector<2000x128xf32>
    %get3A_2 = arith.constant 0 : index
    %get3A_3 = arith.constant 0 : index
    %get3A_4 = arith.constant 0 : index
    %get3A_5 = vector.load %arg2[%get3A_2, %get3A_3, %get3A_4] : memref<1x2000x128xf32, #tpu.memory_space<vmem>>, vector<1x2000x128xf32>
    %get3A_6 = vector.shape_cast %get3A_5 : vector<1x2000x128xf32> to vector<2000x128xf32>
    %get3A_7 = arith.constant 0 : index
    %get3A_8 = arith.constant 0 : index
    %get3A_9 = arith.constant 0 : index
    %get3A_10 = vector.load %arg3[%get3A_7, %get3A_8, %get3A_9] : memref<1x2000x128xf32, #tpu.memory_space<vmem>>, vector<1x2000x128xf32>
    %get3A_11 = vector.shape_cast %get3A_10 : vector<1x2000x128xf32> to vector<2000x128xf32>
    %add3A = arith.addf %get3A_6, %get3A_11 : vector<2000x128xf32>
    %get3A_12 = arith.constant 0 : index
    %get3A_13 = arith.constant 0 : index
    %get3A_14 = vector.load %arg4[%get3A_12, %get3A_13] : memref<128x128xf32, #tpu.memory_space<vmem>>, vector<128x128xf32>
    %dot_general3A = arith.constant dense<0.000000e+00> : vector<2000x128xf32>
    %dot_general3A_15 = tpu.matmul %get3A_1, %get3A_14, %dot_general3A {dimension_numbers = #tpu.dot_dimension_numbers<[1], [0], [0], [1], [0, 0, 1, 1], [], []>, transpose_lhs_hint = false} : vector<2000x128xf32>, vector<128x128xf32>, vector<2000x128xf32> -> vector<2000x128xf32>
    %get3A_16 = arith.constant 0 : index
    %get3A_17 = arith.constant 0 : index
    %get3A_18 = vector.load %arg5[%get3A_16, %get3A_17] : memref<128x128xf32, #tpu.memory_space<vmem>>, vector<128x128xf32>
    %dot_general3A_19 = arith.constant dense<0.000000e+00> : vector<2000x128xf32>
    %dot_general3A_20 = tpu.matmul %add3A, %get3A_18, %dot_general3A_19 {dimension_numbers = #tpu.dot_dimension_numbers<[1], [0], [0], [1], [0, 0, 1, 1], [], []>, transpose_lhs_hint = false} : vector<2000x128xf32>, vector<128x128xf32>, vector<2000x128xf32> -> vector<2000x128xf32>
    %add3A_21 = arith.addf %dot_general3A_15, %dot_general3A_20 : vector<2000x128xf32>
    %get3A_22 = arith.constant 0 : index
    %get3A_23 = arith.constant 0 : index
    %get3A_24 = vector.load %arg6[%get3A_22, %get3A_23] : memref<1x128xf32, #tpu.memory_space<vmem>>, vector<1x128xf32>
    %add3A_25 = vector.broadcast %get3A_24 : vector<1x128xf32> to vector<2000x128xf32>
    %add3A_26 = arith.addf %add3A_21, %add3A_25 : vector<2000x128xf32>
    %logistic3A = arith.negf %add3A_26 : vector<2000x128xf32>
    %logistic3A_27 = math.exp %logistic3A : vector<2000x128xf32>
    %logistic3A_28 = arith.constant 1.000000e+00 : f32
    %logistic3A_29 = vector.broadcast %logistic3A_28 : f32 to vector<2000x128xf32>
    %logistic3A_30 = arith.addf %logistic3A_29, %logistic3A_27 : vector<2000x128xf32>
    %logistic3A_31 = arith.divf %logistic3A_29, %logistic3A_30 : vector<2000x128xf32>
    %mul3A = arith.mulf %add3A_26, %logistic3A_31 : vector<2000x128xf32>
    %get3A_32 = arith.constant 0 : index
    %get3A_33 = arith.constant 0 : index
    %get3A_34 = vector.load %arg7[%get3A_32, %get3A_33] : memref<128x128xf32, #tpu.memory_space<vmem>>, vector<128x128xf32>
    %dot_general3A_35 = arith.constant dense<0.000000e+00> : vector<2000x128xf32>
    %dot_general3A_36 = tpu.matmul %mul3A, %get3A_34, %dot_general3A_35 {dimension_numbers = #tpu.dot_dimension_numbers<[1], [0], [0], [1], [0, 0, 1, 1], [], []>, transpose_lhs_hint = false} : vector<2000x128xf32>, vector<128x128xf32>, vector<2000x128xf32> -> vector<2000x128xf32>
    %get3A_37 = arith.constant 0 : index
    %get3A_38 = arith.constant 0 : index
    %get3A_39 = vector.load %arg8[%get3A_37, %get3A_38] : memref<1x128xf32, #tpu.memory_space<vmem>>, vector<1x128xf32>
    %add3A_40 = vector.broadcast %get3A_39 : vector<1x128xf32> to vector<2000x128xf32>
    %add3A_41 = arith.addf %dot_general3A_36, %add3A_40 : vector<2000x128xf32>
    %reduce_sum3A = arith.constant dense<0.000000e+00> : vector<2000xf32>
    %reduce_sum3A_42 = vector.multi_reduction <add>, %add3A_41, %reduce_sum3A [1] : vector<2000x128xf32> to vector<2000xf32>
    %broadcast_in_dim3A = vector.shape_cast %reduce_sum3A_42 : vector<2000xf32> to vector<2000x1xf32>
    %div3A = arith.constant 1.280000e+02 : f32
    %div3A_43 = vector.broadcast %div3A : f32 to vector<2000x1xf32>
    %div3A_44 = arith.divf %broadcast_in_dim3A, %div3A_43 : vector<2000x1xf32>
    %sub3A = vector.broadcast %div3A_44 : vector<2000x1xf32> to vector<2000x128xf32>
    %sub3A_45 = arith.subf %add3A_41, %sub3A : vector<2000x128xf32>
    %mul3A_46 = arith.mulf %sub3A_45, %sub3A_45 : vector<2000x128xf32>
    %reduce_sum3A_47 = arith.constant dense<0.000000e+00> : vector<2000xf32>
    %reduce_sum3A_48 = vector.multi_reduction <add>, %mul3A_46, %reduce_sum3A_47 [1] : vector<2000x128xf32> to vector<2000xf32>
    %broadcast_in_dim3A_49 = vector.shape_cast %reduce_sum3A_48 : vector<2000xf32> to vector<2000x1xf32>
    %div3A_50 = arith.constant 1.280000e+02 : f32
    %div3A_51 = vector.broadcast %div3A_50 : f32 to vector<2000x1xf32>
    %div3A_52 = arith.divf %broadcast_in_dim3A_49, %div3A_51 : vector<2000x1xf32>
    %add3A_53 = arith.constant 9.99999974E-6 : f32
    %add3A_54 = vector.broadcast %add3A_53 : f32 to vector<2000x1xf32>
    %add3A_55 = arith.addf %div3A_52, %add3A_54 : vector<2000x1xf32>
    %rsqrt3A = math.rsqrt %add3A_55 : vector<2000x1xf32>
    %mul3A_56 = vector.broadcast %rsqrt3A : vector<2000x1xf32> to vector<2000x128xf32>
    %mul3A_57 = arith.mulf %sub3A_45, %mul3A_56 : vector<2000x128xf32>
    %get3A_58 = arith.constant 0 : index
    %get3A_59 = arith.constant 0 : index
    %get3A_60 = vector.load %arg9[%get3A_58, %get3A_59] : memref<1x128xf32, #tpu.memory_space<vmem>>, vector<1x128xf32>
    %mul3A_61 = vector.broadcast %get3A_60 : vector<1x128xf32> to vector<2000x128xf32>
    %mul3A_62 = arith.mulf %mul3A_57, %mul3A_61 : vector<2000x128xf32>
    %get3A_63 = arith.constant 0 : index
    %get3A_64 = arith.constant 0 : index
    %get3A_65 = vector.load %arg10[%get3A_63, %get3A_64] : memref<1x128xf32, #tpu.memory_space<vmem>>, vector<1x128xf32>
    %add3A_66 = vector.broadcast %get3A_65 : vector<1x128xf32> to vector<2000x128xf32>
    %add3A_67 = arith.addf %mul3A_62, %add3A_66 : vector<2000x128xf32>
    %add3A_68 = arith.addf %add3A_67, %get3A_1 : vector<2000x128xf32>
    %swap3A = arith.constant 0 : index
    %swap3A_69 = arith.constant 0 : index
    %swap3A_70 = vector.load %arg11[%swap3A, %swap3A_69] : memref<2000x128xf32, #tpu.memory_space<vmem>>, vector<2000x128xf32>
    tpu.vector_store %arg11[%swap3A, %swap3A_69], %add3A_68 {strides = array<i32>} : memref<2000x128xf32, #tpu.memory_space<vmem>>, vector<2000x128xf32>,
    return
  }
  func.func @transform_0(%arg0: i32) -> (i32, i32) {
    %c0_i32 = arith.constant 0 : i32
    %c0_i32_0 = arith.constant 0 : i32
    return %arg0, %c0_i32 : i32, i32
  }
  func.func @transform_1(%arg0: i32) -> (i32, i32, i32) {
    %c0_i32 = arith.constant 0 : i32
    %c0_i32_0 = arith.constant 0 : i32
    %c0_i32_1 = arith.constant 0 : i32
    return %c0_i32, %arg0, %c0_i32_0 : i32, i32, i32
  }
  func.func @transform_2(%arg0: i32) -> (i32, i32, i32) {
    %c1_i32 = arith.constant 1 : i32
    %c0_i32 = arith.constant 0 : i32
    %c0_i32_0 = arith.constant 0 : i32
    return %c1_i32, %arg0, %c0_i32 : i32, i32, i32
  }
  func.func @transform_3(%arg0: i32) -> (i32, i32) {
    %c0_i32 = arith.constant 0 : i32
    %c0_i32_0 = arith.constant 0 : i32
    %c0_i32_1 = arith.constant 0 : i32
    return %c0_i32, %c0_i32_0 : i32, i32
  }
  func.func @transform_4(%arg0: i32) -> (i32, i32) {
    %c0_i32 = arith.constant 0 : i32
    %c0_i32_0 = arith.constant 0 : i32
    %c0_i32_1 = arith.constant 0 : i32
    return %c0_i32, %c0_i32_0 : i32, i32
  }
  func.func @transform_5(%arg0: i32) -> (i32, i32) {
    %c0_i32 = arith.constant 0 : i32
    %c0_i32_0 = arith.constant 0 : i32
    %c0_i32_1 = arith.constant 0 : i32
    return %c0_i32, %c0_i32_0 : i32, i32
  }
  func.func @transform_6(%arg0: i32) -> (i32, i32) {
    %c0_i32 = arith.constant 0 : i32
    %c0_i32_0 = arith.constant 0 : i32
    %c0_i32_1 = arith.constant 0 : i32
    return %c0_i32, %c0_i32_0 : i32, i32
  }
  func.func @transform_7(%arg0: i32) -> (i32, i32) {
    %c0_i32 = arith.constant 0 : i32
    %c0_i32_0 = arith.constant 0 : i32
    %c0_i32_1 = arith.constant 0 : i32
    return %c0_i32, %c0_i32_0 : i32, i32
  }
  func.func @transform_8(%arg0: i32) -> (i32, i32) {
    %c0_i32 = arith.constant 0 : i32
    %c0_i32_0 = arith.constant 0 : i32
    %c0_i32_1 = arith.constant 0 : i32
    return %c0_i32, %c0_i32_0 : i32, i32
  }
  func.func @transform_9(%arg0: i32) -> (i32, i32) {
    %c0_i32 = arith.constant 0 : i32
    %c0_i32_0 = arith.constant 0 : i32
    %c0_i32_1 = arith.constant 0 : i32
    return %c0_i32, %c0_i32_0 : i32, i32
  }
  func.func @transform_10(%arg0: i32) -> (i32, i32) {
    %c0_i32 = arith.constant 0 : i32
    %c0_i32_0 = arith.constant 0 : i32
    return %arg0, %c0_i32 : i32, i32
  }
}

module attributes {stable_mosaic.version = 14 : i64} {
  func.func @_node_body(%arg0: i32, %arg1: memref<2000x128xf32, #tpu.memory_space<vmem>>, %arg2: memref<1x2000x128xf32, #tpu.memory_space<vmem>>, %arg3: memref<1x2000x128xf32, #tpu.memory_space<vmem>>, %arg4: memref<128x128xf32, #tpu.memory_space<vmem>>, %arg5: memref<128x128xf32, #tpu.memory_space<vmem>>, %arg6: memref<1x128xf32, #tpu.memory_space<vmem>>, %arg7: memref<128x128xf32, #tpu.memory_space<vmem>>, %arg8: memref<1x128xf32, #tpu.memory_space<vmem>>, %arg9: memref<1x128xf32, #tpu.memory_space<vmem>>, %arg10: memref<1x128xf32, #tpu.memory_space<vmem>>, %arg11: memref<2000x128xf32, #tpu.memory_space<vmem>>) attributes {dimension_semantics = [#tpu.dimension_semantics<arbitrary>], iteration_bounds = array<i64: 5>, scalar_prefetch = 0 : i64, scratch_operands = 0 : i64, tpu.core_type = #tpu.core_type<tc>, window_params = [{transform_indices = @transform_0, window_bounds = array<i64: 2000, 128>}, {transform_indices = @transform_1, window_bounds = array<i64: 1, 2000, 128>}, {transform_indices = @transform_2, window_bounds = array<i64: 1, 2000, 128>}, {pipeline_mode = #tpu.pipeline_mode<synchronous>, transform_indices = @transform_3, window_bounds = array<i64: 128, 128>}, {pipeline_mode = #tpu.pipeline_mode<synchronous>, transform_indices = @transform_4, window_bounds = array<i64: 128, 128>}, {pipeline_mode = #tpu.pipeline_mode<synchronous>, transform_indices = @transform_5, window_bounds = array<i64: 1, 128>}, {pipeline_mode = #tpu.pipeline_mode<synchronous>, transform_indices = @transform_6, window_bounds = array<i64: 128, 128>}, {pipeline_mode = #tpu.pipeline_mode<synchronous>, transform_indices = @transform_7, window_bounds = array<i64: 1, 128>}, {pipeline_mode = #tpu.pipeline_mode<synchronous>, transform_indices = @transform_8, window_bounds = array<i64: 1, 128>}, {pipeline_mode = #tpu.pipeline_mode<synchronous>, transform_indices = @transform_9, window_bounds = array<i64: 1, 128>}, {transform_indices = @transform_10, window_bounds = array<i64: 2000, 128>}]} {
    %get3A = arith.constant 0 : index
    %get3A_0 = arith.constant 0 : index
    %get3A_1 = vector.load %arg1[%get3A, %get3A_0] : memref<2000x128xf32, #tpu.memory_space<vmem>>, vector<2000x128xf32>
    %get3A_2 = arith.constant 0 : index
    %get3A_3 = arith.constant 0 : index
    %get3A_4 = arith.constant 0 : index
    %get3A_5 = vector.load %arg2[%get3A_2, %get3A_3, %get3A_4] : memref<1x2000x128xf32, #tpu.memory_space<vmem>>, vector<1x2000x128xf32>
    %get3A_6 = vector.shape_cast %get3A_5 : vector<1x2000x128xf32> to vector<2000x128xf32>
    %get3A_7 = arith.constant 0 : index
    %get3A_8 = arith.constant 0 : index
    %get3A_9 = arith.constant 0 : index
    %get3A_10 = vector.load %arg3[%get3A_7, %get3A_8, %get3A_9] : memref<1x2000x128xf32, #tpu.memory_space<vmem>>, vector<1x2000x128xf32>
    %get3A_11 = vector.shape_cast %get3A_10 : vector<1x2000x128xf32> to vector<2000x128xf32>
    %add3A = arith.addf %get3A_6, %get3A_11 : vector<2000x128xf32>
    %get3A_12 = arith.constant 0 : index
    %get3A_13 = arith.constant 0 : index
    %get3A_14 = vector.load %arg4[%get3A_12, %get3A_13] : memref<128x128xf32, #tpu.memory_space<vmem>>, vector<128x128xf32>
    %dot_general3A = arith.constant dense<0.000000e+00> : vector<2000x128xf32>
    %dot_general3A_15 = tpu.matmul %get3A_1, %get3A_14, %dot_general3A {dimension_numbers = #tpu.dot_dimension_numbers<[1], [0], [0], [1], [0, 0, 1, 1], [], []>, transpose_lhs_hint = false} : vector<2000x128xf32>, vector<128x128xf32>, vector<2000x128xf32> -> vector<2000x128xf32>
    %get3A_16 = arith.constant 0 : index
    %get3A_17 = arith.constant 0 : index
    %get3A_18 = vector.load %arg5[%get3A_16, %get3A_17] : memref<128x128xf32, #tpu.memory_space<vmem>>, vector<128x128xf32>
    %dot_general3A_19 = arith.constant dense<0.000000e+00> : vector<2000x128xf32>
    %dot_general3A_20 = tpu.matmul %add3A, %get3A_18, %dot_general3A_19 {dimension_numbers = #tpu.dot_dimension_numbers<[1], [0], [0], [1], [0, 0, 1, 1], [], []>, transpose_lhs_hint = false} : vector<2000x128xf32>, vector<128x128xf32>, vector<2000x128xf32> -> vector<2000x128xf32>
    %add3A_21 = arith.addf %dot_general3A_15, %dot_general3A_20 : vector<2000x128xf32>
    %get3A_22 = arith.constant 0 : index
    %get3A_23 = arith.constant 0 : index
    %get3A_24 = vector.load %arg6[%get3A_22, %get3A_23] : memref<1x128xf32, #tpu.memory_space<vmem>>, vector<1x128xf32>
    %add3A_25 = vector.broadcast %get3A_24 : vector<1x128xf32> to vector<2000x128xf32>
    %add3A_26 = arith.addf %add3A_21, %add3A_25 : vector<2000x128xf32>
    %logistic3A = arith.negf %add3A_26 : vector<2000x128xf32>
    %logistic3A_27 = math.exp %logistic3A : vector<2000x128xf32>
    %logistic3A_28 = arith.constant 1.000000e+00 : f32
    %logistic3A_29 = vector.broadcast %logistic3A_28 : f32 to vector<2000x128xf32>
    %logistic3A_30 = arith.addf %logistic3A_29, %logistic3A_27 : vector<2000x128xf32>
    %logistic3A_31 = arith.divf %logistic3A_29, %logistic3A_30 : vector<2000x128xf32>
    %mul3A = arith.mulf %add3A_26, %logistic3A_31 : vector<2000x128xf32>
    %get3A_32 = arith.constant 0 : index
    %get3A_33 = arith.constant 0 : index
    %get3A_34 = vector.load %arg7[%get3A_32, %get3A_33] : memref<128x128xf32, #tpu.memory_space<vmem>>, vector<128x128xf32>
    %dot_general3A_35 = arith.constant dense<0.000000e+00> : vector<2000x128xf32>
    %dot_general3A_36 = tpu.matmul %mul3A, %get3A_34, %dot_general3A_35 {dimension_numbers = #tpu.dot_dimension_numbers<[1], [0], [0], [1], [0, 0, 1, 1], [], []>, transpose_lhs_hint = false} : vector<2000x128xf32>, vector<128x128xf32>, vector<2000x128xf32> -> vector<2000x128xf32>
    %get3A_37 = arith.constant 0 : index
    %get3A_38 = arith.constant 0 : index
    %get3A_39 = vector.load %arg8[%get3A_37, %get3A_38] : memref<1x128xf32, #tpu.memory_space<vmem>>, vector<1x128xf32>
    %add3A_40 = vector.broadcast %get3A_39 : vector<1x128xf32> to vector<2000x128xf32>
    %add3A_41 = arith.addf %dot_general3A_36, %add3A_40 : vector<2000x128xf32>
    %reduce_sum3A = arith.constant dense<0.000000e+00> : vector<2000xf32>
    %reduce_sum3A_42 = vector.multi_reduction <add>, %add3A_41, %reduce_sum3A [1] : vector<2000x128xf32> to vector<2000xf32>
    %broadcast_in_dim3A = vector.shape_cast %reduce_sum3A_42 : vector<2000xf32> to vector<2000x1xf32>
    %div3A = arith.constant 1.280000e+02 : f32
    %div3A_43 = vector.broadcast %div3A : f32 to vector<2000x1xf32>
    %div3A_44 = arith.divf %broadcast_in_dim3A, %div3A_43 : vector<2000x1xf32>
    %sub3A = vector.broadcast %div3A_44 : vector<2000x1xf32> to vector<2000x128xf32>
    %sub3A_45 = arith.subf %add3A_41, %sub3A : vector<2000x128xf32>
    %mul3A_46 = arith.mulf %sub3A_45, %sub3A_45 : vector<2000x128xf32>
    %reduce_sum3A_47 = arith.constant dense<0.000000e+00> : vector<2000xf32>
    %reduce_sum3A_48 = vector.multi_reduction <add>, %mul3A_46, %reduce_sum3A_47 [1] : vector<2000x128xf32> to vector<2000xf32>
    %broadcast_in_dim3A_49 = vector.shape_cast %reduce_sum3A_48 : vector<2000xf32> to vector<2000x1xf32>
    %div3A_50 = arith.constant 1.280000e+02 : f32
    %div3A_51 = vector.broadcast %div3A_50 : f32 to vector<2000x1xf32>
    %div3A_52 = arith.divf %broadcast_in_dim3A_49, %div3A_51 : vector<2000x1xf32>
    %add3A_53 = arith.constant 9.99999974E-6 : f32
    %add3A_54 = vector.broadcast %add3A_53 : f32 to vector<2000x1xf32>
    %add3A_55 = arith.addf %div3A_52, %add3A_54 : vector<2000x1xf32>
    %rsqrt3A = math.rsqrt %add3A_55 : vector<2000x1xf32>
    %mul3A_56 = vector.broadcast %rsqrt3A : vector<2000x1xf32> to vector<2000x128xf32>
    %mul3A_57 = arith.mulf %sub3A_45, %mul3A_56 : vector<2000x128xf32>
    %get3A_58 = arith.constant 0 : index
    %get3A_59 = arith.constant 0 : index
    %get3A_60 = vector.load %arg9[%get3A_58, %get3A_59] : memref<1x128xf32, #tpu.memory_space<vmem>>, vector<1x128xf32>
    %mul3A_61 = vector.broadcast %get3A_60 : vector<1x128xf32> to vector<2000x128xf32>
    %mul3A_62 = arith.mulf %mul3A_57, %mul3A_61 : vector<2000x128xf32>
    %get3A_63 = arith.constant 0 : index
    %get3A_64 = arith.constant 0 : index
    %get3A_65 = vector.load %arg10[%get3A_63, %get3A_64] : memref<1x128xf32, #tpu.memory_space<vmem>>, vector<1x128xf32>
    %add3A_66 = vector.broadcast %get3A_65 : vector<1x128xf32> to vector<2000x128xf32>
    %add3A_67 = arith.addf %mul3A_62, %add3A_66 : vector<2000x128xf32>
    %add3A_68 = arith.addf %add3A_67, %get3A_1 : vector<2000x128xf32>
    %swap3A = arith.constant 0 : index
    %swap3A_69 = arith.constant 0 : index
    %swap3A_70 = vector.load %arg11[%swap3A, %swap3A_69] : memref<2000x128xf32, #tpu.memory_space<vmem>>, vector<2000x128xf32>
    tpu.vector_store %arg11[%swap3A, %swap3A_69], %add3A_68 {strides = array<i32>} : memref<2000x128xf32, #tpu.memory_space<vmem>>, vector<2000x128xf32>,
    return
  }
  func.func @transform_0(%arg0: i32) -> (i32, i32) {
    %c0_i32 = arith.constant 0 : i32
    %c0_i32_0 = arith.constant 0 : i32
    return %arg0, %c0_i32 : i32, i32
  }
  func.func @transform_1(%arg0: i32) -> (i32, i32, i32) {
    %c0_i32 = arith.constant 0 : i32
    %c0_i32_0 = arith.constant 0 : i32
    %c0_i32_1 = arith.constant 0 : i32
    return %c0_i32, %arg0, %c0_i32_0 : i32, i32, i32
  }
  func.func @transform_2(%arg0: i32) -> (i32, i32, i32) {
    %c1_i32 = arith.constant 1 : i32
    %c0_i32 = arith.constant 0 : i32
    %c0_i32_0 = arith.constant 0 : i32
    return %c1_i32, %arg0, %c0_i32 : i32, i32, i32
  }
  func.func @transform_3(%arg0: i32) -> (i32, i32) {
    %c0_i32 = arith.constant 0 : i32
    %c0_i32_0 = arith.constant 0 : i32
    %c0_i32_1 = arith.constant 0 : i32
    return %c0_i32, %c0_i32_0 : i32, i32
  }
  func.func @transform_4(%arg0: i32) -> (i32, i32) {
    %c0_i32 = arith.constant 0 : i32
    %c0_i32_0 = arith.constant 0 : i32
    %c0_i32_1 = arith.constant 0 : i32
    return %c0_i32, %c0_i32_0 : i32, i32
  }
  func.func @transform_5(%arg0: i32) -> (i32, i32) {
    %c0_i32 = arith.constant 0 : i32
    %c0_i32_0 = arith.constant 0 : i32
    %c0_i32_1 = arith.constant 0 : i32
    return %c0_i32, %c0_i32_0 : i32, i32
  }
  func.func @transform_6(%arg0: i32) -> (i32, i32) {
    %c0_i32 = arith.constant 0 : i32
    %c0_i32_0 = arith.constant 0 : i32
    %c0_i32_1 = arith.constant 0 : i32
    return %c0_i32, %c0_i32_0 : i32, i32
  }
  func.func @transform_7(%arg0: i32) -> (i32, i32) {
    %c0_i32 = arith.constant 0 : i32
    %c0_i32_0 = arith.constant 0 : i32
    %c0_i32_1 = arith.constant 0 : i32
    return %c0_i32, %c0_i32_0 : i32, i32
  }
  func.func @transform_8(%arg0: i32) -> (i32, i32) {
    %c0_i32 = arith.constant 0 : i32
    %c0_i32_0 = arith.constant 0 : i32
    %c0_i32_1 = arith.constant 0 : i32
    return %c0_i32, %c0_i32_0 : i32, i32
  }
  func.func @transform_9(%arg0: i32) -> (i32, i32) {
    %c0_i32 = arith.constant 0 : i32
    %c0_i32_0 = arith.constant 0 : i32
    %c0_i32_1 = arith.constant 0 : i32
    return %c0_i32, %c0_i32_0 : i32, i32
  }
  func.func @transform_10(%arg0: i32) -> (i32, i32) {
    %c0_i32 = arith.constant 0 : i32
    %c0_i32_0 = arith.constant 0 : i32
    return %arg0, %c0_i32 : i32, i32
  }
}

</mosaic_0001>

<sc_bundles>
// kernel: kernel.12.cloned.1.call-start
scs
__scs_entry_jumppad:
0x0: {  	(pc) =	sbr.rel $0x88, $3  }
0x1: {  	(tag) =	ssettag $0x0;
	lr =	simm.s32 $0x1  }
0x2: {  	[smem:$0x3F92] =	sst lr;
	_ =	strace $0xD0000000  }
0x3: {  	_ = 	snop  }
0x4: {  	_ = 	snop  }
0x5: {  	_ = 	snop  }
0x6: {  	_ = 	snop  }
0x7: {  	_ = 	snop  }
__scs_overlays_trampoline_lowered:
0x8: {  	[smem:$0x3FA1] =	sst s0  }
0x9: {  	[smem:$0x3FA2] =	sst s1  }
0xa: {  	[smem:$0x3FA3] =	sst s2  }
0xb: {  	[smem:$0x3FA4] =	sst s3  }
0xc: {  	[smem:$0x3FA5] =	sst s4  }
0xd: {  	[smem:$0x3FA6] =	sst s5  }
0xe: {  	[smem:$0x3FA7] =	sst s6  }
0xf: {  	[smem:$0x3FA8] =	sst s7  }
0x10: {  	[smem:$0x3FA9] =	sst s8  }
0x11: {  	[smem:$0x3FAA] =	sst s9;
	s0 =	simm.s32 @!p0 $0x0  }
0x12: {  	s1 =	sld [smem:$0x3F90];
	s0 =	simm.s32 @p0 $0x1  }
0x13: {  	[smem:$0x3FAB] =	sst s0;
	s0 =	simm.s32 @!p1 $0x0  }
0x14: {  	s2 =	sld [smem:$0x3F8F];
	s0 =	simm.s32 @p1 $0x1  }
0x15: {  	[smem:$0x3FAC] =	sst s0;
	s0 =	simm.s32 @!p2 $0x0  }
0x16: {  	s3 =	sld [smem:$0x3FDB];
	s0 =	simm.s32 @p2 $0x1  }
0x17: {  	s4 =	simm.s32 $0x1BF5;
	[smem:$0x3FAE] =	sst s0  }
0x18: {  	s0 =	sld [smem:$0x3F91];
	_ =	swait.ge [sflag:s4], $0x0  }
0x19: {  	s7 =	sld [smem:$0x3F92]  }
0x1a: {  	s8 =	sadd.s32 $0xFFFFE003, lr  }
0x1b: {  	s9 =	sadd.s32 $0xFFFFFEF7, lr;
	s5 =	simm.s32 $0xFFFFFFFF;
	p2 =	slt.u32 s8, $0xFFFFF086  }
0x1c: {  	p1 =	slt.u32 s9, $0xF7A;
	s5 =	simm.s32 @!p2 $0x0  }
0x1d: {  	s5 =	simm.s32 @p1 $0x1;
	p0 =	seq.s32 s7, s2  }
0x1e: {  	s7 =	smul.u32 @!p0 $0xF7A, s2;
	p2 =	seq.s32 @!p0 s5, $0x0  }
0x1f: {  	s9 =	smul.u32 $0xF7A, s1;
	s8 =	simm.s32 @!p0 $0x1BF5;
	p2 =	por !p2, p0  }
0x20: {  	[sflag:s8] =	ssyncset.s32 @!p0 $0xFFFFF086;
	s6 =	sadd.s32 @!p0 s3, s7;
	s7 =	simm.s32 @!p0 $0x108  }
0x21: {  	s3 =	sadd.s32 s3, s9;
	s6 =	sadd.s32 @!p0 $0x88, s6;
	s7 =	simm.s32 @p2 $0x1082  }
0x22: {  	[simem:s7], [sflag:s8] =	dma.local @!p0 [hbm:s6], $0xF7A  }
0x23: {  	s9 =	sor.u32 $0xD0000000, s2;
	s6 =	simm.s32 $0x108;
	_ =	swait.ge @!p0 [sflag:s8], $0x0  }
0x24: {  	s3 =	sadd.s32 $0x88, s3;
	s6 =	simm.s32 @!p1 $0x1082;
	[sflag:s4] =	ssyncset.s32 $0xFFFFF086  }
0x25: {  	[simem:s6], [sflag:s4] =	dma.local [hbm:s3], $0xF7A  }
0x26: {  	[smem:$0x3F92] =	sst s1;
	(tag) =	ssettag s2;
	_ =	strace s9  }
0x27: {  	s1 =	sld [smem:$0x3FA2]  }
0x28: {  	s2 =	sld [smem:$0x3FA3]  }
0x29: {  	s4 =	sld [smem:$0x3FA5]  }
0x2a: {  	p0 =	seq.s32 s5, $0x0;
	s5 =	sld [smem:$0x3FA6]  }
0x2b: {  	s6 =	sld [smem:$0x3FA7]  }
0x2c: {  	s7 =	sld [smem:$0x3FA8]  }
0x2d: {  	s3 =	simm.s32 $0x108;
	s8 =	sld [smem:$0x3FA9]  }
0x2e: {  	s3 =	simm.s32 @!p0 $0x1082;
	s9 =	sld [smem:$0x3FAA]  }
0x2f: {  	lr =	sadd.s32 s0, s3;
	s0 =	sld [smem:$0x3FA1]  }
0x30: {  	s3 =	sld [smem:$0x3FA4]  }
0x31: {  	[smem:$0x3FAD] =	sst s10  }
0x32: {  	s10 =	sld [smem:$0x3FAB];
	_ =	sdelay $0x3  }
0x33: {  	p0 =	seq.s32 s10, $0x1;
	s10 =	sld [smem:$0x3FAD];
	_ =	sdelay $0x3  }
0x34: {  	[smem:$0x3FAD] =	sst s10  }
0x35: {  	s10 =	sld [smem:$0x3FAC];
	_ =	sdelay $0x3  }
0x36: {  	p1 =	seq.s32 s10, $0x1;
	s10 =	sld [smem:$0x3FAD];
	_ =	sdelay $0x3  }
0x37: {  	[smem:$0x3FAD] =	sst s10  }
0x38: {  	s10 =	sld [smem:$0x3FAE]  }
0x39: {  	_ = 	snop;
	(pc) =	sbr.ind lr, $3  }
0x3a: {  	_ = 	snop  }
0x3b: {  	_ = 	snop  }
0x3c: {  	p2 =	seq.s32 s10, $0x1;
	s10 =	sld [smem:$0x3FAD]  }
0x3d: {  	_ =	shalt  }
0x3e: {  	_ =	shalt  }
0x3f: {  	_ =	shalt  }
0x40: {  	_ =	shalt  }
0x41: {  	_ =	shalt  }
0x42: {  	_ =	shalt  }
0x43: {  	_ =	shalt  }
0x44: {  	_ =	shalt  }
0x45: {  	_ =	shalt  }
0x46: {  	_ =	shalt  }
0x47: {  	_ =	shalt  }
0x48: {  	_ =	shalt  }
0x49: {  	_ =	shalt  }
0x4a: {  	_ =	shalt  }
0x4b: {  	_ =	shalt  }
0x4c: {  	_ =	shalt  }
0x4d: {  	_ =	shalt  }
0x4e: {  	_ =	shalt  }
0x4f: {  	_ =	shalt  }
0x50: {  	_ =	shalt  }
0x51: {  	_ =	shalt  }
0x52: {  	_ =	shalt  }
0x53: {  	_ =	shalt  }
0x54: {  	_ =	shalt  }
0x55: {  	_ =	shalt  }
0x56: {  	_ =	shalt  }
0x57: {  	_ =	shalt  }
0x58: {  	_ =	shalt  }
0x59: {  	_ =	shalt  }
0x5a: {  	_ =	shalt  }
0x5b: {  	_ =	shalt  }
0x5c: {  	_ =	shalt  }
0x5d: {  	_ =	shalt  }
0x5e: {  	_ =	shalt  }
0x5f: {  	_ =	shalt  }
0x60: {  	_ =	shalt  }
0x61: {  	_ =	shalt  }
0x62: {  	_ =	shalt  }
0x63: {  	_ =	shalt  }
0x64: {  	_ =	shalt  }
0x65: {  	_ =	shalt  }
0x66: {  	_ =	shalt  }
0x67: {  	_ =	shalt  }
0x68: {  	_ =	shalt  }
0x69: {  	_ =	shalt  }
0x6a: {  	_ =	shalt  }
0x6b: {  	_ =	shalt  }
0x6c: {  	_ =	shalt  }
0x6d: {  	_ =	shalt  }
0x6e: {  	_ =	shalt  }
0x6f: {  	_ =	shalt  }
0x70: {  	_ =	shalt  }
0x71: {  	_ =	shalt  }
0x72: {  	_ =	shalt  }
0x73: {  	_ =	shalt  }
0x74: {  	_ =	shalt  }
0x75: {  	_ =	shalt  }
0x76: {  	_ =	shalt  }
0x77: {  	_ =	shalt  }
0x78: {  	_ =	shalt  }
0x79: {  	_ =	shalt  }
0x7a: {  	_ =	shalt  }
0x7b: {  	_ =	shalt  }
0x7c: {  	_ =	shalt  }
0x7d: {  	_ =	shalt  }
0x7e: {  	_ =	shalt  }
0x7f: {  	_ =	shalt  }
0x80: {  	_ =	shalt  }
0x81: {  	_ =	shalt  }
0x82: {  	_ =	shalt  }
0x83: {  	_ =	shalt  }
0x84: {  	_ =	shalt  }
0x85: {  	_ =	shalt  }
0x86: {  	_ =	shalt  }
0x87: {  	_ =	shalt  }
.Lfunc_end0:
.L_simem_size_0:
called_computation_lowered:
.L_overlay_start_0:
0x88: {  	s2 =	sld [smem:$0x3FD9]  }
0x89: {  	s3 =	sld [smem:$0x3FFE];
	_ =	sdelay $0x1  }
0x8a: {  	s1 =	srdreg.scid  }
0x8b: {  	s0 =	sand.u32 $0x1, s1  }
0x8c: {  	s14 =	sshll.u32 s0, $0xA;
	s2 =	sadd.s32 s3, s2  }
0x8d: {  	s2 =	sadd.s32 s2, s14  }
0x8e: {  	[smem:$0x3FB9] =	sst s2  }
0x8f: {  	_ = 	snop  }
0x90: {  	s2 =	sld [smem:$0x3FD0];
	_ =	sdelay $0x2  }
0x91: {  	s15 =	simm.s32 $0xA;
	s4 =	simm.s32 $0x10  }
0x92: {  	[smem:s4], [sflag:s15] =	dma.local [hbm:s2], $0x1  }
0x93: {  	_ =	swait.eq [sflag:s15], $0x1  }
0x94: {  	[sflag:s15] =	ssyncset.done $0x0  }
0x95: {  	[sflag:s15] =	ssyncadd.s32 $0xFFFFFFFF  }
0x96: {  	s16 =	sld [smem:$0x11];
	(tm) =	ssettm $0x1  }
0x97: {  	s17 =	sld [smem:$0x3FFB];
	_ =	sdelay $0x3  }
0x98: {  	_ =	strace s17  }
0x99: {  	s3 =	sld [smem:$0x3FFC];
	_ =	sdelay $0x3  }
0x9a: {  	_ =	strace s3  }
0x9b: {  	s3 =	sld [smem:$0x3FFD];
	_ =	sdelay $0x3  }
0x9c: {  	_ =	strace s3  }
0x9d: {  	_ =	strace $0x8FFFFFFF  }
0x9e: {  	s18 =	sld [smem:$0x3FDB];
	_ =	sdelay $0x1  }
0x9f: {  	s19 =	simm.s32 $_scs_section_size  }
0xa0: {  	s5 =	simm.s32 $_size__tile_overlayer_lowered;
	s6 =	simm.s32 $_tile_overlayer_lowered  }
0xa1: {  	s22 =	simm.s32 $0x1BFF;
	s21 =	sshll.u32 s6, $0x1;
	s3 =	sadd.s32 s19, s18  }
0xa2: {  	s7 =	simm.s32 $0x0;
	s20 =	sshll.u32 s5, $0x1;
	s5 =	sadd.s32 s21, s3  }
0xa3: {  	[timem:s7], [sflag:s22] =	dma.local [hbm:s5], s20  }
0xa4: {  	_ =	swait.ge [sflag:s22], s20  }
0xa5: {  	s4 =	ssub.s32 $0x0, s20;
	[sflag:s22] =	ssyncset.done $0x0  }
0xa6: {  	[sflag:s22] =	ssyncadd.s32 s4;
	_ =	sdelay $0x1  }
0xa7: {  	s23 =	simm.s32 $0x1B8B  }
0xa8: {  	_ =	swait.ge [sflag:s23], $0x1  }
0xa9: {  	[sflag:s23] =	ssyncset.done $0x0  }
0xaa: {  	s25 =	simm.s32 $0x1B8E;
	s24 =	sld [smem:$0x3FFE];
	[sflag:s23] =	ssyncadd.s32 $0xFFFFFFFF  }
0xab: {  	s26 =	simm.s32 $execute0_lowered;
	[smem:$0x3FD2] =	sst s25  }
0xac: {  	s5 =	sshll.u32 s26, $0x1;
	_ =	strace $0x80000046;
	[dreg:$0x1] =	wrdreg $0xFFFFFFFF  }
0xad: {  	s28 =	simm.s32 $_size_execute0_lowered;
	s3 =	sadd.s32 s3, s5;
	[dreg:$0x0] =	wrdreg $0x0  }
0xae: {  	s5 =	sshll.u32 s28, $0x1;
	[dreg:$0x2] =	wrdreg s3  }
0xaf: {  	[dreg:$0x3] =	wrdreg s5  }
0xb0: {  	[dreg:$0x4] =	wrdreg $0xC0  }
0xb1: {  	_ =	task [dreg:s7], $0x5FFFF  }
0xb2: {  	[dreg:$0x1] =	wrdreg $0xFFFFFFFF  }
0xb3: {  	[dreg:$0x0] =	wrdreg $0x60  }
0xb4: {  	[dreg:$0x2] =	wrdreg s16  }
0xb5: {  	[dreg:$0x3] =	wrdreg s24  }
0xb6: {  	[dreg:$0x4] =	wrdreg $0x81000  }
0xb7: {  	[dreg:$0x5] =	wrdreg $0x9  }
0xb8: {  	_ =	task.clear_ibuf [dreg:s7], $0x6FFFF;
	_ =	strace $0x90000046  }
0xb9: {  	s29 =	simm.s32 $0x9;
	_ =	strace $0x80000048  }
0xba: {  	_ =	swait.ge [sflag:s29], $0x1  }
0xbb: {  	[sflag:s29] =	ssyncadd.s32 $0xFFFFFFFF  }
0xbc: {  	_ =	strace $0x90000048  }
0xbd: {  	_ =	sfence  }
0xbe: {  	s30 =	sld [smem:$0x0];
	_ =	sdelay $0x2  }
0xbf: {  	s31 =	sshll.u32 s1, $0xD;
	s1 =	sshrl.u32 s1, $0x2  }
0xc0: {  	s3 =	sand.u32 $0x4000, s31;
	s1 =	sadd.s32 s1, s30  }
0xc1: {  	s0 =	sor.u32 s3, s0;
	s1 =	sshll.u32 s1, $0x11  }
0xc2: {  	s0 =	sor.u32 s1, s0  }
0xc3: {  	s0 =	sadd.s32 $0x8F2B, s0  }
0xc4: {  	[sflag:s0] =	ssyncadd.remote.s32 $0x1  }
0xc5: {  	_ =	sfence.sel $0xFFFF  }
0xc6: {  	[dreg:$0x0] =	wrdreg $0xFFFFFFFF;
	(pc) =	sbr.abs _section_cstart, $3  }
0xc7: {  	[dreg:$0x1] =	wrdreg $0xFFFFFFFF  }
0xc8: {  	_ =	task.clear_ibuf [dreg:s7], $0x2FFFF;
	_ =	strace $0x9FFFFFFF  }
0xc9: {  	(tm) =	ssettm $0x7FFFFFFF  }
tec
execute0_lowered:
.L_overlay_start_1:
0x0: {  	(tag) =	ssettag $0x1  }
0x1: {  	s4 =	rddreg [dreg:$0x0];
	s3 =	srdreg.scid  }
0x2: {  	s5 =	rddreg [dreg:$0x1];
	s6 =	sand.u32 $0x1, s3  }
0x3: {  	s3 =	stileid.u32;
	s7 =	smul.u32 $0x4E2000, s6  }
0x4: {  	s1 =	rddreg [dreg:$0x2];
	s9 =	smul.u32 $0x50000, s3  }
0x5: {  	s8 =	sshll.u32 s6, $0x4;
	s29 =	ssub.s32 $0x2, s6;
	s6 =	smul.u32 $0x28000, s6  }
0x6: {  	s0 =	rddreg [dreg:$0x3];
	s2 =	simm.s32 $0x0;
	s30 =	smul.u32 $0x2800, s3  }
0x7: {  	s14 =	simm.s32 $0x100;
	s17 =	simm.s32 $0x2;
	s11 =	smul.u32 $0x13C0, s3  }
0x8: {  	s18 =	simm.s32 $0x4100;
	[smem:$0x7FF] =	sst s2;
	s15 =	smul.u32 $0x4F000, s3  }
0x9: {  	_ =	strace $0x80000047;
	s31 =	sshll.u32 s3, $0x6;
	s12 =	smul.u32 $0x9E, s3  }
0xa: {  	p0 =	seq.s32 s3, $0xF;
	s8 =	sadd.s32 s8, s5;
	s10 =	sshrl.u32 s29, $0x1  }
0xb: {  	s7 =	sadd.s32 s7, s5;
	s9 =	sshrl.u32 s9, $0x2;
	s10 =	ssub.s32 s29, s10  }
0xc: {  	s4 =	sadd.s32 s4, s6;
	s5 =	sor.u32 $0x1C05, s31;
	s21 =	sadd.s32 $0x12400, s8  }
0xd: {  	s13 =	sor.u32 $0x20, s11;
	s20 =	sor.u32 $0x800, s15;
	s22 =	sadd.s32 $0xA0, s11  }
0xe: {  	s9 =	sadd.s32 s9, s1;
	s4 =	sadd.s32 s30, s4;
	s19 =	sadd.s32 $0x26000, s7  }
.Ltmp0:
0xf: {  	s6 =	smax.u32 s10, $0x1;
	s7 =	sadd.s32 $0x2, s12;
	(pc) =	sbr.rel .LBB2_1-.Ltmp0, $4  }
0x10: {  	s10 =	sadd.s32 s11, s21;
	s11 =	sadd.s32 s21, s13;
	s12 =	simm.s32 $0x80  }
0x11: {  	s13 =	simm.s32 $0x1;
	s21 =	sadd.s32 s21, s22;
	s22 =	simm.s32 $0x0  }
0x12: {  	s8 =	sshrl.u32 s9, $0x3;
	s9 =	simm.s32 $0x5;
	s15 =	sadd.s32 s15, s19  }
0x13: {  	s16 =	sadd.s32 $0x40, s10;
	s19 =	sadd.s32 s19, s20;
	s20 =	sadd.s32 $0x60, s10  }
.LBB2_4:
0x14: {  	s23 =	simm.s32 @!p0 $0x3;
	s22 =	sadd.s32 $0x1, s22  }
0x15: {  	_ =	swait.ge @!p0 [sflag:s23], $0x4000;
	p1 =	sne.s32 s22, s6  }
.Ltmp1:
0x16: {  	[sflag:s23] =	ssyncset.done @!p0 $0x0;
	(pc) =	sbr.rel @!p1 .LBB2_5-.Ltmp1, $4  }
0x17: {  	[sflag:s23] =	ssyncadd.s32 @!p0 $0xFFFFC000;
	s23 =	simm.s32 @!p0 $0x4  }
0x18: {  	_ =	swait.ge @!p0 [sflag:s23], $0x4000  }
0x19: {  	[sflag:s23] =	ssyncset.done @!p0 $0x0  }
0x1a: {  	[sflag:s23] =	ssyncadd.s32 @!p0 $0xFFFFC000  }
.LBB2_1:
0x1b: {  	[spmem:s8], [sflag:s5] =	dma.local [hbm:s4], $0x2800  }
0x1c: {  	_ =	swait.ge [sflag:s9], $0x2800  }
0x1d: {  	[sflag:s9] =	ssyncset.done $0x0  }
0x1e: {  	[sflag:s9] =	ssyncadd.s32 $0xFFFFD800  }
0x1f: {  	[bflag:$0x0] =	sbarrier.arrive $0xFFFF  }
0x20: {  	[tilespmem:s2], [sflag:$0x1] =	stream.linear.gather [hbm4b:s10+s2], $0x80, $0x38;
	[tilespmem:$0x1C100] =	vst v63  }
0x21: {  	_ = 	snop  }
0x22: {  	[tilespmem:s12], [sflag:$0x2] =	stream.linear.gather [hbm4b:s11+s2], $0x80, $0x38;
	[tilespmem:$0x1C100] =	vst v63  }
0x23: {  	_ =	swait.ge [sflag:s13], $0x80  }
0x24: {  	[sflag:s13] =	ssyncset.done $0x0  }
0x25: {  	[sflag:s13] =	ssyncadd.s32 $0xFFFFFF80  }
0x26: {  	[tilespmem:s14], [sflag:$0x5] =	stream.indirect.gather [spmem:s1], $0x80, s2, s12, $0xb8;
	[tilespmem:$0x1C100] =	vst v63  }
0x27: {  	_ =	swait.ge [sflag:s9], $0x4000  }
0x28: {  	[sflag:s9] =	ssyncset.done $0x0  }
0x29: {  	[sflag:s9] =	ssyncadd.s32 $0xFFFFC000  }
0x2a: {  	[hbm4b:s15+s2] =	stream.linear.scatter [tilespmem:s14], [sflag:$0x3], $0x4000, $0x38;
	[tilespmem:$0x1C100] =	vst v63  }
0x2b: {  	_ = 	snop  }
0x2c: {  	[tilespmem:s2], [sflag:$0x1] =	stream.linear.gather [hbm4b:s16+s2], $0x80, $0x38;
	[tilespmem:$0x1C100] =	vst v63  }
0x2d: {  	_ =	swait.ge [sflag:s17], $0x80  }
0x2e: {  	[sflag:s17] =	ssyncset.done $0x0  }
0x2f: {  	[sflag:s17] =	ssyncadd.s32 $0xFFFFFF80  }
0x30: {  	[tilespmem:s18], [sflag:$0x5] =	stream.indirect.gather [spmem:s1], $0x80, s12, s12, $0xb8;
	[tilespmem:$0x1C100] =	vst v63  }
0x31: {  	_ =	swait.ge [sflag:s9], $0x4000  }
0x32: {  	[sflag:s9] =	ssyncset.done $0x0  }
0x33: {  	[sflag:s9] =	ssyncadd.s32 $0xFFFFC000  }
0x34: {  	[hbm4b:s19+s2] =	stream.linear.scatter [tilespmem:s18], [sflag:$0x4], $0x4000, $0x38;
	[tilespmem:$0x1C100] =	vst v63  }
0x35: {  	s23 =	smov.u32 s7;
	s24 =	smov.u32 s21;
	s25 =	simm.s32 $0x0  }
0x36: {  	[tilespmem:s12], [sflag:$0x2] =	stream.linear.gather [hbm4b:s20+s2], $0x80, $0x38;
	[tilespmem:$0x1C100] =	vst v63  }
.LBB2_2:
0x37: {  	p1 =	sgt.u32 s23, $0x9C4  }
0x38: {  	s26 =	simm.s32 @!p1 $0x3  }
0x39: {  	_ =	swait.ge @!p1 [sflag:s26], $0x4000  }
0x3a: {  	[sflag:s26] =	ssyncset.done @!p1 $0x0  }
0x3b: {  	[sflag:s26] =	ssyncadd.s32 @!p1 $0xFFFFC000  }
0x3c: {  	_ =	swait.ge [sflag:s13], $0x80  }
0x3d: {  	[sflag:s13] =	ssyncset.done $0x0  }
0x3e: {  	[sflag:s13] =	ssyncadd.s32 $0xFFFFFF80  }
0x3f: {  	[tilespmem:s14], [sflag:$0x5] =	stream.indirect.gather [spmem:s1], $0x80, s2, s12, $0xb8;
	[tilespmem:$0x1C100] =	vst v63  }
0x40: {  	p2 =	sgt.u32 s23, $0x9C3;
	p3 =	seq.s32 s25, $0x4D000;
	_ =	swait.ge [sflag:s9], $0x4000  }
0x41: {  	s29 =	simm.s32 @!p2 $0x0;
	s26 =	sadd.s32 @!p2 s25, s15;
	[sflag:s9] =	ssyncset.done $0x0  }
0x42: {  	s30 =	simm.s32 @!p2 $0x100;
	s28 =	sadd.s32 @!p2 $0x1000, s26;
	[sflag:s9] =	ssyncadd.s32 $0xFFFFC000  }
0x43: {  	[hbm4b:s28+s29] =	stream.linear.scatter @!p2 [tilespmem:s30], [sflag:$0x3], $0x4000, $0x38;
	[tilespmem:$0x1C100] =	vst v63  }
0x44: {  	s28 =	sadd.s32 @!p3 $0xFFFFFFE0, s24;
	s30 =	simm.s32 @!p3 $0x0  }
0x45: {  	[tilespmem:s30], [sflag:$0x1] =	stream.linear.gather @!p3 [hbm4b:s28+s30], $0x80, $0x38;
	[tilespmem:$0x1C100] =	vst v63  }
0x46: {  	s28 =	simm.s32 @!p1 $0x4  }
0x47: {  	_ =	swait.ge @!p1 [sflag:s28], $0x4000  }
0x48: {  	[sflag:s28] =	ssyncset.done @!p1 $0x0  }
0x49: {  	[sflag:s28] =	ssyncadd.s32 @!p1 $0xFFFFC000  }
0x4a: {  	_ =	swait.ge [sflag:s17], $0x80  }
0x4b: {  	[sflag:s17] =	ssyncset.done $0x0  }
0x4c: {  	[sflag:s17] =	ssyncadd.s32 $0xFFFFFF80  }
0x4d: {  	[tilespmem:s18], [sflag:$0x5] =	stream.indirect.gather [spmem:s1], $0x80, s12, s12, $0xb8;
	[tilespmem:$0x1C100] =	vst v63  }
.Ltmp2:
0x4e: {  	_ = 	snop;
	(pc) =	sbr.rel @p3 .LBB2_4-.Ltmp2, $4  }
0x4f: {  	_ =	swait.ge [sflag:s9], $0x4000  }
0x50: {  	[sflag:s9] =	ssyncset.done $0x0  }
0x51: {  	s26 =	sadd.s32 @!p2 $0x1800, s26;
	s28 =	simm.s32 @!p2 $0x4100;
	[sflag:s9] =	ssyncadd.s32 $0xFFFFC000  }
0x52: {  	[hbm4b:s26+s29] =	stream.linear.scatter @!p2 [tilespmem:s28], [sflag:$0x4], $0x4000, $0x38;
	[tilespmem:$0x1C100] =	vst v63  }
.Ltmp3:
0x53: {  	(pc) =	sbr.rel .LBB2_2-.Ltmp3, $3  }
0x54: {  	_ =	sdelay $0x1  }
0x55: {  	[tilespmem:s12], [sflag:$0x2] =	stream.linear.gather [hbm4b:s24+s2], $0x80, $0x38;
	[tilespmem:$0x1C100] =	vst v63  }
0x56: {  	s25 =	sadd.s32 $0x1000, s25;
	s24 =	sadd.s32 $0x40, s24;
	s23 =	sadd.s32 $0x2, s23  }
.LBB2_5:
0x57: {  	_ =	sfence.sel $0x180000  }
0x58: {  	[bflag:$0x0] =	sbarrier.arrive $0xFFFF  }
0x59: {  	p0 =	sne.s32 s3, $0x0;
	_ =	strace $0x90000047  }
0x5a: {  	s0 =	sadd.s32 @!p0 $0x100000, s0;
	[bflag:$0x2] =	sbarrier.arrive $0xFFFF  }
0x5b: {  	[sflag:s0] =	ssyncadd.tile.s32 @!p0 $0x1;
	_ =	shalt  }
.Lfunc_end2:
_tile_overlayer_lowered:
.L_overlay_start_2:
0x5c: {  	(tag) =	ssettag $0x2  }
0x5d: {  	s0 =	rddreg [dreg:$0x0];
	s2 =	stileid.u32  }
0x5e: {  	s1 =	rddreg [dreg:$0x1];
	p0 =	sne.s32 s2, $0x0  }
0x5f: {  	s3 =	rddreg [dreg:$0x2];
	[bflag:$0x3] =	sbarrier.arrive $0xFFFF;
	s2 =	simm.s32 @!p0 $0x1C05  }
0x60: {  	[timem:s3], [sflag:s2] =	dma.local @!p0 [hbm:s0], s1  }
0x61: {  	s0 =	simm.s32 @!p0 $0x5  }
0x62: {  	_ =	swait.ge @!p0 [sflag:s0], s1  }
0x63: {  	s1 =	ssub.s32 @!p0 $0x0, s1;
	[sflag:s0] =	ssyncset.done @!p0 $0x0  }
0x64: {  	[sflag:s0] =	ssyncadd.s32 @!p0 s1  }
0x65: {  	[bflag:$0x3] =	sbarrier.arrive $0xFFFF  }
0x66: {  	_ =	shalt  }

// kernel: kernel.15.cloned.1.call-start
scs
__scs_entry_jumppad:
0x0: {  	(pc) =	sbr.rel $0x88, $3  }
0x1: {  	(tag) =	ssettag $0x0;
	lr =	simm.s32 $0x1  }
0x2: {  	[smem:$0x3F92] =	sst lr;
	_ =	strace $0xD0000000  }
0x3: {  	_ = 	snop  }
0x4: {  	_ = 	snop  }
0x5: {  	_ = 	snop  }
0x6: {  	_ = 	snop  }
0x7: {  	_ = 	snop  }
__scs_overlays_trampoline_lowered:
0x8: {  	[smem:$0x3FA1] =	sst s0  }
0x9: {  	[smem:$0x3FA2] =	sst s1  }
0xa: {  	[smem:$0x3FA3] =	sst s2  }
0xb: {  	[smem:$0x3FA4] =	sst s3  }
0xc: {  	[smem:$0x3FA5] =	sst s4  }
0xd: {  	[smem:$0x3FA6] =	sst s5  }
0xe: {  	[smem:$0x3FA7] =	sst s6  }
0xf: {  	[smem:$0x3FA8] =	sst s7  }
0x10: {  	[smem:$0x3FA9] =	sst s8  }
0x11: {  	[smem:$0x3FAA] =	sst s9;
	s0 =	simm.s32 @!p0 $0x0  }
0x12: {  	s1 =	sld [smem:$0x3F90];
	s0 =	simm.s32 @p0 $0x1  }
0x13: {  	[smem:$0x3FAB] =	sst s0;
	s0 =	simm.s32 @!p1 $0x0  }
0x14: {  	s2 =	sld [smem:$0x3F8F];
	s0 =	simm.s32 @p1 $0x1  }
0x15: {  	[smem:$0x3FAC] =	sst s0;
	s0 =	simm.s32 @!p2 $0x0  }
0x16: {  	s3 =	sld [smem:$0x3FDB];
	s0 =	simm.s32 @p2 $0x1  }
0x17: {  	s4 =	simm.s32 $0x1BF5;
	[smem:$0x3FAE] =	sst s0  }
0x18: {  	s0 =	sld [smem:$0x3F91];
	_ =	swait.ge [sflag:s4], $0x0  }
0x19: {  	s7 =	sld [smem:$0x3F92]  }
0x1a: {  	s8 =	sadd.s32 $0xFFFFE003, lr  }
0x1b: {  	s9 =	sadd.s32 $0xFFFFFEF7, lr;
	s5 =	simm.s32 $0xFFFFFFFF;
	p2 =	slt.u32 s8, $0xFFFFF086  }
0x1c: {  	p1 =	slt.u32 s9, $0xF7A;
	s5 =	simm.s32 @!p2 $0x0  }
0x1d: {  	s5 =	simm.s32 @p1 $0x1;
	p0 =	seq.s32 s7, s2  }
0x1e: {  	s7 =	smul.u32 @!p0 $0xF7A, s2;
	p2 =	seq.s32 @!p0 s5, $0x0  }
0x1f: {  	s9 =	smul.u32 $0xF7A, s1;
	s8 =	simm.s32 @!p0 $0x1BF5;
	p2 =	por !p2, p0  }
0x20: {  	[sflag:s8] =	ssyncset.s32 @!p0 $0xFFFFF086;
	s6 =	sadd.s32 @!p0 s3, s7;
	s7 =	simm.s32 @!p0 $0x108  }
0x21: {  	s3 =	sadd.s32 s3, s9;
	s6 =	sadd.s32 @!p0 $0x88, s6;
	s7 =	simm.s32 @p2 $0x1082  }
0x22: {  	[simem:s7], [sflag:s8] =	dma.local @!p0 [hbm:s6], $0xF7A  }
0x23: {  	s9 =	sor.u32 $0xD0000000, s2;
	s6 =	simm.s32 $0x108;
	_ =	swait.ge @!p0 [sflag:s8], $0x0  }
0x24: {  	s3 =	sadd.s32 $0x88, s3;
	s6 =	simm.s32 @!p1 $0x1082;
	[sflag:s4] =	ssyncset.s32 $0xFFFFF086  }
0x25: {  	[simem:s6], [sflag:s4] =	dma.local [hbm:s3], $0xF7A  }
0x26: {  	[smem:$0x3F92] =	sst s1;
	(tag) =	ssettag s2;
	_ =	strace s9  }
0x27: {  	s1 =	sld [smem:$0x3FA2]  }
0x28: {  	s2 =	sld [smem:$0x3FA3]  }
0x29: {  	s4 =	sld [smem:$0x3FA5]  }
0x2a: {  	p0 =	seq.s32 s5, $0x0;
	s5 =	sld [smem:$0x3FA6]  }
0x2b: {  	s6 =	sld [smem:$0x3FA7]  }
0x2c: {  	s7 =	sld [smem:$0x3FA8]  }
0x2d: {  	s3 =	simm.s32 $0x108;
	s8 =	sld [smem:$0x3FA9]  }
0x2e: {  	s3 =	simm.s32 @!p0 $0x1082;
	s9 =	sld [smem:$0x3FAA]  }
0x2f: {  	lr =	sadd.s32 s0, s3;
	s0 =	sld [smem:$0x3FA1]  }
0x30: {  	s3 =	sld [smem:$0x3FA4]  }
0x31: {  	[smem:$0x3FAD] =	sst s10  }
0x32: {  	s10 =	sld [smem:$0x3FAB];
	_ =	sdelay $0x3  }
0x33: {  	p0 =	seq.s32 s10, $0x1;
	s10 =	sld [smem:$0x3FAD];
	_ =	sdelay $0x3  }
0x34: {  	[smem:$0x3FAD] =	sst s10  }
0x35: {  	s10 =	sld [smem:$0x3FAC];
	_ =	sdelay $0x3  }
0x36: {  	p1 =	seq.s32 s10, $0x1;
	s10 =	sld [smem:$0x3FAD];
	_ =	sdelay $0x3  }
0x37: {  	[smem:$0x3FAD] =	sst s10  }
0x38: {  	s10 =	sld [smem:$0x3FAE]  }
0x39: {  	_ = 	snop;
	(pc) =	sbr.ind lr, $3  }
0x3a: {  	_ = 	snop  }
0x3b: {  	_ = 	snop  }
0x3c: {  	p2 =	seq.s32 s10, $0x1;
	s10 =	sld [smem:$0x3FAD]  }
0x3d: {  	_ =	shalt  }
0x3e: {  	_ =	shalt  }
0x3f: {  	_ =	shalt  }
0x40: {  	_ =	shalt  }
0x41: {  	_ =	shalt  }
0x42: {  	_ =	shalt  }
0x43: {  	_ =	shalt  }
0x44: {  	_ =	shalt  }
0x45: {  	_ =	shalt  }
0x46: {  	_ =	shalt  }
0x47: {  	_ =	shalt  }
0x48: {  	_ =	shalt  }
0x49: {  	_ =	shalt  }
0x4a: {  	_ =	shalt  }
0x4b: {  	_ =	shalt  }
0x4c: {  	_ =	shalt  }
0x4d: {  	_ =	shalt  }
0x4e: {  	_ =	shalt  }
0x4f: {  	_ =	shalt  }
0x50: {  	_ =	shalt  }
0x51: {  	_ =	shalt  }
0x52: {  	_ =	shalt  }
0x53: {  	_ =	shalt  }
0x54: {  	_ =	shalt  }
0x55: {  	_ =	shalt  }
0x56: {  	_ =	shalt  }
0x57: {  	_ =	shalt  }
0x58: {  	_ =	shalt  }
0x59: {  	_ =	shalt  }
0x5a: {  	_ =	shalt  }
0x5b: {  	_ =	shalt  }
0x5c: {  	_ =	shalt  }
0x5d: {  	_ =	shalt  }
0x5e: {  	_ =	shalt  }
0x5f: {  	_ =	shalt  }
0x60: {  	_ =	shalt  }
0x61: {  	_ =	shalt  }
0x62: {  	_ =	shalt  }
0x63: {  	_ =	shalt  }
0x64: {  	_ =	shalt  }
0x65: {  	_ =	shalt  }
0x66: {  	_ =	shalt  }
0x67: {  	_ =	shalt  }
0x68: {  	_ =	shalt  }
0x69: {  	_ =	shalt  }
0x6a: {  	_ =	shalt  }
0x6b: {  	_ =	shalt  }
0x6c: {  	_ =	shalt  }
0x6d: {  	_ =	shalt  }
0x6e: {  	_ =	shalt  }
0x6f: {  	_ =	shalt  }
0x70: {  	_ =	shalt  }
0x71: {  	_ =	shalt  }
0x72: {  	_ =	shalt  }
0x73: {  	_ =	shalt  }
0x74: {  	_ =	shalt  }
0x75: {  	_ =	shalt  }
0x76: {  	_ =	shalt  }
0x77: {  	_ =	shalt  }
0x78: {  	_ =	shalt  }
0x79: {  	_ =	shalt  }
0x7a: {  	_ =	shalt  }
0x7b: {  	_ =	shalt  }
0x7c: {  	_ =	shalt  }
0x7d: {  	_ =	shalt  }
0x7e: {  	_ =	shalt  }
0x7f: {  	_ =	shalt  }
0x80: {  	_ =	shalt  }
0x81: {  	_ =	shalt  }
0x82: {  	_ =	shalt  }
0x83: {  	_ =	shalt  }
0x84: {  	_ =	shalt  }
0x85: {  	_ =	shalt  }
0x86: {  	_ =	shalt  }
0x87: {  	_ =	shalt  }
.Lfunc_end0:
.L_simem_size_0:
called_computation.1_lowered:
.L_overlay_start_0:
0x88: {  	s2 =	sld [smem:$0x3FD9]  }
0x89: {  	s3 =	sld [smem:$0x3FFE];
	_ =	sdelay $0x1  }
0x8a: {  	s1 =	srdreg.scid  }
0x8b: {  	s0 =	sand.u32 $0x1, s1  }
0x8c: {  	s14 =	sshll.u32 s0, $0xA;
	s2 =	sadd.s32 s3, s2  }
0x8d: {  	s2 =	sadd.s32 s2, s14  }
0x8e: {  	[smem:$0x3FB9] =	sst s2  }
0x8f: {  	_ = 	snop  }
0x90: {  	s2 =	sld [smem:$0x3FD0];
	_ =	sdelay $0x2  }
0x91: {  	s15 =	simm.s32 $0xA;
	s4 =	simm.s32 $0x10  }
0x92: {  	[smem:s4], [sflag:s15] =	dma.local [hbm:s2], $0x1  }
0x93: {  	_ =	swait.eq [sflag:s15], $0x1  }
0x94: {  	[sflag:s15] =	ssyncset.done $0x0  }
0x95: {  	[sflag:s15] =	ssyncadd.s32 $0xFFFFFFFF  }
0x96: {  	s16 =	sld [smem:$0x11];
	(tm) =	ssettm $0x1  }
0x97: {  	s17 =	sld [smem:$0x3FFB];
	_ =	sdelay $0x3  }
0x98: {  	_ =	strace s17  }
0x99: {  	s3 =	sld [smem:$0x3FFC];
	_ =	sdelay $0x3  }
0x9a: {  	_ =	strace s3  }
0x9b: {  	s3 =	sld [smem:$0x3FFD];
	_ =	sdelay $0x3  }
0x9c: {  	_ =	strace s3  }
0x9d: {  	_ =	strace $0x8FFFFFFF  }
0x9e: {  	s18 =	sld [smem:$0x3FDB];
	_ =	sdelay $0x1  }
0x9f: {  	s19 =	simm.s32 $_scs_section_size  }
0xa0: {  	s5 =	simm.s32 $_size__tile_overlayer_lowered;
	s6 =	simm.s32 $_tile_overlayer_lowered  }
0xa1: {  	s22 =	simm.s32 $0x1BFF;
	s21 =	sshll.u32 s6, $0x1;
	s3 =	sadd.s32 s19, s18  }
0xa2: {  	s7 =	simm.s32 $0x0;
	s20 =	sshll.u32 s5, $0x1;
	s5 =	sadd.s32 s21, s3  }
0xa3: {  	[timem:s7], [sflag:s22] =	dma.local [hbm:s5], s20  }
0xa4: {  	_ =	swait.ge [sflag:s22], s20  }
0xa5: {  	s4 =	ssub.s32 $0x0, s20;
	[sflag:s22] =	ssyncset.done $0x0  }
0xa6: {  	[sflag:s22] =	ssyncadd.s32 s4;
	_ =	sdelay $0x1  }
0xa7: {  	s23 =	simm.s32 $0x1B8B  }
0xa8: {  	_ =	swait.ge [sflag:s23], $0x1  }
0xa9: {  	[sflag:s23] =	ssyncset.done $0x0  }
0xaa: {  	s25 =	simm.s32 $0x1B8E;
	s24 =	sld [smem:$0x3FFE];
	[sflag:s23] =	ssyncadd.s32 $0xFFFFFFFF  }
0xab: {  	s26 =	simm.s32 $execute0_lowered;
	[smem:$0x3FD2] =	sst s25  }
0xac: {  	s5 =	sshll.u32 s26, $0x1;
	_ =	strace $0x80000049;
	[dreg:$0x1] =	wrdreg $0xFFFFFFFF  }
0xad: {  	s28 =	simm.s32 $_size_execute0_lowered;
	s3 =	sadd.s32 s3, s5;
	[dreg:$0x0] =	wrdreg $0x0  }
0xae: {  	s5 =	sshll.u32 s28, $0x1;
	[dreg:$0x2] =	wrdreg s3  }
0xaf: {  	[dreg:$0x3] =	wrdreg s5  }
0xb0: {  	[dreg:$0x4] =	wrdreg $0xC0  }
0xb1: {  	_ =	task [dreg:s7], $0x5FFFF  }
0xb2: {  	[dreg:$0x1] =	wrdreg $0xFFFFFFFF  }
0xb3: {  	[dreg:$0x0] =	wrdreg $0x60  }
0xb4: {  	[dreg:$0x2] =	wrdreg s24  }
0xb5: {  	[dreg:$0x3] =	wrdreg s16  }
0xb6: {  	[dreg:$0x4] =	wrdreg $0x66800  }
0xb7: {  	[dreg:$0x5] =	wrdreg $0x9  }
0xb8: {  	_ =	task.clear_ibuf [dreg:s7], $0x6FFFF;
	_ =	strace $0x90000049  }
0xb9: {  	s29 =	simm.s32 $0x9;
	_ =	strace $0x8000004B  }
0xba: {  	_ =	swait.ge [sflag:s29], $0x1  }
0xbb: {  	[sflag:s29] =	ssyncadd.s32 $0xFFFFFFFF  }
0xbc: {  	_ =	strace $0x9000004B  }
0xbd: {  	_ =	sfence  }
0xbe: {  	s30 =	sld [smem:$0x0];
	_ =	sdelay $0x2  }
0xbf: {  	s31 =	sshll.u32 s1, $0xD;
	s1 =	sshrl.u32 s1, $0x2  }
0xc0: {  	s3 =	sand.u32 $0x4000, s31;
	s1 =	sadd.s32 s1, s30  }
0xc1: {  	s0 =	sor.u32 s3, s0;
	s1 =	sshll.u32 s1, $0x11  }
0xc2: {  	s0 =	sor.u32 s1, s0  }
0xc3: {  	s0 =	sadd.s32 $0x8F2B, s0  }
0xc4: {  	[sflag:s0] =	ssyncadd.remote.s32 $0x1  }
0xc5: {  	_ =	sfence.sel $0xFFFF  }
0xc6: {  	[dreg:$0x0] =	wrdreg $0xFFFFFFFF;
	(pc) =	sbr.abs _section_cstart, $3  }
0xc7: {  	[dreg:$0x1] =	wrdreg $0xFFFFFFFF  }
0xc8: {  	_ =	task.clear_ibuf [dreg:s7], $0x2FFFF;
	_ =	strace $0x9FFFFFFF  }
0xc9: {  	(tm) =	ssettm $0x7FFFFFFF  }
tec
execute0_lowered:
.L_overlay_start_1:
0x0: {  	(tag) =	ssettag $0x1  }
0x1: {  	s0 =	rddreg [dreg:$0x0]  }
0x2: {  	s2 =	rddreg [dreg:$0x1]  }
0x3: {  	s1 =	rddreg [dreg:$0x2]  }
0x4: {  	s3 =	simm.s32 $0x0;
	s15 =	stileid.u32;
	s7 =	srdreg.scid  }
0x5: {  	s28 =	simm.s32 $0x280;
	s31 =	simm.s32 $0x100;
	s30 =	simm.s32 $0x200  }
0x6: {  	s29 =	simm.s32 $0x1;
	[smem:$0x7FF] =	sst s3;
	s5 =	sadd.s32 $0x9EB000, s0  }
0x7: {  	s6 =	smul.u32 $0x2800, s15;
	s4 =	sadd.s32 $0x7600, s0;
	s8 =	sand.u32 $0x1, s7  }
0x8: {  	s24 =	smul.u32 $0x50000, s15;
	s10 =	sshll.u32 s15, $0x1;
	s26 =	sshll.u32 s15, $0x6  }
0x9: {  	_ =	strace $0x8000004A;
	s9 =	ssub.s32 $0x2, s8;
	s10 =	sor.u32 s8, s10  }
0xa: {  	s16 =	sor.u32 $0x1C0B, s26;
	s23 =	smul.u32 $0x28000, s8;
	s0 =	sadd.s32 s6, s0  }
0xb: {  	s11 =	sshrl.u32 s9, $0x1;
	s7 =	sshrl.u32 s24, $0x2;
	s25 =	smul.u32 $0x2710, s10  }
0xc: {  	s10 =	smul.u32 $0x27100, s10;
	[dreg:$0x6] =	wrdreg s16;
	s7 =	sadd.s32 s7, s1  }
0xd: {  	s9 =	ssub.s32 s9, s11;
	s0 =	sadd.s32 $0x26000, s0;
	[dreg:$0x4] =	wrdreg s7  }
0xe: {  	[dreg:$0x5] =	wrdreg s0;
	s7 =	sshrl.u32 s25, $0x3;
	s12 =	sadd.s32 $0x28, s25  }
0xf: {  	s10 =	sadd.s32 s5, s10;
	s17 =	sadd.s32 $0x50, s25;
	s19 =	sadd.s32 $0x78, s25  }
0x10: {  	s11 =	sadd.s32 $0xA0, s25;
	s25 =	smul.u32 $0x4E20, s15;
	s0 =	sadd.s32 s4, s7  }
0x11: {  	[dreg:$0x8] =	wrdreg s10;
	s13 =	sshrl.u32 s12, $0x3;
	s14 =	sshll.u32 s12, $0x4  }
0x12: {  	s18 =	sshrl.u32 s17, $0x3;
	s20 =	sshll.u32 s17, $0x4;
	s21 =	sshrl.u32 s19, $0x3  }
0x13: {  	s24 =	sshll.u32 s19, $0x4;
	[dreg:$0x7] =	wrdreg s0;
	s0 =	sadd.s32 s4, s13  }
0x14: {  	s12 =	simm.s32 $0x0;
	s22 =	sadd.s32 s4, s21;
	[dreg:$0x9] =	wrdreg s0  }
0x15: {  	s13 =	sshrl.u32 s11, $0x3;
	s26 =	sadd.s32 s5, s24;
	[dreg:$0xd] =	wrdreg s22  }
0x16: {  	s11 =	sshll.u32 s11, $0x4;
	s0 =	sadd.s32 s5, s14;
	[dreg:$0xe] =	wrdreg s26  }
0x17: {  	s14 =	smul.u32 $0x2710, s8;
	s10 =	sadd.s32 s4, s13;
	[dreg:$0xa] =	wrdreg s0  }
0x18: {  	s11 =	sadd.s32 s5, s11;
	s13 =	smul.u32 $0x4E200, s15;
	[dreg:$0xf] =	wrdreg s10  }
0x19: {  	s15 =	smax.u32 s9, $0x1;
	s8 =	smul.u32 $0x27100, s8;
	[dreg:$0x10] =	wrdreg s11  }
0x1a: {  	s9 =	simm.s32 $0x8;
	s0 =	sadd.s32 s4, s18;
	[dreg:$0x11] =	wrdreg s15  }
0x1b: {  	s10 =	simm.s32 $0x5;
	[dreg:$0xb] =	wrdreg s0;
	s0 =	sadd.s32 s5, s20  }
0x1c: {  	s11 =	simm.s32 $0xA;
	s14 =	sadd.s32 s14, s25;
	[dreg:$0xc] =	wrdreg s0  }
0x1d: {  	s0 =	sadd.s32 s2, s23;
	s17 =	sadd.s32 $0x168, s14;
	s2 =	sadd.s32 s13, s5  }
0x1e: {  	s20 =	sadd.s32 $0x140, s14;
	s23 =	sadd.s32 $0x118, s14;
	s24 =	sadd.s32 $0xF0, s14  }
0x1f: {  	s26 =	sadd.s32 $0xC8, s14;
	s5 =	simm.s32 $0x6;
	s18 =	sshrl.u32 s17, $0x3  }
0x20: {  	s19 =	sadd.s32 s8, s2;
	s22 =	sshrl.u32 s20, $0x3;
	s0 =	sadd.s32 s6, s0  }
0x21: {  	s25 =	sshrl.u32 s23, $0x3;
	[dreg:$0x17] =	wrdreg s26;
	s26 =	simm.s32 $0xB  }
.Ltmp0:
0x22: {  	s21 =	sadd.s32 s18, s4;
	[dreg:$0x13] =	wrdreg s0;
	(pc) =	sbr.rel .LBB2_1-.Ltmp0, $4  }
0x23: {  	s6 =	simm.s32 $0x28;
	s2 =	sadd.s32 s22, s4;
	[dreg:$0x12] =	wrdreg s21  }
0x24: {  	s0 =	sshrl.u32 s24, $0x3;
	[dreg:$0x14] =	wrdreg s2;
	s2 =	sadd.s32 s25, s4  }
0x25: {  	s8 =	simm.s32 $0x3;
	s0 =	sadd.s32 s0, s4;
	[dreg:$0x15] =	wrdreg s2  }
0x26: {  	[dreg:$0x16] =	wrdreg s0;
	s0 =	simm.s32 $0x2A80;
	s2 =	simm.s32 $0x5280  }
.LBB2_4:
0x27: {  	[bflag:$0x0] =	sbarrier.arrive $0xFFFF  }
0x28: {  	s16 =	rddreg [dreg:$0x6]  }
0x29: {  	s7 =	rddreg [dreg:$0x13]  }
0x2a: {  	s12 =	rddreg [dreg:$0x19]  }
0x2b: {  	[hbm:s7], [sflag:s16] =	dma.local [spmem:s12], $0x2800  }
0x2c: {  	_ =	swait.ge [sflag:s26], $0x2800  }
0x2d: {  	s24 =	rddreg [dreg:$0x18]  }
0x2e: {  	s25 =	rddreg [dreg:$0x11];
	s12 =	sadd.s32 $0x1, s24  }
0x2f: {  	p0 =	sne.s32 s12, s25  }
.Ltmp1:
0x30: {  	_ = 	snop;
	(pc) =	sbr.rel @!p0 .LBB2_5-.Ltmp1, $3  }
0x31: {  	_ =	sdelay $0x1  }
0x32: {  	[sflag:s26] =	ssyncset.done $0x0  }
0x33: {  	[sflag:s26] =	ssyncadd.s32 $0xFFFFD800  }
.LBB2_1:
0x34: {  	[dreg:$0x18] =	wrdreg s12  }
0x35: {  	s7 =	rddreg [dreg:$0x4]  }
0x36: {  	s24 =	rddreg [dreg:$0x5];
	s23 =	sshrl.u32 s7, $0x3  }
0x37: {  	[dreg:$0x19] =	wrdreg s23  }
0x38: {  	[spmem:s23], [sflag:s16] =	dma.local [hbm:s24], $0x2800  }
0x39: {  	_ =	swait.ge [sflag:s26], $0x2800  }
0x3a: {  	[sflag:s26] =	ssyncset.done $0x0  }
0x3b: {  	[sflag:s26] =	ssyncadd.s32 $0xFFFFD800  }
0x3c: {  	[bflag:$0x0] =	sbarrier.arrive $0xFFFF  }
0x3d: {  	s25 =	rddreg [dreg:$0x7]  }
0x3e: {  	s12 =	rddreg [dreg:$0x8]  }
0x3f: {  	s13 =	rddreg [dreg:$0x9]  }
0x40: {  	s15 =	rddreg [dreg:$0xa]  }
0x41: {  	[tilespmem:s3], [sflag:$0x1] =	stream.linear.gather [hbm4b:s25+s3], $0x28, $0x38;
	[tilespmem:$0x1A680] =	vst v63  }
0x42: {  	s17 =	rddreg [dreg:$0xb]  }
0x43: {  	[tilespmem:s28], [sflag:$0x6] =	stream.linear.gather [hbm4b:s12+s3], $0x1400, $0x38;
	[tilespmem:$0x1A680] =	vst v63  }
0x44: {  	s14 =	simm.s32 $0x80;
	s18 =	rddreg [dreg:$0xc]  }
0x45: {  	[tilespmem:s14], [sflag:$0x2] =	stream.linear.gather [hbm4b:s13+s3], $0x28, $0x38;
	[tilespmem:$0x1A680] =	vst v63  }
0x46: {  	s16 =	simm.s32 $0x1680;
	s20 =	rddreg [dreg:$0xd]  }
0x47: {  	[tilespmem:s16], [sflag:$0x7] =	stream.linear.gather [hbm4b:s15+s3], $0x1400, $0x38;
	[tilespmem:$0x1A680] =	vst v63  }
0x48: {  	s22 =	rddreg [dreg:$0xe]  }
0x49: {  	[tilespmem:s31], [sflag:$0x3] =	stream.linear.gather [hbm4b:s17+s3], $0x28, $0x38;
	[tilespmem:$0x1A680] =	vst v63  }
0x4a: {  	s24 =	rddreg [dreg:$0xf]  }
0x4b: {  	[tilespmem:s0], [sflag:$0x8] =	stream.linear.gather [hbm4b:s18+s3], $0x1400, $0x38;
	[tilespmem:$0x1A680] =	vst v63  }
0x4c: {  	s21 =	simm.s32 $0x180;
	s25 =	rddreg [dreg:$0x10]  }
0x4d: {  	[tilespmem:s21], [sflag:$0x4] =	stream.linear.gather [hbm4b:s20+s3], $0x28, $0x38;
	[tilespmem:$0x1A680] =	vst v63  }
0x4e: {  	s23 =	simm.s32 $0x3E80;
	s20 =	rddreg [dreg:$0x12]  }
0x4f: {  	[tilespmem:s23], [sflag:$0x9] =	stream.linear.gather [hbm4b:s22+s3], $0x1400, $0x38;
	[tilespmem:$0x1A680] =	vst v63  }
0x50: {  	s23 =	rddreg [dreg:$0x15]  }
0x51: {  	s22 =	rddreg [dreg:$0x14]  }
0x52: {  	[tilespmem:s30], [sflag:$0x5] =	stream.linear.gather [hbm4b:s24+s3], $0x28, $0x38;
	[tilespmem:$0x1A680] =	vst v63  }
0x53: {  	s24 =	rddreg [dreg:$0x16]  }
0x54: {  	[tilespmem:s2], [sflag:$0xA] =	stream.linear.gather [hbm4b:s25+s3], $0x1400, $0x38;
	[tilespmem:$0x1A680] =	vst v63  }
0x55: {  	s18 =	simm.s32 $0x0;
	s25 =	rddreg [dreg:$0x17]  }
.LBB2_2:
0x56: {  	_ =	swait.ge [sflag:s29], $0x28  }
0x57: {  	[sflag:s29] =	ssyncset.done $0x0  }
0x58: {  	[sflag:s29] =	ssyncadd.s32 $0xFFFFFFD8  }
0x59: {  	_ =	swait.ge [sflag:s5], $0x1400  }
0x5a: {  	[sflag:s5] =	ssyncset.done $0x0  }
0x5b: {  	[sflag:s5] =	ssyncadd.s32 $0xFFFFEC00  }
0x5c: {  	[spmem:s1] =	stream.indirect.scatter.add.f32 [tilespmem:s28], [sflag:$0xB], $0x80, s3, s6, $0xb8;
	[tilespmem:$0x1A680] =	vst v63  }
0x5d: {  	_ =	swait.ge [sflag:s26], $0x1400  }
0x5e: {  	p0 =	seq.s32 s18, $0x26480;
	[sflag:s26] =	ssyncset.done $0x0  }
0x5f: {  	s17 =	simm.s32 @p0 $0x2;
	[sflag:s26] =	ssyncadd.s32 $0xFFFFEC00  }
0x60: {  	_ =	swait.ge @p0 [sflag:s17], $0x28  }
0x61: {  	[sflag:s17] =	ssyncset.done @p0 $0x0  }
0x62: {  	[sflag:s17] =	ssyncadd.s32 @p0 $0xFFFFFFD8;
	s17 =	simm.s32 @p0 $0x7  }
0x63: {  	_ =	swait.ge @p0 [sflag:s17], $0x1400  }
0x64: {  	s16 =	simm.s32 @p0 $0x28;
	s21 =	simm.s32 @p0 $0x1680;
	[sflag:s17] =	ssyncset.done @p0 $0x0  }
0x65: {  	s15 =	simm.s32 @p0 $0xB;
	[sflag:s17] =	ssyncadd.s32 @p0 $0xFFFFEC00;
	s17 =	simm.s32 @p0 $0x80  }
0x66: {  	[spmem:s1] =	stream.indirect.scatter.add.f32 @p0 [tilespmem:s21], [sflag:$0xB], $0x80, s17, s16, $0xb8;
	[tilespmem:$0x1A680] =	vst v63  }
0x67: {  	_ =	swait.ge @p0 [sflag:s15], $0x1400  }
0x68: {  	s17 =	sshrl.u32 @!p0 s25, $0x3;
	[sflag:s15] =	ssyncset.done @p0 $0x0  }
0x69: {  	s21 =	simm.s32 @!p0 $0x0;
	s17 =	sadd.s32 @!p0 s4, s17;
	[sflag:s15] =	ssyncadd.s32 @p0 $0xFFFFEC00  }
0x6a: {  	[tilespmem:s21], [sflag:$0x1] =	stream.linear.gather @!p0 [hbm4b:s17+s21], $0x28, $0x38;
	[tilespmem:$0x1A680] =	vst v63  }
0x6b: {  	s17 =	sadd.s32 @!p0 s18, s19  }
0x6c: {  	s7 =	simm.s32 @!p0 $0x280;
	s14 =	sadd.s32 @!p0 $0xC80, s17  }
0x6d: {  	[tilespmem:s7], [sflag:$0x6] =	stream.linear.gather @!p0 [hbm4b:s14+s21], $0x1400, $0x38;
	[tilespmem:$0x1A680] =	vst v63  }
0x6e: {  	s7 =	simm.s32 @!p0 $0x2  }
0x6f: {  	_ =	swait.ge @!p0 [sflag:s7], $0x28  }
0x70: {  	[sflag:s7] =	ssyncset.done @!p0 $0x0  }
0x71: {  	[sflag:s7] =	ssyncadd.s32 @!p0 $0xFFFFFFD8;
	s7 =	simm.s32 @!p0 $0x7  }
0x72: {  	_ =	swait.ge @!p0 [sflag:s7], $0x1400  }
0x73: {  	s13 =	simm.s32 @!p0 $0x1680;
	s12 =	simm.s32 @!p0 $0xB;
	[sflag:s7] =	ssyncset.done @!p0 $0x0  }
0x74: {  	s14 =	simm.s32 @!p0 $0x80;
	[sflag:s7] =	ssyncadd.s32 @!p0 $0xFFFFEC00;
	s7 =	simm.s32 @!p0 $0x28  }
0x75: {  	[spmem:s1] =	stream.indirect.scatter.add.f32 @!p0 [tilespmem:s13], [sflag:$0xB], $0x80, s14, s7, $0xb8;
	[tilespmem:$0x1A680] =	vst v63  }
0x76: {  	_ =	swait.ge @!p0 [sflag:s12], $0x1400  }
0x77: {  	[sflag:s12] =	ssyncset.done @!p0 $0x0  }
0x78: {  	[sflag:s12] =	ssyncadd.s32 @!p0 $0xFFFFEC00  }
0x79: {  	[tilespmem:s14], [sflag:$0x2] =	stream.linear.gather @!p0 [hbm4b:s24+s21], $0x28, $0x38;
	[tilespmem:$0x1A680] =	vst v63  }
0x7a: {  	s14 =	sadd.s32 @!p0 $0xF00, s17  }
0x7b: {  	[tilespmem:s13], [sflag:$0x7] =	stream.linear.gather @!p0 [hbm4b:s14+s21], $0x1400, $0x38;
	[tilespmem:$0x1A680] =	vst v63  }
0x7c: {  	_ =	swait.ge [sflag:s8], $0x28  }
0x7d: {  	[sflag:s8] =	ssyncset.done $0x0  }
0x7e: {  	[sflag:s8] =	ssyncadd.s32 $0xFFFFFFD8  }
0x7f: {  	_ =	swait.ge [sflag:s9], $0x1400  }
0x80: {  	[sflag:s9] =	ssyncset.done $0x0  }
0x81: {  	[sflag:s9] =	ssyncadd.s32 $0xFFFFEC00  }
0x82: {  	[spmem:s1] =	stream.indirect.scatter.add.f32 [tilespmem:s0], [sflag:$0xB], $0x80, s31, s6, $0xb8;
	[tilespmem:$0x1A680] =	vst v63  }
0x83: {  	_ =	swait.ge [sflag:s26], $0x1400  }
0x84: {  	[sflag:s26] =	ssyncset.done $0x0  }
0x85: {  	s13 =	simm.s32 @p0 $0x4;
	[sflag:s26] =	ssyncadd.s32 $0xFFFFEC00  }
0x86: {  	_ =	swait.ge @p0 [sflag:s13], $0x28  }
0x87: {  	[sflag:s13] =	ssyncset.done @p0 $0x0  }
0x88: {  	[sflag:s13] =	ssyncadd.s32 @p0 $0xFFFFFFD8;
	s13 =	simm.s32 @p0 $0x9  }
0x89: {  	_ =	swait.ge @p0 [sflag:s13], $0x1400  }
0x8a: {  	[sflag:s13] =	ssyncset.done @p0 $0x0  }
0x8b: {  	s14 =	simm.s32 @p0 $0x3E80;
	[sflag:s13] =	ssyncadd.s32 @p0 $0xFFFFEC00;
	s13 =	simm.s32 @p0 $0x180  }
0x8c: {  	[spmem:s1] =	stream.indirect.scatter.add.f32 @p0 [tilespmem:s14], [sflag:$0xB], $0x80, s13, s16, $0xb8;
	[tilespmem:$0x1A680] =	vst v63  }
0x8d: {  	_ =	swait.ge @p0 [sflag:s15], $0x1400  }
0x8e: {  	[sflag:s15] =	ssyncset.done @p0 $0x0  }
0x8f: {  	s13 =	simm.s32 @!p0 $0x100;
	[sflag:s15] =	ssyncadd.s32 @p0 $0xFFFFEC00  }
0x90: {  	[tilespmem:s13], [sflag:$0x3] =	stream.linear.gather @!p0 [hbm4b:s23+s21], $0x28, $0x38;
	[tilespmem:$0x1A680] =	vst v63  }
0x91: {  	s14 =	simm.s32 @!p0 $0x2A80;
	s13 =	sadd.s32 @!p0 $0x1180, s17  }
0x92: {  	[tilespmem:s14], [sflag:$0x8] =	stream.linear.gather @!p0 [hbm4b:s13+s21], $0x1400, $0x38;
	[tilespmem:$0x1A680] =	vst v63  }
0x93: {  	s13 =	simm.s32 @!p0 $0x4  }
0x94: {  	_ =	swait.ge @!p0 [sflag:s13], $0x28  }
0x95: {  	[sflag:s13] =	ssyncset.done @!p0 $0x0  }
0x96: {  	[sflag:s13] =	ssyncadd.s32 @!p0 $0xFFFFFFD8;
	s13 =	simm.s32 @!p0 $0x9  }
0x97: {  	_ =	swait.ge @!p0 [sflag:s13], $0x1400  }
0x98: {  	[sflag:s13] =	ssyncset.done @!p0 $0x0  }
0x99: {  	s14 =	simm.s32 @!p0 $0x3E80;
	[sflag:s13] =	ssyncadd.s32 @!p0 $0xFFFFEC00;
	s13 =	simm.s32 @!p0 $0x180  }
0x9a: {  	[spmem:s1] =	stream.indirect.scatter.add.f32 @!p0 [tilespmem:s14], [sflag:$0xB], $0x80, s13, s7, $0xb8;
	[tilespmem:$0x1A680] =	vst v63  }
0x9b: {  	_ =	swait.ge @!p0 [sflag:s12], $0x1400  }
0x9c: {  	[sflag:s12] =	ssyncset.done @!p0 $0x0  }
0x9d: {  	[sflag:s12] =	ssyncadd.s32 @!p0 $0xFFFFEC00  }
0x9e: {  	[tilespmem:s13], [sflag:$0x4] =	stream.linear.gather @!p0 [hbm4b:s22+s21], $0x28, $0x38;
	[tilespmem:$0x1A680] =	vst v63  }
0x9f: {  	s7 =	sadd.s32 @!p0 $0x1400, s17  }
0xa0: {  	[tilespmem:s14], [sflag:$0x9] =	stream.linear.gather @!p0 [hbm4b:s7+s21], $0x1400, $0x38;
	[tilespmem:$0x1A680] =	vst v63  }
0xa1: {  	_ =	swait.ge [sflag:s10], $0x28  }
0xa2: {  	[sflag:s10] =	ssyncset.done $0x0  }
0xa3: {  	[sflag:s10] =	ssyncadd.s32 $0xFFFFFFD8  }
0xa4: {  	_ =	swait.ge [sflag:s11], $0x1400  }
0xa5: {  	[sflag:s11] =	ssyncset.done $0x0  }
.Ltmp2:
0xa6: {  	[sflag:s11] =	ssyncadd.s32 $0xFFFFEC00;
	(pc) =	sbr.rel @p0 .LBB2_4-.Ltmp2, $4  }
0xa7: {  	[spmem:s1] =	stream.indirect.scatter.add.f32 [tilespmem:s2], [sflag:$0xB], $0x80, s30, s6, $0xb8;
	[tilespmem:$0x1A680] =	vst v63  }
0xa8: {  	_ =	swait.ge [sflag:s26], $0x1400  }
0xa9: {  	[sflag:s26] =	ssyncset.done $0x0  }
0xaa: {  	[sflag:s26] =	ssyncadd.s32 $0xFFFFEC00  }
0xab: {  	[tilespmem:s30], [sflag:$0x5] =	stream.linear.gather [hbm4b:s20+s3], $0x28, $0x38;
	[tilespmem:$0x1A680] =	vst v63  }
.Ltmp3:
0xac: {  	_ = 	snop;
	(pc) =	sbr.rel .LBB2_2-.Ltmp3, $4  }
0xad: {  	s7 =	sadd.s32 s18, s19;
	s18 =	sadd.s32 $0xC80, s18  }
0xae: {  	s20 =	sadd.s32 $0x19, s20;
	s22 =	sadd.s32 $0x19, s22;
	s23 =	sadd.s32 $0x19, s23  }
0xaf: {  	s24 =	sadd.s32 $0x19, s24;
	s25 =	sadd.s32 $0xC8, s25;
	s7 =	sadd.s32 $0x1680, s7  }
0xb0: {  	[tilespmem:s2], [sflag:$0xA] =	stream.linear.gather [hbm4b:s7+s3], $0x1400, $0x38;
	[tilespmem:$0x1A680] =	vst v63  }
.LBB2_5:
0xb1: {  	_ =	sfence.sel $0x180000  }
0xb2: {  	[bflag:$0x0] =	sbarrier.arrive $0xFFFF  }
0xb3: {  	_ =	strace $0x9000004A  }
0xb4: {  	s0 =	stileid.u32;
	[bflag:$0x2] =	sbarrier.arrive $0xFFFF  }
0xb5: {  	p0 =	sne.s32 s0, $0x0;
	s0 =	rddreg [dreg:$0x3]  }
0xb6: {  	s0 =	sadd.s32 @!p0 $0x100000, s0  }
0xb7: {  	[sflag:s0] =	ssyncadd.tile.s32 @!p0 $0x1;
	_ =	shalt  }
.Lfunc_end2:
_tile_overlayer_lowered:
.L_overlay_start_2:
0xb8: {  	(tag) =	ssettag $0x2  }
0xb9: {  	s0 =	rddreg [dreg:$0x0];
	s2 =	stileid.u32  }
0xba: {  	s1 =	rddreg [dreg:$0x1];
	p0 =	sne.s32 s2, $0x0  }
0xbb: {  	s3 =	rddreg [dreg:$0x2];
	[bflag:$0x3] =	sbarrier.arrive $0xFFFF;
	s2 =	simm.s32 @!p0 $0x1C0B  }
0xbc: {  	[timem:s3], [sflag:s2] =	dma.local @!p0 [hbm:s0], s1  }
0xbd: {  	s0 =	simm.s32 @!p0 $0xB  }
0xbe: {  	_ =	swait.ge @!p0 [sflag:s0], s1  }
0xbf: {  	s1 =	ssub.s32 @!p0 $0x0, s1;
	[sflag:s0] =	ssyncset.done @!p0 $0x0  }
0xc0: {  	[sflag:s0] =	ssyncadd.s32 @!p0 s1  }
0xc1: {  	[bflag:$0x3] =	sbarrier.arrive $0xFFFF  }
0xc2: {  	_ =	shalt  }

// kernel: kernel.18.cloned.1.call-start
scs
__scs_entry_jumppad:
0x0: {  	(pc) =	sbr.rel $0x88, $3  }
0x1: {  	(tag) =	ssettag $0x0;
	lr =	simm.s32 $0x1  }
0x2: {  	[smem:$0x3F92] =	sst lr;
	_ =	strace $0xD0000000  }
0x3: {  	_ = 	snop  }
0x4: {  	_ = 	snop  }
0x5: {  	_ = 	snop  }
0x6: {  	_ = 	snop  }
0x7: {  	_ = 	snop  }
__scs_overlays_trampoline_lowered:
0x8: {  	[smem:$0x3FA1] =	sst s0  }
0x9: {  	[smem:$0x3FA2] =	sst s1  }
0xa: {  	[smem:$0x3FA3] =	sst s2  }
0xb: {  	[smem:$0x3FA4] =	sst s3  }
0xc: {  	[smem:$0x3FA5] =	sst s4  }
0xd: {  	[smem:$0x3FA6] =	sst s5  }
0xe: {  	[smem:$0x3FA7] =	sst s6  }
0xf: {  	[smem:$0x3FA8] =	sst s7  }
0x10: {  	[smem:$0x3FA9] =	sst s8  }
0x11: {  	[smem:$0x3FAA] =	sst s9;
	s0 =	simm.s32 @!p0 $0x0  }
0x12: {  	s1 =	sld [smem:$0x3F90];
	s0 =	simm.s32 @p0 $0x1  }
0x13: {  	[smem:$0x3FAB] =	sst s0;
	s0 =	simm.s32 @!p1 $0x0  }
0x14: {  	s2 =	sld [smem:$0x3F8F];
	s0 =	simm.s32 @p1 $0x1  }
0x15: {  	[smem:$0x3FAC] =	sst s0;
	s0 =	simm.s32 @!p2 $0x0  }
0x16: {  	s3 =	sld [smem:$0x3FDB];
	s0 =	simm.s32 @p2 $0x1  }
0x17: {  	s4 =	simm.s32 $0x1BF5;
	[smem:$0x3FAE] =	sst s0  }
0x18: {  	s0 =	sld [smem:$0x3F91];
	_ =	swait.ge [sflag:s4], $0x0  }
0x19: {  	s7 =	sld [smem:$0x3F92]  }
0x1a: {  	s8 =	sadd.s32 $0xFFFFE003, lr  }
0x1b: {  	s9 =	sadd.s32 $0xFFFFFEF7, lr;
	s5 =	simm.s32 $0xFFFFFFFF;
	p2 =	slt.u32 s8, $0xFFFFF086  }
0x1c: {  	p1 =	slt.u32 s9, $0xF7A;
	s5 =	simm.s32 @!p2 $0x0  }
0x1d: {  	s5 =	simm.s32 @p1 $0x1;
	p0 =	seq.s32 s7, s2  }
0x1e: {  	s7 =	smul.u32 @!p0 $0xF7A, s2;
	p2 =	seq.s32 @!p0 s5, $0x0  }
0x1f: {  	s9 =	smul.u32 $0xF7A, s1;
	s8 =	simm.s32 @!p0 $0x1BF5;
	p2 =	por !p2, p0  }
0x20: {  	[sflag:s8] =	ssyncset.s32 @!p0 $0xFFFFF086;
	s6 =	sadd.s32 @!p0 s3, s7;
	s7 =	simm.s32 @!p0 $0x108  }
0x21: {  	s3 =	sadd.s32 s3, s9;
	s6 =	sadd.s32 @!p0 $0x88, s6;
	s7 =	simm.s32 @p2 $0x1082  }
0x22: {  	[simem:s7], [sflag:s8] =	dma.local @!p0 [hbm:s6], $0xF7A  }
0x23: {  	s9 =	sor.u32 $0xD0000000, s2;
	s6 =	simm.s32 $0x108;
	_ =	swait.ge @!p0 [sflag:s8], $0x0  }
0x24: {  	s3 =	sadd.s32 $0x88, s3;
	s6 =	simm.s32 @!p1 $0x1082;
	[sflag:s4] =	ssyncset.s32 $0xFFFFF086  }
0x25: {  	[simem:s6], [sflag:s4] =	dma.local [hbm:s3], $0xF7A  }
0x26: {  	[smem:$0x3F92] =	sst s1;
	(tag) =	ssettag s2;
	_ =	strace s9  }
0x27: {  	s1 =	sld [smem:$0x3FA2]  }
0x28: {  	s2 =	sld [smem:$0x3FA3]  }
0x29: {  	s4 =	sld [smem:$0x3FA5]  }
0x2a: {  	p0 =	seq.s32 s5, $0x0;
	s5 =	sld [smem:$0x3FA6]  }
0x2b: {  	s6 =	sld [smem:$0x3FA7]  }
0x2c: {  	s7 =	sld [smem:$0x3FA8]  }
0x2d: {  	s3 =	simm.s32 $0x108;
	s8 =	sld [smem:$0x3FA9]  }
0x2e: {  	s3 =	simm.s32 @!p0 $0x1082;
	s9 =	sld [smem:$0x3FAA]  }
0x2f: {  	lr =	sadd.s32 s0, s3;
	s0 =	sld [smem:$0x3FA1]  }
0x30: {  	s3 =	sld [smem:$0x3FA4]  }
0x31: {  	[smem:$0x3FAD] =	sst s10  }
0x32: {  	s10 =	sld [smem:$0x3FAB];
	_ =	sdelay $0x3  }
0x33: {  	p0 =	seq.s32 s10, $0x1;
	s10 =	sld [smem:$0x3FAD];
	_ =	sdelay $0x3  }
0x34: {  	[smem:$0x3FAD] =	sst s10  }
0x35: {  	s10 =	sld [smem:$0x3FAC];
	_ =	sdelay $0x3  }
0x36: {  	p1 =	seq.s32 s10, $0x1;
	s10 =	sld [smem:$0x3FAD];
	_ =	sdelay $0x3  }
0x37: {  	[smem:$0x3FAD] =	sst s10  }
0x38: {  	s10 =	sld [smem:$0x3FAE]  }
0x39: {  	_ = 	snop;
	(pc) =	sbr.ind lr, $3  }
0x3a: {  	_ = 	snop  }
0x3b: {  	_ = 	snop  }
0x3c: {  	p2 =	seq.s32 s10, $0x1;
	s10 =	sld [smem:$0x3FAD]  }
0x3d: {  	_ =	shalt  }
0x3e: {  	_ =	shalt  }
0x3f: {  	_ =	shalt  }
0x40: {  	_ =	shalt  }
0x41: {  	_ =	shalt  }
0x42: {  	_ =	shalt  }
0x43: {  	_ =	shalt  }
0x44: {  	_ =	shalt  }
0x45: {  	_ =	shalt  }
0x46: {  	_ =	shalt  }
0x47: {  	_ =	shalt  }
0x48: {  	_ =	shalt  }
0x49: {  	_ =	shalt  }
0x4a: {  	_ =	shalt  }
0x4b: {  	_ =	shalt  }
0x4c: {  	_ =	shalt  }
0x4d: {  	_ =	shalt  }
0x4e: {  	_ =	shalt  }
0x4f: {  	_ =	shalt  }
0x50: {  	_ =	shalt  }
0x51: {  	_ =	shalt  }
0x52: {  	_ =	shalt  }
0x53: {  	_ =	shalt  }
0x54: {  	_ =	shalt  }
0x55: {  	_ =	shalt  }
0x56: {  	_ =	shalt  }
0x57: {  	_ =	shalt  }
0x58: {  	_ =	shalt  }
0x59: {  	_ =	shalt  }
0x5a: {  	_ =	shalt  }
0x5b: {  	_ =	shalt  }
0x5c: {  	_ =	shalt  }
0x5d: {  	_ =	shalt  }
0x5e: {  	_ =	shalt  }
0x5f: {  	_ =	shalt  }
0x60: {  	_ =	shalt  }
0x61: {  	_ =	shalt  }
0x62: {  	_ =	shalt  }
0x63: {  	_ =	shalt  }
0x64: {  	_ =	shalt  }
0x65: {  	_ =	shalt  }
0x66: {  	_ =	shalt  }
0x67: {  	_ =	shalt  }
0x68: {  	_ =	shalt  }
0x69: {  	_ =	shalt  }
0x6a: {  	_ =	shalt  }
0x6b: {  	_ =	shalt  }
0x6c: {  	_ =	shalt  }
0x6d: {  	_ =	shalt  }
0x6e: {  	_ =	shalt  }
0x6f: {  	_ =	shalt  }
0x70: {  	_ =	shalt  }
0x71: {  	_ =	shalt  }
0x72: {  	_ =	shalt  }
0x73: {  	_ =	shalt  }
0x74: {  	_ =	shalt  }
0x75: {  	_ =	shalt  }
0x76: {  	_ =	shalt  }
0x77: {  	_ =	shalt  }
0x78: {  	_ =	shalt  }
0x79: {  	_ =	shalt  }
0x7a: {  	_ =	shalt  }
0x7b: {  	_ =	shalt  }
0x7c: {  	_ =	shalt  }
0x7d: {  	_ =	shalt  }
0x7e: {  	_ =	shalt  }
0x7f: {  	_ =	shalt  }
0x80: {  	_ =	shalt  }
0x81: {  	_ =	shalt  }
0x82: {  	_ =	shalt  }
0x83: {  	_ =	shalt  }
0x84: {  	_ =	shalt  }
0x85: {  	_ =	shalt  }
0x86: {  	_ =	shalt  }
0x87: {  	_ =	shalt  }
.Lfunc_end0:
.L_simem_size_0:
called_computation.2_lowered:
.L_overlay_start_0:
0x88: {  	s2 =	sld [smem:$0x3FD9]  }
0x89: {  	s3 =	sld [smem:$0x3FFE];
	_ =	sdelay $0x1  }
0x8a: {  	s1 =	srdreg.scid  }
0x8b: {  	s0 =	sand.u32 $0x1, s1  }
0x8c: {  	s14 =	sshll.u32 s0, $0xA;
	s2 =	sadd.s32 s3, s2  }
0x8d: {  	s2 =	sadd.s32 s2, s14  }
0x8e: {  	[smem:$0x3FB9] =	sst s2  }
0x8f: {  	_ = 	snop  }
0x90: {  	s2 =	sld [smem:$0x3FD0];
	_ =	sdelay $0x2  }
0x91: {  	s15 =	simm.s32 $0xA;
	s4 =	simm.s32 $0x10  }
0x92: {  	[smem:s4], [sflag:s15] =	dma.local [hbm:s2], $0x1  }
0x93: {  	_ =	swait.eq [sflag:s15], $0x1  }
0x94: {  	[sflag:s15] =	ssyncset.done $0x0  }
0x95: {  	[sflag:s15] =	ssyncadd.s32 $0xFFFFFFFF  }
0x96: {  	s16 =	sld [smem:$0x11];
	(tm) =	ssettm $0x1  }
0x97: {  	s17 =	sld [smem:$0x3FFB];
	_ =	sdelay $0x3  }
0x98: {  	_ =	strace s17  }
0x99: {  	s3 =	sld [smem:$0x3FFC];
	_ =	sdelay $0x3  }
0x9a: {  	_ =	strace s3  }
0x9b: {  	s3 =	sld [smem:$0x3FFD];
	_ =	sdelay $0x3  }
0x9c: {  	_ =	strace s3  }
0x9d: {  	_ =	strace $0x8FFFFFFF  }
0x9e: {  	s18 =	sld [smem:$0x3FDB];
	_ =	sdelay $0x1  }
0x9f: {  	s19 =	simm.s32 $_scs_section_size  }
0xa0: {  	s5 =	simm.s32 $_size__tile_overlayer_lowered;
	s6 =	simm.s32 $_tile_overlayer_lowered  }
0xa1: {  	s22 =	simm.s32 $0x1BFF;
	s21 =	sshll.u32 s6, $0x1;
	s3 =	sadd.s32 s19, s18  }
0xa2: {  	s7 =	simm.s32 $0x0;
	s20 =	sshll.u32 s5, $0x1;
	s5 =	sadd.s32 s21, s3  }
0xa3: {  	[timem:s7], [sflag:s22] =	dma.local [hbm:s5], s20  }
0xa4: {  	_ =	swait.ge [sflag:s22], s20  }
0xa5: {  	s4 =	ssub.s32 $0x0, s20;
	[sflag:s22] =	ssyncset.done $0x0  }
0xa6: {  	[sflag:s22] =	ssyncadd.s32 s4;
	_ =	sdelay $0x1  }
0xa7: {  	s23 =	simm.s32 $0x1B8B  }
0xa8: {  	_ =	swait.ge [sflag:s23], $0x1  }
0xa9: {  	[sflag:s23] =	ssyncset.done $0x0  }
0xaa: {  	s25 =	simm.s32 $0x1B8E;
	s24 =	sld [smem:$0x3FFE];
	[sflag:s23] =	ssyncadd.s32 $0xFFFFFFFF  }
0xab: {  	s26 =	simm.s32 $execute0_lowered;
	[smem:$0x3FD2] =	sst s25  }
0xac: {  	s5 =	sshll.u32 s26, $0x1;
	_ =	strace $0x8000004C;
	[dreg:$0x1] =	wrdreg $0xFFFFFFFF  }
0xad: {  	s28 =	simm.s32 $_size_execute0_lowered;
	s3 =	sadd.s32 s3, s5;
	[dreg:$0x0] =	wrdreg $0x0  }
0xae: {  	s5 =	sshll.u32 s28, $0x1;
	[dreg:$0x2] =	wrdreg s3  }
0xaf: {  	[dreg:$0x3] =	wrdreg s5  }
0xb0: {  	[dreg:$0x4] =	wrdreg $0xC0  }
0xb1: {  	_ =	task [dreg:s7], $0x5FFFF  }
0xb2: {  	[dreg:$0x1] =	wrdreg $0xFFFFFFFF  }
0xb3: {  	[dreg:$0x0] =	wrdreg $0x60  }
0xb4: {  	[dreg:$0x2] =	wrdreg s16  }
0xb5: {  	[dreg:$0x3] =	wrdreg s24  }
0xb6: {  	[dreg:$0x4] =	wrdreg $0x81000  }
0xb7: {  	[dreg:$0x5] =	wrdreg $0x9  }
0xb8: {  	_ =	task.clear_ibuf [dreg:s7], $0x6FFFF;
	_ =	strace $0x9000004C  }
0xb9: {  	s29 =	simm.s32 $0x9;
	_ =	strace $0x8000004E  }
0xba: {  	_ =	swait.ge [sflag:s29], $0x1  }
0xbb: {  	[sflag:s29] =	ssyncadd.s32 $0xFFFFFFFF  }
0xbc: {  	_ =	strace $0x9000004E  }
0xbd: {  	_ =	sfence  }
0xbe: {  	s30 =	sld [smem:$0x0];
	_ =	sdelay $0x2  }
0xbf: {  	s31 =	sshll.u32 s1, $0xD;
	s1 =	sshrl.u32 s1, $0x2  }
0xc0: {  	s3 =	sand.u32 $0x4000, s31;
	s1 =	sadd.s32 s1, s30  }
0xc1: {  	s0 =	sor.u32 s3, s0;
	s1 =	sshll.u32 s1, $0x11  }
0xc2: {  	s0 =	sor.u32 s1, s0  }
0xc3: {  	s0 =	sadd.s32 $0x8F2B, s0  }
0xc4: {  	[sflag:s0] =	ssyncadd.remote.s32 $0x1  }
0xc5: {  	_ =	sfence.sel $0xFFFF  }
0xc6: {  	[dreg:$0x0] =	wrdreg $0xFFFFFFFF;
	(pc) =	sbr.abs _section_cstart, $3  }
0xc7: {  	[dreg:$0x1] =	wrdreg $0xFFFFFFFF  }
0xc8: {  	_ =	task.clear_ibuf [dreg:s7], $0x2FFFF;
	_ =	strace $0x9FFFFFFF  }
0xc9: {  	(tm) =	ssettm $0x7FFFFFFF  }
tec
execute0_lowered:
.L_overlay_start_1:
0x0: {  	(tag) =	ssettag $0x1  }
0x1: {  	s4 =	rddreg [dreg:$0x0];
	s3 =	srdreg.scid  }
0x2: {  	s5 =	rddreg [dreg:$0x1];
	s6 =	sand.u32 $0x1, s3  }
0x3: {  	s3 =	stileid.u32;
	s7 =	smul.u32 $0x4E2000, s6  }
0x4: {  	s1 =	rddreg [dreg:$0x2];
	s9 =	smul.u32 $0x50000, s3  }
0x5: {  	s8 =	sshll.u32 s6, $0x4;
	s29 =	ssub.s32 $0x2, s6;
	s6 =	smul.u32 $0x28000, s6  }
0x6: {  	s0 =	rddreg [dreg:$0x3];
	s2 =	simm.s32 $0x0;
	s30 =	smul.u32 $0x2800, s3  }
0x7: {  	s14 =	simm.s32 $0x100;
	s17 =	simm.s32 $0x2;
	s11 =	smul.u32 $0x13C0, s3  }
0x8: {  	s18 =	simm.s32 $0x4100;
	[smem:$0x7FF] =	sst s2;
	s15 =	smul.u32 $0x4F000, s3  }
0x9: {  	_ =	strace $0x8000004D;
	s31 =	sshll.u32 s3, $0x6;
	s12 =	smul.u32 $0x9E, s3  }
0xa: {  	p0 =	seq.s32 s3, $0xF;
	s8 =	sadd.s32 s8, s5;
	s10 =	sshrl.u32 s29, $0x1  }
0xb: {  	s7 =	sadd.s32 s7, s5;
	s9 =	sshrl.u32 s9, $0x2;
	s10 =	ssub.s32 s29, s10  }
0xc: {  	s4 =	sadd.s32 s4, s6;
	s5 =	sor.u32 $0x1C05, s31;
	s21 =	sadd.s32 $0x12400, s8  }
0xd: {  	s13 =	sor.u32 $0x20, s11;
	s20 =	sor.u32 $0x800, s15;
	s22 =	sadd.s32 $0xA0, s11  }
0xe: {  	s9 =	sadd.s32 s9, s1;
	s4 =	sadd.s32 s30, s4;
	s19 =	sadd.s32 $0xECD000, s7  }
.Ltmp0:
0xf: {  	s6 =	smax.u32 s10, $0x1;
	s7 =	sadd.s32 $0x2, s12;
	(pc) =	sbr.rel .LBB2_1-.Ltmp0, $4  }
0x10: {  	s10 =	sadd.s32 s11, s21;
	s11 =	sadd.s32 s21, s13;
	s12 =	simm.s32 $0x80  }
0x11: {  	s13 =	simm.s32 $0x1;
	s21 =	sadd.s32 s21, s22;
	s22 =	simm.s32 $0x0  }
0x12: {  	s8 =	sshrl.u32 s9, $0x3;
	s9 =	simm.s32 $0x5;
	s15 =	sadd.s32 s15, s19  }
0x13: {  	s16 =	sadd.s32 $0x40, s10;
	s19 =	sadd.s32 s19, s20;
	s20 =	sadd.s32 $0x60, s10  }
.LBB2_4:
0x14: {  	s23 =	simm.s32 @!p0 $0x3;
	s22 =	sadd.s32 $0x1, s22  }
0x15: {  	_ =	swait.ge @!p0 [sflag:s23], $0x4000;
	p1 =	sne.s32 s22, s6  }
.Ltmp1:
0x16: {  	[sflag:s23] =	ssyncset.done @!p0 $0x0;
	(pc) =	sbr.rel @!p1 .LBB2_5-.Ltmp1, $4  }
0x17: {  	[sflag:s23] =	ssyncadd.s32 @!p0 $0xFFFFC000;
	s23 =	simm.s32 @!p0 $0x4  }
0x18: {  	_ =	swait.ge @!p0 [sflag:s23], $0x4000  }
0x19: {  	[sflag:s23] =	ssyncset.done @!p0 $0x0  }
0x1a: {  	[sflag:s23] =	ssyncadd.s32 @!p0 $0xFFFFC000  }
.LBB2_1:
0x1b: {  	[spmem:s8], [sflag:s5] =	dma.local [hbm:s4], $0x2800  }
0x1c: {  	_ =	swait.ge [sflag:s9], $0x2800  }
0x1d: {  	[sflag:s9] =	ssyncset.done $0x0  }
0x1e: {  	[sflag:s9] =	ssyncadd.s32 $0xFFFFD800  }
0x1f: {  	[bflag:$0x0] =	sbarrier.arrive $0xFFFF  }
0x20: {  	[tilespmem:s2], [sflag:$0x1] =	stream.linear.gather [hbm4b:s10+s2], $0x80, $0x38;
	[tilespmem:$0x1C100] =	vst v63  }
0x21: {  	_ = 	snop  }
0x22: {  	[tilespmem:s12], [sflag:$0x2] =	stream.linear.gather [hbm4b:s11+s2], $0x80, $0x38;
	[tilespmem:$0x1C100] =	vst v63  }
0x23: {  	_ =	swait.ge [sflag:s13], $0x80  }
0x24: {  	[sflag:s13] =	ssyncset.done $0x0  }
0x25: {  	[sflag:s13] =	ssyncadd.s32 $0xFFFFFF80  }
0x26: {  	[tilespmem:s14], [sflag:$0x5] =	stream.indirect.gather [spmem:s1], $0x80, s2, s12, $0xb8;
	[tilespmem:$0x1C100] =	vst v63  }
0x27: {  	_ =	swait.ge [sflag:s9], $0x4000  }
0x28: {  	[sflag:s9] =	ssyncset.done $0x0  }
0x29: {  	[sflag:s9] =	ssyncadd.s32 $0xFFFFC000  }
0x2a: {  	[hbm4b:s15+s2] =	stream.linear.scatter [tilespmem:s14], [sflag:$0x3], $0x4000, $0x38;
	[tilespmem:$0x1C100] =	vst v63  }
0x2b: {  	_ = 	snop  }
0x2c: {  	[tilespmem:s2], [sflag:$0x1] =	stream.linear.gather [hbm4b:s16+s2], $0x80, $0x38;
	[tilespmem:$0x1C100] =	vst v63  }
0x2d: {  	_ =	swait.ge [sflag:s17], $0x80  }
0x2e: {  	[sflag:s17] =	ssyncset.done $0x0  }
0x2f: {  	[sflag:s17] =	ssyncadd.s32 $0xFFFFFF80  }
0x30: {  	[tilespmem:s18], [sflag:$0x5] =	stream.indirect.gather [spmem:s1], $0x80, s12, s12, $0xb8;
	[tilespmem:$0x1C100] =	vst v63  }
0x31: {  	_ =	swait.ge [sflag:s9], $0x4000  }
0x32: {  	[sflag:s9] =	ssyncset.done $0x0  }
0x33: {  	[sflag:s9] =	ssyncadd.s32 $0xFFFFC000  }
0x34: {  	[hbm4b:s19+s2] =	stream.linear.scatter [tilespmem:s18], [sflag:$0x4], $0x4000, $0x38;
	[tilespmem:$0x1C100] =	vst v63  }
0x35: {  	s23 =	smov.u32 s7;
	s24 =	smov.u32 s21;
	s25 =	simm.s32 $0x0  }
0x36: {  	[tilespmem:s12], [sflag:$0x2] =	stream.linear.gather [hbm4b:s20+s2], $0x80, $0x38;
	[tilespmem:$0x1C100] =	vst v63  }
.LBB2_2:
0x37: {  	p1 =	sgt.u32 s23, $0x9C4  }
0x38: {  	s26 =	simm.s32 @!p1 $0x3  }
0x39: {  	_ =	swait.ge @!p1 [sflag:s26], $0x4000  }
0x3a: {  	[sflag:s26] =	ssyncset.done @!p1 $0x0  }
0x3b: {  	[sflag:s26] =	ssyncadd.s32 @!p1 $0xFFFFC000  }
0x3c: {  	_ =	swait.ge [sflag:s13], $0x80  }
0x3d: {  	[sflag:s13] =	ssyncset.done $0x0  }
0x3e: {  	[sflag:s13] =	ssyncadd.s32 $0xFFFFFF80  }
0x3f: {  	[tilespmem:s14], [sflag:$0x5] =	stream.indirect.gather [spmem:s1], $0x80, s2, s12, $0xb8;
	[tilespmem:$0x1C100] =	vst v63  }
0x40: {  	p2 =	sgt.u32 s23, $0x9C3;
	p3 =	seq.s32 s25, $0x4D000;
	_ =	swait.ge [sflag:s9], $0x4000  }
0x41: {  	s29 =	simm.s32 @!p2 $0x0;
	s26 =	sadd.s32 @!p2 s25, s15;
	[sflag:s9] =	ssyncset.done $0x0  }
0x42: {  	s30 =	simm.s32 @!p2 $0x100;
	s28 =	sadd.s32 @!p2 $0x1000, s26;
	[sflag:s9] =	ssyncadd.s32 $0xFFFFC000  }
0x43: {  	[hbm4b:s28+s29] =	stream.linear.scatter @!p2 [tilespmem:s30], [sflag:$0x3], $0x4000, $0x38;
	[tilespmem:$0x1C100] =	vst v63  }
0x44: {  	s28 =	sadd.s32 @!p3 $0xFFFFFFE0, s24;
	s30 =	simm.s32 @!p3 $0x0  }
0x45: {  	[tilespmem:s30], [sflag:$0x1] =	stream.linear.gather @!p3 [hbm4b:s28+s30], $0x80, $0x38;
	[tilespmem:$0x1C100] =	vst v63  }
0x46: {  	s28 =	simm.s32 @!p1 $0x4  }
0x47: {  	_ =	swait.ge @!p1 [sflag:s28], $0x4000  }
0x48: {  	[sflag:s28] =	ssyncset.done @!p1 $0x0  }
0x49: {  	[sflag:s28] =	ssyncadd.s32 @!p1 $0xFFFFC000  }
0x4a: {  	_ =	swait.ge [sflag:s17], $0x80  }
0x4b: {  	[sflag:s17] =	ssyncset.done $0x0  }
0x4c: {  	[sflag:s17] =	ssyncadd.s32 $0xFFFFFF80  }
0x4d: {  	[tilespmem:s18], [sflag:$0x5] =	stream.indirect.gather [spmem:s1], $0x80, s12, s12, $0xb8;
	[tilespmem:$0x1C100] =	vst v63  }
.Ltmp2:
0x4e: {  	_ = 	snop;
	(pc) =	sbr.rel @p3 .LBB2_4-.Ltmp2, $4  }
0x4f: {  	_ =	swait.ge [sflag:s9], $0x4000  }
0x50: {  	[sflag:s9] =	ssyncset.done $0x0  }
0x51: {  	s26 =	sadd.s32 @!p2 $0x1800, s26;
	s28 =	simm.s32 @!p2 $0x4100;
	[sflag:s9] =	ssyncadd.s32 $0xFFFFC000  }
0x52: {  	[hbm4b:s26+s29] =	stream.linear.scatter @!p2 [tilespmem:s28], [sflag:$0x4], $0x4000, $0x38;
	[tilespmem:$0x1C100] =	vst v63  }
.Ltmp3:
0x53: {  	(pc) =	sbr.rel .LBB2_2-.Ltmp3, $3  }
0x54: {  	_ =	sdelay $0x1  }
0x55: {  	[tilespmem:s12], [sflag:$0x2] =	stream.linear.gather [hbm4b:s24+s2], $0x80, $0x38;
	[tilespmem:$0x1C100] =	vst v63  }
0x56: {  	s25 =	sadd.s32 $0x1000, s25;
	s24 =	sadd.s32 $0x40, s24;
	s23 =	sadd.s32 $0x2, s23  }
.LBB2_5:
0x57: {  	_ =	sfence.sel $0x180000  }
0x58: {  	[bflag:$0x0] =	sbarrier.arrive $0xFFFF  }
0x59: {  	p0 =	sne.s32 s3, $0x0;
	_ =	strace $0x9000004D  }
0x5a: {  	s0 =	sadd.s32 @!p0 $0x100000, s0;
	[bflag:$0x2] =	sbarrier.arrive $0xFFFF  }
0x5b: {  	[sflag:s0] =	ssyncadd.tile.s32 @!p0 $0x1;
	_ =	shalt  }
.Lfunc_end2:
_tile_overlayer_lowered:
.L_overlay_start_2:
0x5c: {  	(tag) =	ssettag $0x2  }
0x5d: {  	s0 =	rddreg [dreg:$0x0];
	s2 =	stileid.u32  }
0x5e: {  	s1 =	rddreg [dreg:$0x1];
	p0 =	sne.s32 s2, $0x0  }
0x5f: {  	s3 =	rddreg [dreg:$0x2];
	[bflag:$0x3] =	sbarrier.arrive $0xFFFF;
	s2 =	simm.s32 @!p0 $0x1C05  }
0x60: {  	[timem:s3], [sflag:s2] =	dma.local @!p0 [hbm:s0], s1  }
0x61: {  	s0 =	simm.s32 @!p0 $0x5  }
0x62: {  	_ =	swait.ge @!p0 [sflag:s0], s1  }
0x63: {  	s1 =	ssub.s32 @!p0 $0x0, s1;
	[sflag:s0] =	ssyncset.done @!p0 $0x0  }
0x64: {  	[sflag:s0] =	ssyncadd.s32 @!p0 s1  }
0x65: {  	[bflag:$0x3] =	sbarrier.arrive $0xFFFF  }
0x66: {  	_ =	shalt  }

// kernel: kernel.21.cloned.1.call-start
scs
__scs_entry_jumppad:
0x0: {  	(pc) =	sbr.rel $0x88, $3  }
0x1: {  	(tag) =	ssettag $0x0;
	lr =	simm.s32 $0x1  }
0x2: {  	[smem:$0x3F92] =	sst lr;
	_ =	strace $0xD0000000  }
0x3: {  	_ = 	snop  }
0x4: {  	_ = 	snop  }
0x5: {  	_ = 	snop  }
0x6: {  	_ = 	snop  }
0x7: {  	_ = 	snop  }
__scs_overlays_trampoline_lowered:
0x8: {  	[smem:$0x3FA1] =	sst s0  }
0x9: {  	[smem:$0x3FA2] =	sst s1  }
0xa: {  	[smem:$0x3FA3] =	sst s2  }
0xb: {  	[smem:$0x3FA4] =	sst s3  }
0xc: {  	[smem:$0x3FA5] =	sst s4  }
0xd: {  	[smem:$0x3FA6] =	sst s5  }
0xe: {  	[smem:$0x3FA7] =	sst s6  }
0xf: {  	[smem:$0x3FA8] =	sst s7  }
0x10: {  	[smem:$0x3FA9] =	sst s8  }
0x11: {  	[smem:$0x3FAA] =	sst s9;
	s0 =	simm.s32 @!p0 $0x0  }
0x12: {  	s1 =	sld [smem:$0x3F90];
	s0 =	simm.s32 @p0 $0x1  }
0x13: {  	[smem:$0x3FAB] =	sst s0;
	s0 =	simm.s32 @!p1 $0x0  }
0x14: {  	s2 =	sld [smem:$0x3F8F];
	s0 =	simm.s32 @p1 $0x1  }
0x15: {  	[smem:$0x3FAC] =	sst s0;
	s0 =	simm.s32 @!p2 $0x0  }
0x16: {  	s3 =	sld [smem:$0x3FDB];
	s0 =	simm.s32 @p2 $0x1  }
0x17: {  	s4 =	simm.s32 $0x1BF5;
	[smem:$0x3FAE] =	sst s0  }
0x18: {  	s0 =	sld [smem:$0x3F91];
	_ =	swait.ge [sflag:s4], $0x0  }
0x19: {  	s7 =	sld [smem:$0x3F92]  }
0x1a: {  	s8 =	sadd.s32 $0xFFFFE003, lr  }
0x1b: {  	s9 =	sadd.s32 $0xFFFFFEF7, lr;
	s5 =	simm.s32 $0xFFFFFFFF;
	p2 =	slt.u32 s8, $0xFFFFF086  }
0x1c: {  	p1 =	slt.u32 s9, $0xF7A;
	s5 =	simm.s32 @!p2 $0x0  }
0x1d: {  	s5 =	simm.s32 @p1 $0x1;
	p0 =	seq.s32 s7, s2  }
0x1e: {  	s7 =	smul.u32 @!p0 $0xF7A, s2;
	p2 =	seq.s32 @!p0 s5, $0x0  }
0x1f: {  	s9 =	smul.u32 $0xF7A, s1;
	s8 =	simm.s32 @!p0 $0x1BF5;
	p2 =	por !p2, p0  }
0x20: {  	[sflag:s8] =	ssyncset.s32 @!p0 $0xFFFFF086;
	s6 =	sadd.s32 @!p0 s3, s7;
	s7 =	simm.s32 @!p0 $0x108  }
0x21: {  	s3 =	sadd.s32 s3, s9;
	s6 =	sadd.s32 @!p0 $0x88, s6;
	s7 =	simm.s32 @p2 $0x1082  }
0x22: {  	[simem:s7], [sflag:s8] =	dma.local @!p0 [hbm:s6], $0xF7A  }
0x23: {  	s9 =	sor.u32 $0xD0000000, s2;
	s6 =	simm.s32 $0x108;
	_ =	swait.ge @!p0 [sflag:s8], $0x0  }
0x24: {  	s3 =	sadd.s32 $0x88, s3;
	s6 =	simm.s32 @!p1 $0x1082;
	[sflag:s4] =	ssyncset.s32 $0xFFFFF086  }
0x25: {  	[simem:s6], [sflag:s4] =	dma.local [hbm:s3], $0xF7A  }
0x26: {  	[smem:$0x3F92] =	sst s1;
	(tag) =	ssettag s2;
	_ =	strace s9  }
0x27: {  	s1 =	sld [smem:$0x3FA2]  }
0x28: {  	s2 =	sld [smem:$0x3FA3]  }
0x29: {  	s4 =	sld [smem:$0x3FA5]  }
0x2a: {  	p0 =	seq.s32 s5, $0x0;
	s5 =	sld [smem:$0x3FA6]  }
0x2b: {  	s6 =	sld [smem:$0x3FA7]  }
0x2c: {  	s7 =	sld [smem:$0x3FA8]  }
0x2d: {  	s3 =	simm.s32 $0x108;
	s8 =	sld [smem:$0x3FA9]  }
0x2e: {  	s3 =	simm.s32 @!p0 $0x1082;
	s9 =	sld [smem:$0x3FAA]  }
0x2f: {  	lr =	sadd.s32 s0, s3;
	s0 =	sld [smem:$0x3FA1]  }
0x30: {  	s3 =	sld [smem:$0x3FA4]  }
0x31: {  	[smem:$0x3FAD] =	sst s10  }
0x32: {  	s10 =	sld [smem:$0x3FAB];
	_ =	sdelay $0x3  }
0x33: {  	p0 =	seq.s32 s10, $0x1;
	s10 =	sld [smem:$0x3FAD];
	_ =	sdelay $0x3  }
0x34: {  	[smem:$0x3FAD] =	sst s10  }
0x35: {  	s10 =	sld [smem:$0x3FAC];
	_ =	sdelay $0x3  }
0x36: {  	p1 =	seq.s32 s10, $0x1;
	s10 =	sld [smem:$0x3FAD];
	_ =	sdelay $0x3  }
0x37: {  	[smem:$0x3FAD] =	sst s10  }
0x38: {  	s10 =	sld [smem:$0x3FAE]  }
0x39: {  	_ = 	snop;
	(pc) =	sbr.ind lr, $3  }
0x3a: {  	_ = 	snop  }
0x3b: {  	_ = 	snop  }
0x3c: {  	p2 =	seq.s32 s10, $0x1;
	s10 =	sld [smem:$0x3FAD]  }
0x3d: {  	_ =	shalt  }
0x3e: {  	_ =	shalt  }
0x3f: {  	_ =	shalt  }
0x40: {  	_ =	shalt  }
0x41: {  	_ =	shalt  }
0x42: {  	_ =	shalt  }
0x43: {  	_ =	shalt  }
0x44: {  	_ =	shalt  }
0x45: {  	_ =	shalt  }
0x46: {  	_ =	shalt  }
0x47: {  	_ =	shalt  }
0x48: {  	_ =	shalt  }
0x49: {  	_ =	shalt  }
0x4a: {  	_ =	shalt  }
0x4b: {  	_ =	shalt  }
0x4c: {  	_ =	shalt  }
0x4d: {  	_ =	shalt  }
0x4e: {  	_ =	shalt  }
0x4f: {  	_ =	shalt  }
0x50: {  	_ =	shalt  }
0x51: {  	_ =	shalt  }
0x52: {  	_ =	shalt  }
0x53: {  	_ =	shalt  }
0x54: {  	_ =	shalt  }
0x55: {  	_ =	shalt  }
0x56: {  	_ =	shalt  }
0x57: {  	_ =	shalt  }
0x58: {  	_ =	shalt  }
0x59: {  	_ =	shalt  }
0x5a: {  	_ =	shalt  }
0x5b: {  	_ =	shalt  }
0x5c: {  	_ =	shalt  }
0x5d: {  	_ =	shalt  }
0x5e: {  	_ =	shalt  }
0x5f: {  	_ =	shalt  }
0x60: {  	_ =	shalt  }
0x61: {  	_ =	shalt  }
0x62: {  	_ =	shalt  }
0x63: {  	_ =	shalt  }
0x64: {  	_ =	shalt  }
0x65: {  	_ =	shalt  }
0x66: {  	_ =	shalt  }
0x67: {  	_ =	shalt  }
0x68: {  	_ =	shalt  }
0x69: {  	_ =	shalt  }
0x6a: {  	_ =	shalt  }
0x6b: {  	_ =	shalt  }
0x6c: {  	_ =	shalt  }
0x6d: {  	_ =	shalt  }
0x6e: {  	_ =	shalt  }
0x6f: {  	_ =	shalt  }
0x70: {  	_ =	shalt  }
0x71: {  	_ =	shalt  }
0x72: {  	_ =	shalt  }
0x73: {  	_ =	shalt  }
0x74: {  	_ =	shalt  }
0x75: {  	_ =	shalt  }
0x76: {  	_ =	shalt  }
0x77: {  	_ =	shalt  }
0x78: {  	_ =	shalt  }
0x79: {  	_ =	shalt  }
0x7a: {  	_ =	shalt  }
0x7b: {  	_ =	shalt  }
0x7c: {  	_ =	shalt  }
0x7d: {  	_ =	shalt  }
0x7e: {  	_ =	shalt  }
0x7f: {  	_ =	shalt  }
0x80: {  	_ =	shalt  }
0x81: {  	_ =	shalt  }
0x82: {  	_ =	shalt  }
0x83: {  	_ =	shalt  }
0x84: {  	_ =	shalt  }
0x85: {  	_ =	shalt  }
0x86: {  	_ =	shalt  }
0x87: {  	_ =	shalt  }
.Lfunc_end0:
.L_simem_size_0:
called_computation.3_lowered:
.L_overlay_start_0:
0x88: {  	s2 =	sld [smem:$0x3FD9]  }
0x89: {  	s3 =	sld [smem:$0x3FFE];
	_ =	sdelay $0x1  }
0x8a: {  	s1 =	srdreg.scid  }
0x8b: {  	s0 =	sand.u32 $0x1, s1  }
0x8c: {  	s14 =	sshll.u32 s0, $0xA;
	s2 =	sadd.s32 s3, s2  }
0x8d: {  	s2 =	sadd.s32 s2, s14  }
0x8e: {  	[smem:$0x3FB9] =	sst s2  }
0x8f: {  	_ = 	snop  }
0x90: {  	s2 =	sld [smem:$0x3FD0];
	_ =	sdelay $0x2  }
0x91: {  	s15 =	simm.s32 $0xA;
	s4 =	simm.s32 $0x10  }
0x92: {  	[smem:s4], [sflag:s15] =	dma.local [hbm:s2], $0x1  }
0x93: {  	_ =	swait.eq [sflag:s15], $0x1  }
0x94: {  	[sflag:s15] =	ssyncset.done $0x0  }
0x95: {  	[sflag:s15] =	ssyncadd.s32 $0xFFFFFFFF  }
0x96: {  	s16 =	sld [smem:$0x11];
	(tm) =	ssettm $0x1  }
0x97: {  	s17 =	sld [smem:$0x3FFB];
	_ =	sdelay $0x3  }
0x98: {  	_ =	strace s17  }
0x99: {  	s3 =	sld [smem:$0x3FFC];
	_ =	sdelay $0x3  }
0x9a: {  	_ =	strace s3  }
0x9b: {  	s3 =	sld [smem:$0x3FFD];
	_ =	sdelay $0x3  }
0x9c: {  	_ =	strace s3  }
0x9d: {  	_ =	strace $0x8FFFFFFF  }
0x9e: {  	s18 =	sld [smem:$0x3FDB];
	_ =	sdelay $0x1  }
0x9f: {  	s19 =	simm.s32 $_scs_section_size  }
0xa0: {  	s5 =	simm.s32 $_size__tile_overlayer_lowered;
	s6 =	simm.s32 $_tile_overlayer_lowered  }
0xa1: {  	s22 =	simm.s32 $0x1BFF;
	s21 =	sshll.u32 s6, $0x1;
	s3 =	sadd.s32 s19, s18  }
0xa2: {  	s7 =	simm.s32 $0x0;
	s20 =	sshll.u32 s5, $0x1;
	s5 =	sadd.s32 s21, s3  }
0xa3: {  	[timem:s7], [sflag:s22] =	dma.local [hbm:s5], s20  }
0xa4: {  	_ =	swait.ge [sflag:s22], s20  }
0xa5: {  	s4 =	ssub.s32 $0x0, s20;
	[sflag:s22] =	ssyncset.done $0x0  }
0xa6: {  	[sflag:s22] =	ssyncadd.s32 s4;
	_ =	sdelay $0x1  }
0xa7: {  	s23 =	simm.s32 $0x1B8B  }
0xa8: {  	_ =	swait.ge [sflag:s23], $0x1  }
0xa9: {  	[sflag:s23] =	ssyncset.done $0x0  }
0xaa: {  	s25 =	simm.s32 $0x1B8E;
	s24 =	sld [smem:$0x3FFE];
	[sflag:s23] =	ssyncadd.s32 $0xFFFFFFFF  }
0xab: {  	s26 =	simm.s32 $execute0_lowered;
	[smem:$0x3FD2] =	sst s25  }
0xac: {  	s5 =	sshll.u32 s26, $0x1;
	_ =	strace $0x8000004F;
	[dreg:$0x1] =	wrdreg $0xFFFFFFFF  }
0xad: {  	s28 =	simm.s32 $_size_execute0_lowered;
	s3 =	sadd.s32 s3, s5;
	[dreg:$0x0] =	wrdreg $0x0  }
0xae: {  	s5 =	sshll.u32 s28, $0x1;
	[dreg:$0x2] =	wrdreg s3  }
0xaf: {  	[dreg:$0x3] =	wrdreg s5  }
0xb0: {  	[dreg:$0x4] =	wrdreg $0xC0  }
0xb1: {  	_ =	task [dreg:s7], $0x5FFFF  }
0xb2: {  	[dreg:$0x1] =	wrdreg $0xFFFFFFFF  }
0xb3: {  	[dreg:$0x0] =	wrdreg $0x60  }
0xb4: {  	[dreg:$0x2] =	wrdreg s16  }
0xb5: {  	[dreg:$0x3] =	wrdreg s24  }
0xb6: {  	[dreg:$0x4] =	wrdreg $0x66800  }
0xb7: {  	[dreg:$0x5] =	wrdreg $0x9  }
0xb8: {  	_ =	task.clear_ibuf [dreg:s7], $0x6FFFF;
	_ =	strace $0x9000004F  }
0xb9: {  	s29 =	simm.s32 $0x9;
	_ =	strace $0x80000051  }
0xba: {  	_ =	swait.ge [sflag:s29], $0x1  }
0xbb: {  	[sflag:s29] =	ssyncadd.s32 $0xFFFFFFFF  }
0xbc: {  	_ =	strace $0x90000051  }
0xbd: {  	_ =	sfence  }
0xbe: {  	s30 =	sld [smem:$0x0];
	_ =	sdelay $0x2  }
0xbf: {  	s31 =	sshll.u32 s1, $0xD;
	s1 =	sshrl.u32 s1, $0x2  }
0xc0: {  	s3 =	sand.u32 $0x4000, s31;
	s1 =	sadd.s32 s1, s30  }
0xc1: {  	s0 =	sor.u32 s3, s0;
	s1 =	sshll.u32 s1, $0x11  }
0xc2: {  	s0 =	sor.u32 s1, s0  }
0xc3: {  	s0 =	sadd.s32 $0x8F2B, s0  }
0xc4: {  	[sflag:s0] =	ssyncadd.remote.s32 $0x1  }
0xc5: {  	_ =	sfence.sel $0xFFFF  }
0xc6: {  	[dreg:$0x0] =	wrdreg $0xFFFFFFFF;
	(pc) =	sbr.abs _section_cstart, $3  }
0xc7: {  	[dreg:$0x1] =	wrdreg $0xFFFFFFFF  }
0xc8: {  	_ =	task.clear_ibuf [dreg:s7], $0x2FFFF;
	_ =	strace $0x9FFFFFFF  }
0xc9: {  	(tm) =	ssettm $0x7FFFFFFF  }
tec
execute0_lowered:
.L_overlay_start_1:
0x0: {  	(tag) =	ssettag $0x1  }
0x1: {  	s0 =	rddreg [dreg:$0x0]  }
0x2: {  	s1 =	rddreg [dreg:$0x1]  }
0x3: {  	s2 =	rddreg [dreg:$0x2]  }
0x4: {  	s3 =	simm.s32 $0x0;
	s14 =	stileid.u32;
	s4 =	srdreg.scid  }
0x5: {  	s28 =	simm.s32 $0x280;
	s31 =	simm.s32 $0x100;
	s30 =	simm.s32 $0x200  }
0x6: {  	s29 =	simm.s32 $0x1;
	[smem:$0x7FF] =	sst s3;
	s5 =	smul.u32 $0x2800, s14  }
0x7: {  	s6 =	sand.u32 $0x1, s4;
	s4 =	sadd.s32 $0x7600, s1;
	s10 =	sshll.u32 s14, $0x1  }
0x8: {  	s11 =	smul.u32 $0x50000, s14;
	s22 =	sshll.u32 s14, $0x6;
	_ =	strace $0x80000050  }
0x9: {  	s8 =	smul.u32 $0x28000, s6;
	s9 =	ssub.s32 $0x2, s6;
	s10 =	sor.u32 s6, s10  }
0xa: {  	s15 =	sor.u32 $0x1C0B, s22;
	s7 =	sadd.s32 s5, s1;
	s20 =	sshrl.u32 s9, $0x1  }
0xb: {  	s21 =	sshrl.u32 s11, $0x2;
	s11 =	smul.u32 $0x2710, s10;
	[dreg:$0x6] =	wrdreg s15  }
0xc: {  	s1 =	sadd.s32 s8, s1;
	s8 =	ssub.s32 s9, s20;
	s9 =	sadd.s32 s21, s2  }
0xd: {  	s10 =	smul.u32 $0x27100, s10;
	s7 =	sadd.s32 $0x26000, s7;
	[dreg:$0x4] =	wrdreg s9  }
0xe: {  	[dreg:$0x5] =	wrdreg s7;
	s23 =	sshrl.u32 s11, $0x3;
	s12 =	sadd.s32 $0x28, s11  }
0xf: {  	s26 =	sadd.s32 s0, s10;
	s13 =	sadd.s32 $0x50, s11;
	s16 =	sadd.s32 $0x78, s11  }
0x10: {  	s22 =	sadd.s32 $0xA0, s11;
	s1 =	sadd.s32 $0x4F800, s1;
	s11 =	simm.s32 $0xA  }
0x11: {  	s24 =	sadd.s32 s4, s23;
	s25 =	sshrl.u32 s12, $0x3;
	[dreg:$0x8] =	wrdreg s26  }
0x12: {  	s10 =	sshll.u32 s12, $0x4;
	s17 =	sshrl.u32 s13, $0x3;
	s21 =	sshll.u32 s16, $0x4  }
0x13: {  	s23 =	smul.u32 $0x4E20, s14;
	s1 =	sadd.s32 s5, s1;
	[dreg:$0x7] =	wrdreg s24  }
0x14: {  	s5 =	simm.s32 $0x6;
	s9 =	sadd.s32 s4, s25;
	[dreg:$0x13] =	wrdreg s1  }
0x15: {  	s12 =	sadd.s32 s0, s10;
	s18 =	sadd.s32 s4, s17;
	[dreg:$0x9] =	wrdreg s9  }
0x16: {  	s24 =	sshrl.u32 s22, $0x3;
	s10 =	sshll.u32 s22, $0x4;
	[dreg:$0xa] =	wrdreg s12  }
0x17: {  	s25 =	smul.u32 $0x2710, s6;
	s26 =	sadd.s32 s0, s21;
	[dreg:$0xb] =	wrdreg s18  }
0x18: {  	s9 =	sshll.u32 s13, $0x4;
	[dreg:$0xe] =	wrdreg s26;
	s10 =	sadd.s32 s0, s10  }
0x19: {  	s13 =	sshrl.u32 s16, $0x3;
	s16 =	smax.u32 s8, $0x1;
	[dreg:$0x10] =	wrdreg s10  }
0x1a: {  	s6 =	smul.u32 $0x27100, s6;
	s19 =	sadd.s32 s0, s9;
	[dreg:$0x11] =	wrdreg s16  }
0x1b: {  	s12 =	smul.u32 $0x4E200, s14;
	s20 =	sadd.s32 s4, s13;
	[dreg:$0xc] =	wrdreg s19  }
0x1c: {  	s9 =	sadd.s32 s4, s24;
	s14 =	sadd.s32 s25, s23;
	[dreg:$0xd] =	wrdreg s20  }
0x1d: {  	s10 =	simm.s32 $0x5;
	[dreg:$0xf] =	wrdreg s9;
	s17 =	sadd.s32 $0x168, s14  }
0x1e: {  	s0 =	sadd.s32 s12, s0;
	s18 =	sadd.s32 $0x140, s14;
	s22 =	sadd.s32 $0x118, s14  }
0x1f: {  	s23 =	sadd.s32 $0xF0, s14;
	s26 =	sadd.s32 $0xC8, s14;
	s9 =	simm.s32 $0x8  }
0x20: {  	s12 =	simm.s32 $0x0;
	s8 =	sshrl.u32 s17, $0x3;
	s19 =	sadd.s32 s6, s0  }
0x21: {  	s21 =	sshrl.u32 s18, $0x3;
	s24 =	sshrl.u32 s22, $0x3;
	s1 =	sshrl.u32 s23, $0x3  }
.Ltmp0:
0x22: {  	[dreg:$0x17] =	wrdreg s26;
	s20 =	sadd.s32 s8, s4;
	(pc) =	sbr.rel .LBB2_1-.Ltmp0, $4  }
0x23: {  	s26 =	simm.s32 $0xB;
	s0 =	sadd.s32 s21, s4;
	[dreg:$0x12] =	wrdreg s20  }
0x24: {  	s6 =	simm.s32 $0x28;
	s25 =	sadd.s32 s1, s4;
	[dreg:$0x14] =	wrdreg s0  }
0x25: {  	s1 =	simm.s32 $0x5280;
	s0 =	sadd.s32 s24, s4;
	[dreg:$0x16] =	wrdreg s25  }
0x26: {  	s8 =	simm.s32 $0x3;
	[dreg:$0x15] =	wrdreg s0;
	s0 =	simm.s32 $0x2A80  }
.LBB2_4:
0x27: {  	[bflag:$0x0] =	sbarrier.arrive $0xFFFF  }
0x28: {  	s15 =	rddreg [dreg:$0x6]  }
0x29: {  	s7 =	rddreg [dreg:$0x13]  }
0x2a: {  	s12 =	rddreg [dreg:$0x19]  }
0x2b: {  	[hbm:s7], [sflag:s15] =	dma.local [spmem:s12], $0x2800  }
0x2c: {  	_ =	swait.ge [sflag:s26], $0x2800  }
0x2d: {  	s24 =	rddreg [dreg:$0x18]  }
0x2e: {  	s25 =	rddreg [dreg:$0x11];
	s12 =	sadd.s32 $0x1, s24  }
0x2f: {  	p0 =	sne.s32 s12, s25  }
.Ltmp1:
0x30: {  	_ = 	snop;
	(pc) =	sbr.rel @!p0 .LBB2_5-.Ltmp1, $3  }
0x31: {  	_ =	sdelay $0x1  }
0x32: {  	[sflag:s26] =	ssyncset.done $0x0  }
0x33: {  	[sflag:s26] =	ssyncadd.s32 $0xFFFFD800  }
.LBB2_1:
0x34: {  	[dreg:$0x18] =	wrdreg s12  }
0x35: {  	s7 =	rddreg [dreg:$0x4]  }
0x36: {  	s24 =	rddreg [dreg:$0x5];
	s23 =	sshrl.u32 s7, $0x3  }
0x37: {  	[dreg:$0x19] =	wrdreg s23  }
0x38: {  	[spmem:s23], [sflag:s15] =	dma.local [hbm:s24], $0x2800  }
0x39: {  	_ =	swait.ge [sflag:s26], $0x2800  }
0x3a: {  	[sflag:s26] =	ssyncset.done $0x0  }
0x3b: {  	[sflag:s26] =	ssyncadd.s32 $0xFFFFD800  }
0x3c: {  	[bflag:$0x0] =	sbarrier.arrive $0xFFFF  }
0x3d: {  	s25 =	rddreg [dreg:$0x7]  }
0x3e: {  	s12 =	rddreg [dreg:$0x8]  }
0x3f: {  	s13 =	rddreg [dreg:$0x9]  }
0x40: {  	s15 =	rddreg [dreg:$0xa]  }
0x41: {  	[tilespmem:s3], [sflag:$0x1] =	stream.linear.gather [hbm4b:s25+s3], $0x28, $0x38;
	[tilespmem:$0x1A680] =	vst v63  }
0x42: {  	s17 =	rddreg [dreg:$0xb]  }
0x43: {  	[tilespmem:s28], [sflag:$0x6] =	stream.linear.gather [hbm4b:s12+s3], $0x1400, $0x38;
	[tilespmem:$0x1A680] =	vst v63  }
0x44: {  	s14 =	simm.s32 $0x80;
	s18 =	rddreg [dreg:$0xc]  }
0x45: {  	[tilespmem:s14], [sflag:$0x2] =	stream.linear.gather [hbm4b:s13+s3], $0x28, $0x38;
	[tilespmem:$0x1A680] =	vst v63  }
0x46: {  	s16 =	simm.s32 $0x1680;
	s20 =	rddreg [dreg:$0xd]  }
0x47: {  	[tilespmem:s16], [sflag:$0x7] =	stream.linear.gather [hbm4b:s15+s3], $0x1400, $0x38;
	[tilespmem:$0x1A680] =	vst v63  }
0x48: {  	s22 =	rddreg [dreg:$0xe]  }
0x49: {  	[tilespmem:s31], [sflag:$0x3] =	stream.linear.gather [hbm4b:s17+s3], $0x28, $0x38;
	[tilespmem:$0x1A680] =	vst v63  }
0x4a: {  	s24 =	rddreg [dreg:$0xf]  }
0x4b: {  	[tilespmem:s0], [sflag:$0x8] =	stream.linear.gather [hbm4b:s18+s3], $0x1400, $0x38;
	[tilespmem:$0x1A680] =	vst v63  }
0x4c: {  	s21 =	simm.s32 $0x180;
	s25 =	rddreg [dreg:$0x10]  }
0x4d: {  	[tilespmem:s21], [sflag:$0x4] =	stream.linear.gather [hbm4b:s20+s3], $0x28, $0x38;
	[tilespmem:$0x1A680] =	vst v63  }
0x4e: {  	s23 =	simm.s32 $0x3E80;
	s20 =	rddreg [dreg:$0x12]  }
0x4f: {  	[tilespmem:s23], [sflag:$0x9] =	stream.linear.gather [hbm4b:s22+s3], $0x1400, $0x38;
	[tilespmem:$0x1A680] =	vst v63  }
0x50: {  	s23 =	rddreg [dreg:$0x15]  }
0x51: {  	s22 =	rddreg [dreg:$0x14]  }
0x52: {  	[tilespmem:s30], [sflag:$0x5] =	stream.linear.gather [hbm4b:s24+s3], $0x28, $0x38;
	[tilespmem:$0x1A680] =	vst v63  }
0x53: {  	s24 =	rddreg [dreg:$0x16]  }
0x54: {  	[tilespmem:s1], [sflag:$0xA] =	stream.linear.gather [hbm4b:s25+s3], $0x1400, $0x38;
	[tilespmem:$0x1A680] =	vst v63  }
0x55: {  	s18 =	simm.s32 $0x0;
	s25 =	rddreg [dreg:$0x17]  }
.LBB2_2:
0x56: {  	_ =	swait.ge [sflag:s29], $0x28  }
0x57: {  	[sflag:s29] =	ssyncset.done $0x0  }
0x58: {  	[sflag:s29] =	ssyncadd.s32 $0xFFFFFFD8  }
0x59: {  	_ =	swait.ge [sflag:s5], $0x1400  }
0x5a: {  	[sflag:s5] =	ssyncset.done $0x0  }
0x5b: {  	[sflag:s5] =	ssyncadd.s32 $0xFFFFEC00  }
0x5c: {  	[spmem:s2] =	stream.indirect.scatter.add.f32 [tilespmem:s28], [sflag:$0xB], $0x80, s3, s6, $0xb8;
	[tilespmem:$0x1A680] =	vst v63  }
0x5d: {  	_ =	swait.ge [sflag:s26], $0x1400  }
0x5e: {  	p0 =	seq.s32 s18, $0x26480;
	[sflag:s26] =	ssyncset.done $0x0  }
0x5f: {  	s17 =	simm.s32 @p0 $0x2;
	[sflag:s26] =	ssyncadd.s32 $0xFFFFEC00  }
0x60: {  	_ =	swait.ge @p0 [sflag:s17], $0x28  }
0x61: {  	[sflag:s17] =	ssyncset.done @p0 $0x0  }
0x62: {  	[sflag:s17] =	ssyncadd.s32 @p0 $0xFFFFFFD8;
	s17 =	simm.s32 @p0 $0x7  }
0x63: {  	_ =	swait.ge @p0 [sflag:s17], $0x1400  }
0x64: {  	s16 =	simm.s32 @p0 $0x28;
	s21 =	simm.s32 @p0 $0x1680;
	[sflag:s17] =	ssyncset.done @p0 $0x0  }
0x65: {  	s15 =	simm.s32 @p0 $0xB;
	[sflag:s17] =	ssyncadd.s32 @p0 $0xFFFFEC00;
	s17 =	simm.s32 @p0 $0x80  }
0x66: {  	[spmem:s2] =	stream.indirect.scatter.add.f32 @p0 [tilespmem:s21], [sflag:$0xB], $0x80, s17, s16, $0xb8;
	[tilespmem:$0x1A680] =	vst v63  }
0x67: {  	_ =	swait.ge @p0 [sflag:s15], $0x1400  }
0x68: {  	s17 =	sshrl.u32 @!p0 s25, $0x3;
	[sflag:s15] =	ssyncset.done @p0 $0x0  }
0x69: {  	s21 =	simm.s32 @!p0 $0x0;
	s17 =	sadd.s32 @!p0 s4, s17;
	[sflag:s15] =	ssyncadd.s32 @p0 $0xFFFFEC00  }
0x6a: {  	[tilespmem:s21], [sflag:$0x1] =	stream.linear.gather @!p0 [hbm4b:s17+s21], $0x28, $0x38;
	[tilespmem:$0x1A680] =	vst v63  }
0x6b: {  	s17 =	sadd.s32 @!p0 s18, s19  }
0x6c: {  	s7 =	simm.s32 @!p0 $0x280;
	s14 =	sadd.s32 @!p0 $0xC80, s17  }
0x6d: {  	[tilespmem:s7], [sflag:$0x6] =	stream.linear.gather @!p0 [hbm4b:s14+s21], $0x1400, $0x38;
	[tilespmem:$0x1A680] =	vst v63  }
0x6e: {  	s7 =	simm.s32 @!p0 $0x2  }
0x6f: {  	_ =	swait.ge @!p0 [sflag:s7], $0x28  }
0x70: {  	[sflag:s7] =	ssyncset.done @!p0 $0x0  }
0x71: {  	[sflag:s7] =	ssyncadd.s32 @!p0 $0xFFFFFFD8;
	s7 =	simm.s32 @!p0 $0x7  }
0x72: {  	_ =	swait.ge @!p0 [sflag:s7], $0x1400  }
0x73: {  	s13 =	simm.s32 @!p0 $0x1680;
	s12 =	simm.s32 @!p0 $0xB;
	[sflag:s7] =	ssyncset.done @!p0 $0x0  }
0x74: {  	s14 =	simm.s32 @!p0 $0x80;
	[sflag:s7] =	ssyncadd.s32 @!p0 $0xFFFFEC00;
	s7 =	simm.s32 @!p0 $0x28  }
0x75: {  	[spmem:s2] =	stream.indirect.scatter.add.f32 @!p0 [tilespmem:s13], [sflag:$0xB], $0x80, s14, s7, $0xb8;
	[tilespmem:$0x1A680] =	vst v63  }
0x76: {  	_ =	swait.ge @!p0 [sflag:s12], $0x1400  }
0x77: {  	[sflag:s12] =	ssyncset.done @!p0 $0x0  }
0x78: {  	[sflag:s12] =	ssyncadd.s32 @!p0 $0xFFFFEC00  }
0x79: {  	[tilespmem:s14], [sflag:$0x2] =	stream.linear.gather @!p0 [hbm4b:s24+s21], $0x28, $0x38;
	[tilespmem:$0x1A680] =	vst v63  }
0x7a: {  	s14 =	sadd.s32 @!p0 $0xF00, s17  }
0x7b: {  	[tilespmem:s13], [sflag:$0x7] =	stream.linear.gather @!p0 [hbm4b:s14+s21], $0x1400, $0x38;
	[tilespmem:$0x1A680] =	vst v63  }
0x7c: {  	_ =	swait.ge [sflag:s8], $0x28  }
0x7d: {  	[sflag:s8] =	ssyncset.done $0x0  }
0x7e: {  	[sflag:s8] =	ssyncadd.s32 $0xFFFFFFD8  }
0x7f: {  	_ =	swait.ge [sflag:s9], $0x1400  }
0x80: {  	[sflag:s9] =	ssyncset.done $0x0  }
0x81: {  	[sflag:s9] =	ssyncadd.s32 $0xFFFFEC00  }
0x82: {  	[spmem:s2] =	stream.indirect.scatter.add.f32 [tilespmem:s0], [sflag:$0xB], $0x80, s31, s6, $0xb8;
	[tilespmem:$0x1A680] =	vst v63  }
0x83: {  	_ =	swait.ge [sflag:s26], $0x1400  }
0x84: {  	[sflag:s26] =	ssyncset.done $0x0  }
0x85: {  	s13 =	simm.s32 @p0 $0x4;
	[sflag:s26] =	ssyncadd.s32 $0xFFFFEC00  }
0x86: {  	_ =	swait.ge @p0 [sflag:s13], $0x28  }
0x87: {  	[sflag:s13] =	ssyncset.done @p0 $0x0  }
0x88: {  	[sflag:s13] =	ssyncadd.s32 @p0 $0xFFFFFFD8;
	s13 =	simm.s32 @p0 $0x9  }
0x89: {  	_ =	swait.ge @p0 [sflag:s13], $0x1400  }
0x8a: {  	[sflag:s13] =	ssyncset.done @p0 $0x0  }
0x8b: {  	s14 =	simm.s32 @p0 $0x3E80;
	[sflag:s13] =	ssyncadd.s32 @p0 $0xFFFFEC00;
	s13 =	simm.s32 @p0 $0x180  }
0x8c: {  	[spmem:s2] =	stream.indirect.scatter.add.f32 @p0 [tilespmem:s14], [sflag:$0xB], $0x80, s13, s16, $0xb8;
	[tilespmem:$0x1A680] =	vst v63  }
0x8d: {  	_ =	swait.ge @p0 [sflag:s15], $0x1400  }
0x8e: {  	[sflag:s15] =	ssyncset.done @p0 $0x0  }
0x8f: {  	s13 =	simm.s32 @!p0 $0x100;
	[sflag:s15] =	ssyncadd.s32 @p0 $0xFFFFEC00  }
0x90: {  	[tilespmem:s13], [sflag:$0x3] =	stream.linear.gather @!p0 [hbm4b:s23+s21], $0x28, $0x38;
	[tilespmem:$0x1A680] =	vst v63  }
0x91: {  	s14 =	simm.s32 @!p0 $0x2A80;
	s13 =	sadd.s32 @!p0 $0x1180, s17  }
0x92: {  	[tilespmem:s14], [sflag:$0x8] =	stream.linear.gather @!p0 [hbm4b:s13+s21], $0x1400, $0x38;
	[tilespmem:$0x1A680] =	vst v63  }
0x93: {  	s13 =	simm.s32 @!p0 $0x4  }
0x94: {  	_ =	swait.ge @!p0 [sflag:s13], $0x28  }
0x95: {  	[sflag:s13] =	ssyncset.done @!p0 $0x0  }
0x96: {  	[sflag:s13] =	ssyncadd.s32 @!p0 $0xFFFFFFD8;
	s13 =	simm.s32 @!p0 $0x9  }
0x97: {  	_ =	swait.ge @!p0 [sflag:s13], $0x1400  }
0x98: {  	[sflag:s13] =	ssyncset.done @!p0 $0x0  }
0x99: {  	s14 =	simm.s32 @!p0 $0x3E80;
	[sflag:s13] =	ssyncadd.s32 @!p0 $0xFFFFEC00;
	s13 =	simm.s32 @!p0 $0x180  }
0x9a: {  	[spmem:s2] =	stream.indirect.scatter.add.f32 @!p0 [tilespmem:s14], [sflag:$0xB], $0x80, s13, s7, $0xb8;
	[tilespmem:$0x1A680] =	vst v63  }
0x9b: {  	_ =	swait.ge @!p0 [sflag:s12], $0x1400  }
0x9c: {  	[sflag:s12] =	ssyncset.done @!p0 $0x0  }
0x9d: {  	[sflag:s12] =	ssyncadd.s32 @!p0 $0xFFFFEC00  }
0x9e: {  	[tilespmem:s13], [sflag:$0x4] =	stream.linear.gather @!p0 [hbm4b:s22+s21], $0x28, $0x38;
	[tilespmem:$0x1A680] =	vst v63  }
0x9f: {  	s7 =	sadd.s32 @!p0 $0x1400, s17  }
0xa0: {  	[tilespmem:s14], [sflag:$0x9] =	stream.linear.gather @!p0 [hbm4b:s7+s21], $0x1400, $0x38;
	[tilespmem:$0x1A680] =	vst v63  }
0xa1: {  	_ =	swait.ge [sflag:s10], $0x28  }
0xa2: {  	[sflag:s10] =	ssyncset.done $0x0  }
0xa3: {  	[sflag:s10] =	ssyncadd.s32 $0xFFFFFFD8  }
0xa4: {  	_ =	swait.ge [sflag:s11], $0x1400  }
0xa5: {  	[sflag:s11] =	ssyncset.done $0x0  }
.Ltmp2:
0xa6: {  	[sflag:s11] =	ssyncadd.s32 $0xFFFFEC00;
	(pc) =	sbr.rel @p0 .LBB2_4-.Ltmp2, $4  }
0xa7: {  	[spmem:s2] =	stream.indirect.scatter.add.f32 [tilespmem:s1], [sflag:$0xB], $0x80, s30, s6, $0xb8;
	[tilespmem:$0x1A680] =	vst v63  }
0xa8: {  	_ =	swait.ge [sflag:s26], $0x1400  }
0xa9: {  	[sflag:s26] =	ssyncset.done $0x0  }
0xaa: {  	[sflag:s26] =	ssyncadd.s32 $0xFFFFEC00  }
0xab: {  	[tilespmem:s30], [sflag:$0x5] =	stream.linear.gather [hbm4b:s20+s3], $0x28, $0x38;
	[tilespmem:$0x1A680] =	vst v63  }
.Ltmp3:
0xac: {  	_ = 	snop;
	(pc) =	sbr.rel .LBB2_2-.Ltmp3, $4  }
0xad: {  	s7 =	sadd.s32 s18, s19;
	s18 =	sadd.s32 $0xC80, s18  }
0xae: {  	s20 =	sadd.s32 $0x19, s20;
	s22 =	sadd.s32 $0x19, s22;
	s23 =	sadd.s32 $0x19, s23  }
0xaf: {  	s24 =	sadd.s32 $0x19, s24;
	s25 =	sadd.s32 $0xC8, s25;
	s7 =	sadd.s32 $0x1680, s7  }
0xb0: {  	[tilespmem:s1], [sflag:$0xA] =	stream.linear.gather [hbm4b:s7+s3], $0x1400, $0x38;
	[tilespmem:$0x1A680] =	vst v63  }
.LBB2_5:
0xb1: {  	_ =	sfence.sel $0x180000  }
0xb2: {  	[bflag:$0x0] =	sbarrier.arrive $0xFFFF  }
0xb3: {  	_ =	strace $0x90000050  }
0xb4: {  	s0 =	stileid.u32;
	[bflag:$0x2] =	sbarrier.arrive $0xFFFF  }
0xb5: {  	p0 =	sne.s32 s0, $0x0;
	s0 =	rddreg [dreg:$0x3]  }
0xb6: {  	s0 =	sadd.s32 @!p0 $0x100000, s0  }
0xb7: {  	[sflag:s0] =	ssyncadd.tile.s32 @!p0 $0x1;
	_ =	shalt  }
.Lfunc_end2:
_tile_overlayer_lowered:
.L_overlay_start_2:
0xb8: {  	(tag) =	ssettag $0x2  }
0xb9: {  	s0 =	rddreg [dreg:$0x0];
	s2 =	stileid.u32  }
0xba: {  	s1 =	rddreg [dreg:$0x1];
	p0 =	sne.s32 s2, $0x0  }
0xbb: {  	s3 =	rddreg [dreg:$0x2];
	[bflag:$0x3] =	sbarrier.arrive $0xFFFF;
	s2 =	simm.s32 @!p0 $0x1C0B  }
0xbc: {  	[timem:s3], [sflag:s2] =	dma.local @!p0 [hbm:s0], s1  }
0xbd: {  	s0 =	simm.s32 @!p0 $0xB  }
0xbe: {  	_ =	swait.ge @!p0 [sflag:s0], s1  }
0xbf: {  	s1 =	ssub.s32 @!p0 $0x0, s1;
	[sflag:s0] =	ssyncset.done @!p0 $0x0  }
0xc0: {  	[sflag:s0] =	ssyncadd.s32 @!p0 s1  }
0xc1: {  	[bflag:$0x3] =	sbarrier.arrive $0xFFFF  }
0xc2: {  	_ =	shalt  }

</sc_bundles>
